<compile_context>
chip_gen: v7x
topology: tpu7x:2x2x1
jax: 0.10.2.dev20260603
libtpu: 0.0.44.dev20260713+nightly
codegen_flags: <defaults>
</compile_context>

<pallas_src>
import functools

import jax
import jax.numpy as jnp
from jax import lax
from jax.experimental import pallas as pl
from jax.experimental.pallas import tpu as pltpu
from jax.experimental.pallas import tpu_sc as plsc

_N = 10000
_E = 320000
_D = 128
_R = 16

_NW = 16
_EPW = _E // _NW
_CH = 80
_NCHUNK = _EPW // _CH
_SLAB = 5
_ACC_W = 136
_NG = _CH // 16
_NP = 10112
_RPS = _NP // 16



def _proj_body(nf_ref, rw_ref, out_ref):
    out_ref[...] = jnp.dot(nf_ref[...].astype(jnp.bfloat16),
                           rw_ref[0].astype(jnp.bfloat16),
                           preferred_element_type=jnp.float32)


def _project(nfeat, relation_weight):
    bn = 2000
    return pl.pallas_call(
        _proj_body,
        grid=(_R, _N // bn),
        in_specs=[
            pl.BlockSpec((bn, _D), lambda r, b: (b, 0)),
            pl.BlockSpec((1, _D, _D), lambda r, b: (r, 0, 0)),
        ],
        out_specs=pl.BlockSpec((bn, _D), lambda r, b: (r * (_N // bn) + b, 0)),
        out_shape=jax.ShapeDtypeStruct((_R * _N, _D), jnp.float32),
    )(nfeat, relation_weight)



def _edge_body(xp_hbm, its_hbm, itd_hbm, src_hbm, dst_hbm, nf_hbm, ef_hbm,
               out_hbm,
               its_v, itd_v, src_v, dst_v, tr, hr, ef, m, acc,
               s1, s2, s3, s4):
    sid = lax.axis_index("s")
    wid = sid

    zeros16 = jnp.zeros((16,), jnp.float32)

    def _zm(e, c):
        for k in range(_D // 16):
            m[e, pl.ds(k * 16, 16)] = zeros16
        m[e, pl.ds(_ACC_W - 16, 16)] = zeros16
        return c
    lax.fori_loop(0, _CH, _zm, 0)

    for t in range(_RPS // _CH):
        pltpu.sync_copy(m, acc.at[pl.ds(sid * _RPS + t * _CH, _CH)])
    pltpu.sync_copy(m.at[pl.ds(0, _RPS % _CH)],
                    acc.at[pl.ds(sid * _RPS + (_RPS // _CH) * _CH,
                                 _RPS % _CH)])
    plsc.subcore_barrier()

    def _slab(jo, carry0):
        pltpu.sync_copy(its_hbm.at[wid, pl.ds(jo * _SLAB, _SLAB)], its_v)
        pltpu.sync_copy(itd_hbm.at[wid, pl.ds(jo * _SLAB, _SLAB)], itd_v)
        pltpu.sync_copy(src_hbm.at[wid, pl.ds(jo * _SLAB, _SLAB)], src_v)
        pltpu.sync_copy(dst_hbm.at[wid, pl.ds(jo * _SLAB, _SLAB)], dst_v)

        def _chunk(ji, carry):
            j = jo * _SLAB + ji
            c1 = pltpu.async_copy(xp_hbm.at[its_v.at[ji]], tr, s1)
            c2 = pltpu.async_copy(xp_hbm.at[itd_v.at[ji]], hr, s2)
            c4 = pltpu.async_copy(ef_hbm.at[pl.ds(wid * _EPW + j * _CH, _CH)],
                                  ef, s4)
            c1.wait()
            c2.wait()
            c4.wait()

            col128 = jnp.full((16,), 128, jnp.int32)
            eexps = []
            for g in range(_NG):
                rows = jnp.arange(16, dtype=jnp.int32) + g * 16

                def _att(d4, acc_v):
                    for u in range(4):
                        cols = jnp.full((16,), d4 * 4 + u, jnp.int32)
                        t = plsc.load_gather(tr, [rows, cols])
                        h = plsc.load_gather(hr, [rows, cols])
                        e_ = plsc.load_gather(ef, [rows, cols])
                        z = h + e_
                        ex2 = jnp.exp(z + z)
                        th = 1.0 - 2.0 / (ex2 + 1.0)
                        acc_v = acc_v + t * th
                    return acc_v

                att = lax.fori_loop(0, _D // 4, _att,
                                    jnp.zeros((16,), jnp.float32))
                eexp = jnp.exp(jnp.minimum(att, 90.0) - 60.0)
                eexps.append(eexp)
                plsc.store_scatter(m, [rows, col128], eexp)

            c3 = pltpu.async_copy(nf_hbm.at[src_v.at[ji]], hr, s3)
            c3.wait()

            for g in range(_NG):
                rows = jnp.arange(16, dtype=jnp.int32) + g * 16
                eexp = eexps[g]

                def _msg(d4, c):
                    for u in range(4):
                        cols = jnp.full((16,), d4 * 4 + u, jnp.int32)
                        nfc = plsc.load_gather(hr, [rows, cols])
                        plsc.store_scatter(m, [rows, cols], nfc * eexp)
                    return c

                lax.fori_loop(0, _D // 4, _msg, 0)

            pltpu.sync_copy(m, acc.at[dst_v.at[ji]], add=True)
            return carry

        lax.fori_loop(0, _SLAB, _chunk, 0)
        return carry0

    lax.fori_loop(0, _NCHUNK // _SLAB, _slab, 0)

    plsc.subcore_barrier()
    pltpu.sync_copy(acc.at[pl.ds(sid * _RPS, _RPS)],
                    out_hbm.at[pl.ds(sid * _RPS, _RPS)])


def _edge_pass(xp, its, itd, src_r, dst_r, nfeat, efeat):
    mesh = plsc.VectorSubcoreMesh(core_axis_name="c", subcore_axis_name="s",
                                  num_cores=1)
    f = functools.partial(
        pl.kernel,
        out_type=jax.ShapeDtypeStruct((_NP, _ACC_W), jnp.float32),
        mesh=mesh,
        compiler_params=pltpu.CompilerParams(needs_layout_passes=False,
                                             use_tc_tiling_on_sc=False),
        scratch_types=[
            pltpu.VMEM((_SLAB, _CH), jnp.int32),
            pltpu.VMEM((_SLAB, _CH), jnp.int32),
            pltpu.VMEM((_SLAB, _CH), jnp.int32),
            pltpu.VMEM((_SLAB, _CH), jnp.int32),
            pltpu.VMEM((_CH, _D), jnp.float32),
            pltpu.VMEM((_CH, _D), jnp.float32),
            pltpu.VMEM((_CH, _D), jnp.float32),
            pltpu.VMEM((_CH, _ACC_W), jnp.float32),
            pltpu.VMEM_SHARED((_NP, _ACC_W), jnp.float32),
            pltpu.SemaphoreType.DMA,
            pltpu.SemaphoreType.DMA,
            pltpu.SemaphoreType.DMA,
            pltpu.SemaphoreType.DMA,
        ],
    )(_edge_body)
    return f(xp, its, itd, src_r, dst_r, nfeat, efeat)



def _out_body(nf_ref, part_ref, wr_ref, wr2_ref, o_ref):
    p0 = part_ref[...]
    msg = p0[:, :128]
    den = p0[:, 128:129]
    hn = jnp.where(den > 0, msg / den, 0.0)
    x = nf_ref[...]
    hs = x + hn
    hm = x * hn
    a = lax.dot_general(hs.astype(jnp.bfloat16),
                        wr_ref[...].astype(jnp.bfloat16),
                        (((1,), (1,)), ((), ())),
                        preferred_element_type=jnp.float32)
    b = lax.dot_general(hm.astype(jnp.bfloat16),
                        wr2_ref[...].astype(jnp.bfloat16),
                        (((1,), (1,)), ((), ())),
                        preferred_element_type=jnp.float32)
    o_ref[...] = (jnp.where(a >= 0, a, 0.01 * a)
                  + jnp.where(b >= 0, b, 0.01 * b))


def _finish(nfeat, parts, W_res, W_res2):
    bn = 2000
    return pl.pallas_call(
        _out_body,
        grid=(_N // bn,),
        in_specs=[
            pl.BlockSpec((bn, _D), lambda i: (i, 0)),
            pl.BlockSpec((bn, _ACC_W), lambda i: (i, 0)),
            pl.BlockSpec((_D, _D), lambda i: (0, 0)),
            pl.BlockSpec((_D, _D), lambda i: (0, 0)),
        ],
        out_specs=pl.BlockSpec((bn, _D), lambda i: (i, 0)),
        out_shape=jax.ShapeDtypeStruct((_N, _D), jnp.float32),
    )(nfeat, parts, W_res, W_res2)



def kernel(nfeat, edge_index, edge_type, efeat, relation_weight, W_res,
           W_res2):
    src = edge_index[0].astype(jnp.int32)
    dst = edge_index[1].astype(jnp.int32)
    et = edge_type.astype(jnp.int32)
    its = (et * _N + src).reshape(_NW, _NCHUNK, _CH)
    itd = (et * _N + dst).reshape(_NW, _NCHUNK, _CH)
    src_r = src.reshape(_NW, _NCHUNK, _CH)
    dst_r = dst.reshape(_NW, _NCHUNK, _CH)
    xp = _project(nfeat, relation_weight)
    parts = _edge_pass(xp, its, itd, src_r, dst_r, nfeat, efeat)
    return _finish(nfeat, parts, W_res, W_res2)

# --- scband reference (transcript-rebuilt; emitter-appended) ---
"""Pipeline reference for scband-kgatconv-38001870635852 (READ-ONLY COPY).

The authoritative reference and input builder live on the scoring server;
editing this copy changes nothing except your own understanding.
"""

import jax, jax.numpy as jnp
import numpy as np

N = 10000
E = 320000
D = 128
R = 16


def setup_inputs(seed: int = 0) -> dict:
    key = jax.random.key(seed)
    k1, k2, k3, k4, k5, k6, k7 = jax.random.split(key, 7)
    nfeat = jax.random.normal(k1, (N, D), dtype=jnp.float32)
    edge_index = jax.random.randint(k2, (2, E), 0, N)
    edge_type = jax.random.randint(k3, (E,), 0, R)
    efeat = jax.random.normal(k4, (E, D), dtype=jnp.float32)
    # learned params (xavier-uniform-like scale for relation_weight, res_fc, res_fc_2)
    gain = np.sqrt(2.0)  # calculate_gain('relu')
    bound_rw = gain * np.sqrt(6.0 / (D + D))
    relation_weight = jax.random.uniform(k5, (R, D, D), dtype=jnp.float32, minval=-bound_rw, maxval=bound_rw)
    bound_fc = np.sqrt(1.0 / D)
    W_res = jax.random.uniform(k6, (D, D), dtype=jnp.float32, minval=-bound_fc, maxval=bound_fc)
    W_res2 = jax.random.uniform(k7, (D, D), dtype=jnp.float32, minval=-bound_fc, maxval=bound_fc)
    return {
        'nfeat': nfeat,
        'edge_index': edge_index,
        'edge_type': edge_type,
        'efeat': efeat,
        'relation_weight': relation_weight,
        'W_res': W_res,
        'W_res2': W_res2,
    }


def reference(nfeat, edge_index, edge_type, efeat, relation_weight, W_res, W_res2):
    # feat_drop = 0.0 -> identity (eval mode)
    src = edge_index[0]
    dst = edge_index[1]
    # per-relation projection of node features, then per-edge gather:
    # mathematically identical to gathering edge_W = relation_weight[edge_type]
    # and doing per-edge matvec (u_mul_e / v_mul_e with R_W), but avoids
    # materializing an [E, D, D] tensor.
    xp = jnp.einsum('nd,rdo->nro', nfeat, relation_weight)  # [N, R, D]
    t_r = xp[src, edge_type]  # W_r * h_src, [E, D]
    h_r = xp[dst, edge_type]  # W_r * h_dst, [E, D]
    # KGAT attention score per edge: (W_r h_t)^T tanh(W_r h_h + e_r)
    att_w = jnp.sum(t_r * jnp.tanh(h_r + efeat), axis=-1)  # [E]
    # edge softmax over incoming edges of each dst node
    seg_max = jax.ops.segment_max(att_w, dst, num_segments=N)
    att_shift = att_w - jax.lax.stop_gradient(seg_max[dst])
    e_exp = jnp.exp(att_shift)
    denom = jax.ops.segment_sum(e_exp, dst, num_segments=N)
    a = e_exp / denom[dst]  # [E]
    # message passing: m = h_src * a ; h_neighbor = sum over incoming edges
    m = nfeat[src] * a[:, None]
    h_neighbor = jax.ops.segment_sum(m, dst, num_segments=N)  # [N, D]
    # Bi-interaction residual
    h_sum = nfeat + h_neighbor
    h_mul = nfeat * h_neighbor
    out = jax.nn.leaky_relu(h_sum @ W_res.T) + jax.nn.leaky_relu(h_mul @ W_res2.T)
    return out


if False:  # reference __main__ guard neutralized (emitter)
    inp = setup_inputs()
    o = reference(**inp)
    print(o.shape, o.dtype)

if __name__ == "__main__":
    import jax
    _d = setup_inputs()
    print(jax.jit(kernel)(*tuple(_d.values())))

</pallas_src>

<mosaic_0001>
#map = affine_map<(d0, d1) -> (0, 0)>
#map1 = affine_map<(d0, d1) -> (0, 0, 0)>
module attributes {stable_mosaic.version = 14 : i64} {
  func.func @_edge_body(%arg0: i32, %arg1: i32, %arg2: memref<160000x128xf32, #tpu.memory_space<hbm>>, %arg3: memref<16x250x80xi32, #tpu.memory_space<hbm>>, %arg4: memref<16x250x80xi32, #tpu.memory_space<hbm>>, %arg5: memref<16x250x80xi32, #tpu.memory_space<hbm>>, %arg6: memref<16x250x80xi32, #tpu.memory_space<hbm>>, %arg7: memref<10000x128xf32, #tpu.memory_space<hbm>>, %arg8: memref<320000x128xf32, #tpu.memory_space<hbm>>, %arg9: memref<10112x136xf32, #tpu.memory_space<hbm>>, %arg10: memref<5x80xi32, #tpu.memory_space<vmem>>, %arg11: memref<5x80xi32, #tpu.memory_space<vmem>>, %arg12: memref<5x80xi32, #tpu.memory_space<vmem>>, %arg13: memref<5x80xi32, #tpu.memory_space<vmem>>, %arg14: memref<80x128xf32, #tpu.memory_space<vmem>>, %arg15: memref<80x128xf32, #tpu.memory_space<vmem>>, %arg16: memref<80x128xf32, #tpu.memory_space<vmem>>, %arg17: memref<80x136xf32, #tpu.memory_space<vmem>>, %arg18: memref<10112x136xf32, #tpu.memory_space<vmem_shared>>, %arg19: memref<!tpu.dma_semaphore, #tpu.memory_space<semaphore_mem>>, %arg20: memref<!tpu.dma_semaphore, #tpu.memory_space<semaphore_mem>>, %arg21: memref<!tpu.dma_semaphore, #tpu.memory_space<semaphore_mem>>, %arg22: memref<!tpu.dma_semaphore, #tpu.memory_space<semaphore_mem>>) attributes {dimension_semantics = [#tpu.dimension_semantics<core_parallel>, #tpu.dimension_semantics<subcore_parallel>], iteration_bounds = array<i64: 1, 16>, scalar_prefetch = 0 : i64, scratch_operands = 13 : i64, tpu.core_type = #tpu.core_type<sc_vector_subcore>, window_params = [{transform_indices = #map}, {transform_indices = #map1}, {transform_indices = #map1}, {transform_indices = #map1}, {transform_indices = #map1}, {transform_indices = #map}, {transform_indices = #map}, {transform_indices = #map}]} {
    %broadcast_in_dim3A = arith.constant 0.000000e+00 : f32
    %broadcast_in_dim3A_0 = vector.broadcast %broadcast_in_dim3A : f32 to vector<16xf32>
    %scan3A = arith.constant 0 : i32
    %scan3A_1 = arith.constant 0 : i32
    %scan3A_2 = arith.constant 80 : i32
    %scan3A_3 = arith.addi %scan3A_1, %scan3A_2 : i32
    %scan3A_4 = arith.constant 1 : i32
    scf.for %scan3A_47 = %scan3A_1 to %scan3A_3 step %scan3A_4  : i32 {
      %swap3A = arith.index_cast %scan3A_47 : i32 to index
      %swap3A_48 = arith.constant 0 : index
      %swap3A_49 = tpu.vector_load %arg17[%swap3A, %swap3A_48] {strides = array<i32>} : memref<80x136xf32, #tpu.memory_space<vmem>>, vector<16xf32>,
      tpu.vector_store %arg17[%swap3A, %swap3A_48], %broadcast_in_dim3A_0 {strides = array<i32>} : memref<80x136xf32, #tpu.memory_space<vmem>>, vector<16xf32>,
      %swap3A_50 = arith.index_cast %scan3A_47 : i32 to index
      %swap3A_51 = arith.constant 16 : index
      %swap3A_52 = tpu.vector_load %arg17[%swap3A_50, %swap3A_51] {strides = array<i32>} : memref<80x136xf32, #tpu.memory_space<vmem>>, vector<16xf32>,
      tpu.vector_store %arg17[%swap3A_50, %swap3A_51], %broadcast_in_dim3A_0 {strides = array<i32>} : memref<80x136xf32, #tpu.memory_space<vmem>>, vector<16xf32>,
      %swap3A_53 = arith.index_cast %scan3A_47 : i32 to index
      %swap3A_54 = arith.constant 32 : index
      %swap3A_55 = tpu.vector_load %arg17[%swap3A_53, %swap3A_54] {strides = array<i32>} : memref<80x136xf32, #tpu.memory_space<vmem>>, vector<16xf32>,
      tpu.vector_store %arg17[%swap3A_53, %swap3A_54], %broadcast_in_dim3A_0 {strides = array<i32>} : memref<80x136xf32, #tpu.memory_space<vmem>>, vector<16xf32>,
      %swap3A_56 = arith.index_cast %scan3A_47 : i32 to index
      %swap3A_57 = arith.constant 48 : index
      %swap3A_58 = tpu.vector_load %arg17[%swap3A_56, %swap3A_57] {strides = array<i32>} : memref<80x136xf32, #tpu.memory_space<vmem>>, vector<16xf32>,
      tpu.vector_store %arg17[%swap3A_56, %swap3A_57], %broadcast_in_dim3A_0 {strides = array<i32>} : memref<80x136xf32, #tpu.memory_space<vmem>>, vector<16xf32>,
      %swap3A_59 = arith.index_cast %scan3A_47 : i32 to index
      %swap3A_60 = arith.constant 64 : index
      %swap3A_61 = tpu.vector_load %arg17[%swap3A_59, %swap3A_60] {strides = array<i32>} : memref<80x136xf32, #tpu.memory_space<vmem>>, vector<16xf32>,
      tpu.vector_store %arg17[%swap3A_59, %swap3A_60], %broadcast_in_dim3A_0 {strides = array<i32>} : memref<80x136xf32, #tpu.memory_space<vmem>>, vector<16xf32>,
      %swap3A_62 = arith.index_cast %scan3A_47 : i32 to index
      %swap3A_63 = arith.constant 80 : index
      %swap3A_64 = tpu.vector_load %arg17[%swap3A_62, %swap3A_63] {strides = array<i32>} : memref<80x136xf32, #tpu.memory_space<vmem>>, vector<16xf32>,
      tpu.vector_store %arg17[%swap3A_62, %swap3A_63], %broadcast_in_dim3A_0 {strides = array<i32>} : memref<80x136xf32, #tpu.memory_space<vmem>>, vector<16xf32>,
      %swap3A_65 = arith.index_cast %scan3A_47 : i32 to index
      %swap3A_66 = arith.constant 96 : index
      %swap3A_67 = tpu.vector_load %arg17[%swap3A_65, %swap3A_66] {strides = array<i32>} : memref<80x136xf32, #tpu.memory_space<vmem>>, vector<16xf32>,
      tpu.vector_store %arg17[%swap3A_65, %swap3A_66], %broadcast_in_dim3A_0 {strides = array<i32>} : memref<80x136xf32, #tpu.memory_space<vmem>>, vector<16xf32>,
      %swap3A_68 = arith.index_cast %scan3A_47 : i32 to index
      %swap3A_69 = arith.constant 112 : index
      %swap3A_70 = tpu.vector_load %arg17[%swap3A_68, %swap3A_69] {strides = array<i32>} : memref<80x136xf32, #tpu.memory_space<vmem>>, vector<16xf32>,
      tpu.vector_store %arg17[%swap3A_68, %swap3A_69], %broadcast_in_dim3A_0 {strides = array<i32>} : memref<80x136xf32, #tpu.memory_space<vmem>>, vector<16xf32>,
      %swap3A_71 = arith.index_cast %scan3A_47 : i32 to index
      %swap3A_72 = arith.constant 120 : index
      %swap3A_73 = tpu.vector_load %arg17[%swap3A_71, %swap3A_72] {strides = array<i32>} : memref<80x136xf32, #tpu.memory_space<vmem>>, vector<16xf32>,
      tpu.vector_store %arg17[%swap3A_71, %swap3A_72], %broadcast_in_dim3A_0 {strides = array<i32>} : memref<80x136xf32, #tpu.memory_space<vmem>>, vector<16xf32>,
    }
    %scan3A_5 = arith.constant 80 : i32
    %mul3A = arith.constant 632 : i32
    %mul3A_6 = arith.muli %arg1, %mul3A : i32
    %add3A = arith.constant 0 : i32
    %add3A_7 = arith.addi %mul3A_6, %add3A : i32
    "tpu.region"() ({
      %run_scoped3A = tpu.sem_alloc : memref<!tpu.dma_semaphore, #tpu.memory_space<semaphore_mem>>
      %dma_start3A = arith.constant 0 : i32
      %dma_start3A_47 = tpu.memref_slice %arg18[%add3A_7, %dma_start3A] : memref<10112x136xf32, #tpu.memory_space<vmem_shared>> -> memref<80x136xf32, #tpu.memory_space<vmem_shared>>
      %dma_start3A_48 = arith.constant 0 : i32
      %dma_start3A_49 = tpu.memref_slice %arg18[%add3A_7, %dma_start3A_48] : memref<10112x136xf32, #tpu.memory_space<vmem_shared>> -> memref<80x136xf32, #tpu.memory_space<vmem_shared>>
      tpu.enqueue_dma source(%arg17 : memref<80x136xf32, #tpu.memory_space<vmem>>) target(%dma_start3A_49 : memref<80x136xf32, #tpu.memory_space<vmem_shared>>) target_semaphore(%run_scoped3A : memref<!tpu.dma_semaphore, #tpu.memory_space<semaphore_mem>>)
      %dma_wait3A = arith.constant 0 : i32
      %dma_wait3A_50 = tpu.memref_slice %arg18[%add3A_7, %dma_wait3A] : memref<10112x136xf32, #tpu.memory_space<vmem_shared>> -> memref<80x136xf32, #tpu.memory_space<vmem_shared>>
      %dma_wait3A_51 = arith.constant 0 : i32
      %dma_wait3A_52 = tpu.memref_slice %arg18[%add3A_7, %dma_wait3A_51] : memref<10112x136xf32, #tpu.memory_space<vmem_shared>> -> memref<80x136xf32, #tpu.memory_space<vmem_shared>>
      tpu.wait_dma2 semaphore(%run_scoped3A : memref<!tpu.dma_semaphore, #tpu.memory_space<semaphore_mem>>) src(%arg17 : memref<80x136xf32, #tpu.memory_space<vmem>>) dst(%dma_wait3A_52 : memref<80x136xf32, #tpu.memory_space<vmem_shared>>)
      tpu.yield
    }) : () -> ()
    %mul3A_8 = arith.constant 632 : i32
    %mul3A_9 = arith.muli %arg1, %mul3A_8 : i32
    %add3A_10 = arith.constant 80 : i32
    %add3A_11 = arith.addi %mul3A_9, %add3A_10 : i32
    "tpu.region"() ({
      %run_scoped3A = tpu.sem_alloc : memref<!tpu.dma_semaphore, #tpu.memory_space<semaphore_mem>>
      %dma_start3A = arith.constant 0 : i32
      %dma_start3A_47 = tpu.memref_slice %arg18[%add3A_11, %dma_start3A] : memref<10112x136xf32, #tpu.memory_space<vmem_shared>> -> memref<80x136xf32, #tpu.memory_space<vmem_shared>>
      %dma_start3A_48 = arith.constant 0 : i32
      %dma_start3A_49 = tpu.memref_slice %arg18[%add3A_11, %dma_start3A_48] : memref<10112x136xf32, #tpu.memory_space<vmem_shared>> -> memref<80x136xf32, #tpu.memory_space<vmem_shared>>
      tpu.enqueue_dma source(%arg17 : memref<80x136xf32, #tpu.memory_space<vmem>>) target(%dma_start3A_49 : memref<80x136xf32, #tpu.memory_space<vmem_shared>>) target_semaphore(%run_scoped3A : memref<!tpu.dma_semaphore, #tpu.memory_space<semaphore_mem>>)
      %dma_wait3A = arith.constant 0 : i32
      %dma_wait3A_50 = tpu.memref_slice %arg18[%add3A_11, %dma_wait3A] : memref<10112x136xf32, #tpu.memory_space<vmem_shared>> -> memref<80x136xf32, #tpu.memory_space<vmem_shared>>
      %dma_wait3A_51 = arith.constant 0 : i32
      %dma_wait3A_52 = tpu.memref_slice %arg18[%add3A_11, %dma_wait3A_51] : memref<10112x136xf32, #tpu.memory_space<vmem_shared>> -> memref<80x136xf32, #tpu.memory_space<vmem_shared>>
      tpu.wait_dma2 semaphore(%run_scoped3A : memref<!tpu.dma_semaphore, #tpu.memory_space<semaphore_mem>>) src(%arg17 : memref<80x136xf32, #tpu.memory_space<vmem>>) dst(%dma_wait3A_52 : memref<80x136xf32, #tpu.memory_space<vmem_shared>>)
      tpu.yield
    }) : () -> ()
    %mul3A_12 = arith.constant 632 : i32
    %mul3A_13 = arith.muli %arg1, %mul3A_12 : i32
    %add3A_14 = arith.constant 160 : i32
    %add3A_15 = arith.addi %mul3A_13, %add3A_14 : i32
    "tpu.region"() ({
      %run_scoped3A = tpu.sem_alloc : memref<!tpu.dma_semaphore, #tpu.memory_space<semaphore_mem>>
      %dma_start3A = arith.constant 0 : i32
      %dma_start3A_47 = tpu.memref_slice %arg18[%add3A_15, %dma_start3A] : memref<10112x136xf32, #tpu.memory_space<vmem_shared>> -> memref<80x136xf32, #tpu.memory_space<vmem_shared>>
      %dma_start3A_48 = arith.constant 0 : i32
      %dma_start3A_49 = tpu.memref_slice %arg18[%add3A_15, %dma_start3A_48] : memref<10112x136xf32, #tpu.memory_space<vmem_shared>> -> memref<80x136xf32, #tpu.memory_space<vmem_shared>>
      tpu.enqueue_dma source(%arg17 : memref<80x136xf32, #tpu.memory_space<vmem>>) target(%dma_start3A_49 : memref<80x136xf32, #tpu.memory_space<vmem_shared>>) target_semaphore(%run_scoped3A : memref<!tpu.dma_semaphore, #tpu.memory_space<semaphore_mem>>)
      %dma_wait3A = arith.constant 0 : i32
      %dma_wait3A_50 = tpu.memref_slice %arg18[%add3A_15, %dma_wait3A] : memref<10112x136xf32, #tpu.memory_space<vmem_shared>> -> memref<80x136xf32, #tpu.memory_space<vmem_shared>>
      %dma_wait3A_51 = arith.constant 0 : i32
      %dma_wait3A_52 = tpu.memref_slice %arg18[%add3A_15, %dma_wait3A_51] : memref<10112x136xf32, #tpu.memory_space<vmem_shared>> -> memref<80x136xf32, #tpu.memory_space<vmem_shared>>
      tpu.wait_dma2 semaphore(%run_scoped3A : memref<!tpu.dma_semaphore, #tpu.memory_space<semaphore_mem>>) src(%arg17 : memref<80x136xf32, #tpu.memory_space<vmem>>) dst(%dma_wait3A_52 : memref<80x136xf32, #tpu.memory_space<vmem_shared>>)
      tpu.yield
    }) : () -> ()
    %mul3A_16 = arith.constant 632 : i32
    %mul3A_17 = arith.muli %arg1, %mul3A_16 : i32
    %add3A_18 = arith.constant 240 : i32
    %add3A_19 = arith.addi %mul3A_17, %add3A_18 : i32
    "tpu.region"() ({
      %run_scoped3A = tpu.sem_alloc : memref<!tpu.dma_semaphore, #tpu.memory_space<semaphore_mem>>
      %dma_start3A = arith.constant 0 : i32
      %dma_start3A_47 = tpu.memref_slice %arg18[%add3A_19, %dma_start3A] : memref<10112x136xf32, #tpu.memory_space<vmem_shared>> -> memref<80x136xf32, #tpu.memory_space<vmem_shared>>
      %dma_start3A_48 = arith.constant 0 : i32
      %dma_start3A_49 = tpu.memref_slice %arg18[%add3A_19, %dma_start3A_48] : memref<10112x136xf32, #tpu.memory_space<vmem_shared>> -> memref<80x136xf32, #tpu.memory_space<vmem_shared>>
      tpu.enqueue_dma source(%arg17 : memref<80x136xf32, #tpu.memory_space<vmem>>) target(%dma_start3A_49 : memref<80x136xf32, #tpu.memory_space<vmem_shared>>) target_semaphore(%run_scoped3A : memref<!tpu.dma_semaphore, #tpu.memory_space<semaphore_mem>>)
      %dma_wait3A = arith.constant 0 : i32
      %dma_wait3A_50 = tpu.memref_slice %arg18[%add3A_19, %dma_wait3A] : memref<10112x136xf32, #tpu.memory_space<vmem_shared>> -> memref<80x136xf32, #tpu.memory_space<vmem_shared>>
      %dma_wait3A_51 = arith.constant 0 : i32
      %dma_wait3A_52 = tpu.memref_slice %arg18[%add3A_19, %dma_wait3A_51] : memref<10112x136xf32, #tpu.memory_space<vmem_shared>> -> memref<80x136xf32, #tpu.memory_space<vmem_shared>>
      tpu.wait_dma2 semaphore(%run_scoped3A : memref<!tpu.dma_semaphore, #tpu.memory_space<semaphore_mem>>) src(%arg17 : memref<80x136xf32, #tpu.memory_space<vmem>>) dst(%dma_wait3A_52 : memref<80x136xf32, #tpu.memory_space<vmem_shared>>)
      tpu.yield
    }) : () -> ()
    %mul3A_20 = arith.constant 632 : i32
    %mul3A_21 = arith.muli %arg1, %mul3A_20 : i32
    %add3A_22 = arith.constant 320 : i32
    %add3A_23 = arith.addi %mul3A_21, %add3A_22 : i32
    "tpu.region"() ({
      %run_scoped3A = tpu.sem_alloc : memref<!tpu.dma_semaphore, #tpu.memory_space<semaphore_mem>>
      %dma_start3A = arith.constant 0 : i32
      %dma_start3A_47 = tpu.memref_slice %arg18[%add3A_23, %dma_start3A] : memref<10112x136xf32, #tpu.memory_space<vmem_shared>> -> memref<80x136xf32, #tpu.memory_space<vmem_shared>>
      %dma_start3A_48 = arith.constant 0 : i32
      %dma_start3A_49 = tpu.memref_slice %arg18[%add3A_23, %dma_start3A_48] : memref<10112x136xf32, #tpu.memory_space<vmem_shared>> -> memref<80x136xf32, #tpu.memory_space<vmem_shared>>
      tpu.enqueue_dma source(%arg17 : memref<80x136xf32, #tpu.memory_space<vmem>>) target(%dma_start3A_49 : memref<80x136xf32, #tpu.memory_space<vmem_shared>>) target_semaphore(%run_scoped3A : memref<!tpu.dma_semaphore, #tpu.memory_space<semaphore_mem>>)
      %dma_wait3A = arith.constant 0 : i32
      %dma_wait3A_50 = tpu.memref_slice %arg18[%add3A_23, %dma_wait3A] : memref<10112x136xf32, #tpu.memory_space<vmem_shared>> -> memref<80x136xf32, #tpu.memory_space<vmem_shared>>
      %dma_wait3A_51 = arith.constant 0 : i32
      %dma_wait3A_52 = tpu.memref_slice %arg18[%add3A_23, %dma_wait3A_51] : memref<10112x136xf32, #tpu.memory_space<vmem_shared>> -> memref<80x136xf32, #tpu.memory_space<vmem_shared>>
      tpu.wait_dma2 semaphore(%run_scoped3A : memref<!tpu.dma_semaphore, #tpu.memory_space<semaphore_mem>>) src(%arg17 : memref<80x136xf32, #tpu.memory_space<vmem>>) dst(%dma_wait3A_52 : memref<80x136xf32, #tpu.memory_space<vmem_shared>>)
      tpu.yield
    }) : () -> ()
    %mul3A_24 = arith.constant 632 : i32
    %mul3A_25 = arith.muli %arg1, %mul3A_24 : i32
    %add3A_26 = arith.constant 400 : i32
    %add3A_27 = arith.addi %mul3A_25, %add3A_26 : i32
    "tpu.region"() ({
      %run_scoped3A = tpu.sem_alloc : memref<!tpu.dma_semaphore, #tpu.memory_space<semaphore_mem>>
      %dma_start3A = arith.constant 0 : i32
      %dma_start3A_47 = tpu.memref_slice %arg18[%add3A_27, %dma_start3A] : memref<10112x136xf32, #tpu.memory_space<vmem_shared>> -> memref<80x136xf32, #tpu.memory_space<vmem_shared>>
      %dma_start3A_48 = arith.constant 0 : i32
      %dma_start3A_49 = tpu.memref_slice %arg18[%add3A_27, %dma_start3A_48] : memref<10112x136xf32, #tpu.memory_space<vmem_shared>> -> memref<80x136xf32, #tpu.memory_space<vmem_shared>>
      tpu.enqueue_dma source(%arg17 : memref<80x136xf32, #tpu.memory_space<vmem>>) target(%dma_start3A_49 : memref<80x136xf32, #tpu.memory_space<vmem_shared>>) target_semaphore(%run_scoped3A : memref<!tpu.dma_semaphore, #tpu.memory_space<semaphore_mem>>)
      %dma_wait3A = arith.constant 0 : i32
      %dma_wait3A_50 = tpu.memref_slice %arg18[%add3A_27, %dma_wait3A] : memref<10112x136xf32, #tpu.memory_space<vmem_shared>> -> memref<80x136xf32, #tpu.memory_space<vmem_shared>>
      %dma_wait3A_51 = arith.constant 0 : i32
      %dma_wait3A_52 = tpu.memref_slice %arg18[%add3A_27, %dma_wait3A_51] : memref<10112x136xf32, #tpu.memory_space<vmem_shared>> -> memref<80x136xf32, #tpu.memory_space<vmem_shared>>
      tpu.wait_dma2 semaphore(%run_scoped3A : memref<!tpu.dma_semaphore, #tpu.memory_space<semaphore_mem>>) src(%arg17 : memref<80x136xf32, #tpu.memory_space<vmem>>) dst(%dma_wait3A_52 : memref<80x136xf32, #tpu.memory_space<vmem_shared>>)
      tpu.yield
    }) : () -> ()
    %mul3A_28 = arith.constant 632 : i32
    %mul3A_29 = arith.muli %arg1, %mul3A_28 : i32
    %add3A_30 = arith.constant 480 : i32
    %add3A_31 = arith.addi %mul3A_29, %add3A_30 : i32
    "tpu.region"() ({
      %run_scoped3A = tpu.sem_alloc : memref<!tpu.dma_semaphore, #tpu.memory_space<semaphore_mem>>
      %dma_start3A = arith.constant 0 : i32
      %dma_start3A_47 = tpu.memref_slice %arg18[%add3A_31, %dma_start3A] : memref<10112x136xf32, #tpu.memory_space<vmem_shared>> -> memref<80x136xf32, #tpu.memory_space<vmem_shared>>
      %dma_start3A_48 = arith.constant 0 : i32
      %dma_start3A_49 = tpu.memref_slice %arg18[%add3A_31, %dma_start3A_48] : memref<10112x136xf32, #tpu.memory_space<vmem_shared>> -> memref<80x136xf32, #tpu.memory_space<vmem_shared>>
      tpu.enqueue_dma source(%arg17 : memref<80x136xf32, #tpu.memory_space<vmem>>) target(%dma_start3A_49 : memref<80x136xf32, #tpu.memory_space<vmem_shared>>) target_semaphore(%run_scoped3A : memref<!tpu.dma_semaphore, #tpu.memory_space<semaphore_mem>>)
      %dma_wait3A = arith.constant 0 : i32
      %dma_wait3A_50 = tpu.memref_slice %arg18[%add3A_31, %dma_wait3A] : memref<10112x136xf32, #tpu.memory_space<vmem_shared>> -> memref<80x136xf32, #tpu.memory_space<vmem_shared>>
      %dma_wait3A_51 = arith.constant 0 : i32
      %dma_wait3A_52 = tpu.memref_slice %arg18[%add3A_31, %dma_wait3A_51] : memref<10112x136xf32, #tpu.memory_space<vmem_shared>> -> memref<80x136xf32, #tpu.memory_space<vmem_shared>>
      tpu.wait_dma2 semaphore(%run_scoped3A : memref<!tpu.dma_semaphore, #tpu.memory_space<semaphore_mem>>) src(%arg17 : memref<80x136xf32, #tpu.memory_space<vmem>>) dst(%dma_wait3A_52 : memref<80x136xf32, #tpu.memory_space<vmem_shared>>)
      tpu.yield
    }) : () -> ()
    %mul3A_32 = arith.constant 632 : i32
    %mul3A_33 = arith.muli %arg1, %mul3A_32 : i32
    %add3A_34 = arith.constant 560 : i32
    %add3A_35 = arith.addi %mul3A_33, %add3A_34 : i32
    "tpu.region"() ({
      %run_scoped3A = tpu.sem_alloc : memref<!tpu.dma_semaphore, #tpu.memory_space<semaphore_mem>>
      %dma_start3A = arith.constant 0 : i32
      %dma_start3A_47 = arith.constant 0 : i32
      %dma_start3A_48 = tpu.memref_slice %arg17[%dma_start3A, %dma_start3A_47] : memref<80x136xf32, #tpu.memory_space<vmem>> -> memref<72x136xf32, #tpu.memory_space<vmem>>
      %dma_start3A_49 = arith.constant 0 : i32
      %dma_start3A_50 = tpu.memref_slice %arg18[%add3A_35, %dma_start3A_49] : memref<10112x136xf32, #tpu.memory_space<vmem_shared>> -> memref<72x136xf32, #tpu.memory_space<vmem_shared>>
      %dma_start3A_51 = arith.constant 0 : i32
      %dma_start3A_52 = tpu.memref_slice %arg18[%add3A_35, %dma_start3A_51] : memref<10112x136xf32, #tpu.memory_space<vmem_shared>> -> memref<72x136xf32, #tpu.memory_space<vmem_shared>>
      %dma_start3A_53 = arith.constant 0 : i32
      %dma_start3A_54 = arith.constant 0 : i32
      %dma_start3A_55 = tpu.memref_slice %arg17[%dma_start3A_53, %dma_start3A_54] : memref<80x136xf32, #tpu.memory_space<vmem>> -> memref<72x136xf32, #tpu.memory_space<vmem>>
      tpu.enqueue_dma source(%dma_start3A_55 : memref<72x136xf32, #tpu.memory_space<vmem>>) target(%dma_start3A_52 : memref<72x136xf32, #tpu.memory_space<vmem_shared>>) target_semaphore(%run_scoped3A : memref<!tpu.dma_semaphore, #tpu.memory_space<semaphore_mem>>)
      %dma_wait3A = arith.constant 0 : i32
      %dma_wait3A_56 = arith.constant 0 : i32
      %dma_wait3A_57 = tpu.memref_slice %arg17[%dma_wait3A, %dma_wait3A_56] : memref<80x136xf32, #tpu.memory_space<vmem>> -> memref<72x136xf32, #tpu.memory_space<vmem>>
      %dma_wait3A_58 = arith.constant 0 : i32
      %dma_wait3A_59 = tpu.memref_slice %arg18[%add3A_35, %dma_wait3A_58] : memref<10112x136xf32, #tpu.memory_space<vmem_shared>> -> memref<72x136xf32, #tpu.memory_space<vmem_shared>>
      %dma_wait3A_60 = arith.constant 0 : i32
      %dma_wait3A_61 = tpu.memref_slice %arg18[%add3A_35, %dma_wait3A_60] : memref<10112x136xf32, #tpu.memory_space<vmem_shared>> -> memref<72x136xf32, #tpu.memory_space<vmem_shared>>
      %dma_wait3A_62 = arith.constant 0 : i32
      %dma_wait3A_63 = arith.constant 0 : i32
      %dma_wait3A_64 = tpu.memref_slice %arg17[%dma_wait3A_62, %dma_wait3A_63] : memref<80x136xf32, #tpu.memory_space<vmem>> -> memref<72x136xf32, #tpu.memory_space<vmem>>
      tpu.wait_dma2 semaphore(%run_scoped3A : memref<!tpu.dma_semaphore, #tpu.memory_space<semaphore_mem>>) src(%dma_wait3A_64 : memref<72x136xf32, #tpu.memory_space<vmem>>) dst(%dma_wait3A_61 : memref<72x136xf32, #tpu.memory_space<vmem_shared>>)
      tpu.yield
    }) : () -> ()
    %barrier3A = arith.constant 0 : index
    tpu.barrier barrier_id(%barrier3A)
    %scan3A_36 = arith.constant 0 : i32
    %scan3A_37 = arith.constant 0 : i32
    %scan3A_38 = arith.constant 50 : i32
    %scan3A_39 = arith.addi %scan3A_37, %scan3A_38 : i32
    %scan3A_40 = arith.constant 1 : i32
    scf.for %scan3A_47 = %scan3A_37 to %scan3A_39 step %scan3A_40  : i32 {
      %mul3A_48 = arith.constant 5 : i32
      %mul3A_49 = arith.muli %scan3A_47, %mul3A_48 : i32
      "tpu.region"() ({
        %run_scoped3A = tpu.sem_alloc : memref<!tpu.dma_semaphore, #tpu.memory_space<semaphore_mem>>
        %dma_start3A = arith.constant 0 : i32
        %dma_start3A_62 = tpu.memref_slice %arg3[%arg1, %mul3A_49, %dma_start3A] : memref<16x250x80xi32, #tpu.memory_space<hbm>> -> memref<1x5x80xi32, #tpu.memory_space<hbm>>
        %dma_start3A_63 = tpu.memref_squeeze %dma_start3A_62 : memref<1x5x80xi32, #tpu.memory_space<hbm>> -> memref<5x80xi32, #tpu.memory_space<hbm>>
        %dma_start3A_64 = arith.constant 0 : i32
        %dma_start3A_65 = tpu.memref_slice %arg3[%arg1, %mul3A_49, %dma_start3A_64] : memref<16x250x80xi32, #tpu.memory_space<hbm>> -> memref<1x5x80xi32, #tpu.memory_space<hbm>>
        %dma_start3A_66 = tpu.memref_squeeze %dma_start3A_65 : memref<1x5x80xi32, #tpu.memory_space<hbm>> -> memref<5x80xi32, #tpu.memory_space<hbm>>
        tpu.enqueue_dma source(%dma_start3A_66 : memref<5x80xi32, #tpu.memory_space<hbm>>) target(%arg10 : memref<5x80xi32, #tpu.memory_space<vmem>>) target_semaphore(%run_scoped3A : memref<!tpu.dma_semaphore, #tpu.memory_space<semaphore_mem>>)
        %dma_wait3A = arith.constant 0 : i32
        %dma_wait3A_67 = tpu.memref_slice %arg3[%arg1, %mul3A_49, %dma_wait3A] : memref<16x250x80xi32, #tpu.memory_space<hbm>> -> memref<1x5x80xi32, #tpu.memory_space<hbm>>
        %dma_wait3A_68 = tpu.memref_squeeze %dma_wait3A_67 : memref<1x5x80xi32, #tpu.memory_space<hbm>> -> memref<5x80xi32, #tpu.memory_space<hbm>>
        %dma_wait3A_69 = arith.constant 0 : i32
        %dma_wait3A_70 = tpu.memref_slice %arg3[%arg1, %mul3A_49, %dma_wait3A_69] : memref<16x250x80xi32, #tpu.memory_space<hbm>> -> memref<1x5x80xi32, #tpu.memory_space<hbm>>
        %dma_wait3A_71 = tpu.memref_squeeze %dma_wait3A_70 : memref<1x5x80xi32, #tpu.memory_space<hbm>> -> memref<5x80xi32, #tpu.memory_space<hbm>>
        tpu.wait_dma2 semaphore(%run_scoped3A : memref<!tpu.dma_semaphore, #tpu.memory_space<semaphore_mem>>) src(%dma_wait3A_71 : memref<5x80xi32, #tpu.memory_space<hbm>>) dst(%arg10 : memref<5x80xi32, #tpu.memory_space<vmem>>)
        tpu.yield
      }) : () -> ()
      %mul3A_50 = arith.constant 5 : i32
      %mul3A_51 = arith.muli %scan3A_47, %mul3A_50 : i32
      "tpu.region"() ({
        %run_scoped3A = tpu.sem_alloc : memref<!tpu.dma_semaphore, #tpu.memory_space<semaphore_mem>>
        %dma_start3A = arith.constant 0 : i32
        %dma_start3A_62 = tpu.memref_slice %arg4[%arg1, %mul3A_51, %dma_start3A] : memref<16x250x80xi32, #tpu.memory_space<hbm>> -> memref<1x5x80xi32, #tpu.memory_space<hbm>>
        %dma_start3A_63 = tpu.memref_squeeze %dma_start3A_62 : memref<1x5x80xi32, #tpu.memory_space<hbm>> -> memref<5x80xi32, #tpu.memory_space<hbm>>
        %dma_start3A_64 = arith.constant 0 : i32
        %dma_start3A_65 = tpu.memref_slice %arg4[%arg1, %mul3A_51, %dma_start3A_64] : memref<16x250x80xi32, #tpu.memory_space<hbm>> -> memref<1x5x80xi32, #tpu.memory_space<hbm>>
        %dma_start3A_66 = tpu.memref_squeeze %dma_start3A_65 : memref<1x5x80xi32, #tpu.memory_space<hbm>> -> memref<5x80xi32, #tpu.memory_space<hbm>>
        tpu.enqueue_dma source(%dma_start3A_66 : memref<5x80xi32, #tpu.memory_space<hbm>>) target(%arg11 : memref<5x80xi32, #tpu.memory_space<vmem>>) target_semaphore(%run_scoped3A : memref<!tpu.dma_semaphore, #tpu.memory_space<semaphore_mem>>)
        %dma_wait3A = arith.constant 0 : i32
        %dma_wait3A_67 = tpu.memref_slice %arg4[%arg1, %mul3A_51, %dma_wait3A] : memref<16x250x80xi32, #tpu.memory_space<hbm>> -> memref<1x5x80xi32, #tpu.memory_space<hbm>>
        %dma_wait3A_68 = tpu.memref_squeeze %dma_wait3A_67 : memref<1x5x80xi32, #tpu.memory_space<hbm>> -> memref<5x80xi32, #tpu.memory_space<hbm>>
        %dma_wait3A_69 = arith.constant 0 : i32
        %dma_wait3A_70 = tpu.memref_slice %arg4[%arg1, %mul3A_51, %dma_wait3A_69] : memref<16x250x80xi32, #tpu.memory_space<hbm>> -> memref<1x5x80xi32, #tpu.memory_space<hbm>>
        %dma_wait3A_71 = tpu.memref_squeeze %dma_wait3A_70 : memref<1x5x80xi32, #tpu.memory_space<hbm>> -> memref<5x80xi32, #tpu.memory_space<hbm>>
        tpu.wait_dma2 semaphore(%run_scoped3A : memref<!tpu.dma_semaphore, #tpu.memory_space<semaphore_mem>>) src(%dma_wait3A_71 : memref<5x80xi32, #tpu.memory_space<hbm>>) dst(%arg11 : memref<5x80xi32, #tpu.memory_space<vmem>>)
        tpu.yield
      }) : () -> ()
      %mul3A_52 = arith.constant 5 : i32
      %mul3A_53 = arith.muli %scan3A_47, %mul3A_52 : i32
      "tpu.region"() ({
        %run_scoped3A = tpu.sem_alloc : memref<!tpu.dma_semaphore, #tpu.memory_space<semaphore_mem>>
        %dma_start3A = arith.constant 0 : i32
        %dma_start3A_62 = tpu.memref_slice %arg5[%arg1, %mul3A_53, %dma_start3A] : memref<16x250x80xi32, #tpu.memory_space<hbm>> -> memref<1x5x80xi32, #tpu.memory_space<hbm>>
        %dma_start3A_63 = tpu.memref_squeeze %dma_start3A_62 : memref<1x5x80xi32, #tpu.memory_space<hbm>> -> memref<5x80xi32, #tpu.memory_space<hbm>>
        %dma_start3A_64 = arith.constant 0 : i32
        %dma_start3A_65 = tpu.memref_slice %arg5[%arg1, %mul3A_53, %dma_start3A_64] : memref<16x250x80xi32, #tpu.memory_space<hbm>> -> memref<1x5x80xi32, #tpu.memory_space<hbm>>
        %dma_start3A_66 = tpu.memref_squeeze %dma_start3A_65 : memref<1x5x80xi32, #tpu.memory_space<hbm>> -> memref<5x80xi32, #tpu.memory_space<hbm>>
        tpu.enqueue_dma source(%dma_start3A_66 : memref<5x80xi32, #tpu.memory_space<hbm>>) target(%arg12 : memref<5x80xi32, #tpu.memory_space<vmem>>) target_semaphore(%run_scoped3A : memref<!tpu.dma_semaphore, #tpu.memory_space<semaphore_mem>>)
        %dma_wait3A = arith.constant 0 : i32
        %dma_wait3A_67 = tpu.memref_slice %arg5[%arg1, %mul3A_53, %dma_wait3A] : memref<16x250x80xi32, #tpu.memory_space<hbm>> -> memref<1x5x80xi32, #tpu.memory_space<hbm>>
        %dma_wait3A_68 = tpu.memref_squeeze %dma_wait3A_67 : memref<1x5x80xi32, #tpu.memory_space<hbm>> -> memref<5x80xi32, #tpu.memory_space<hbm>>
        %dma_wait3A_69 = arith.constant 0 : i32
        %dma_wait3A_70 = tpu.memref_slice %arg5[%arg1, %mul3A_53, %dma_wait3A_69] : memref<16x250x80xi32, #tpu.memory_space<hbm>> -> memref<1x5x80xi32, #tpu.memory_space<hbm>>
        %dma_wait3A_71 = tpu.memref_squeeze %dma_wait3A_70 : memref<1x5x80xi32, #tpu.memory_space<hbm>> -> memref<5x80xi32, #tpu.memory_space<hbm>>
        tpu.wait_dma2 semaphore(%run_scoped3A : memref<!tpu.dma_semaphore, #tpu.memory_space<semaphore_mem>>) src(%dma_wait3A_71 : memref<5x80xi32, #tpu.memory_space<hbm>>) dst(%arg12 : memref<5x80xi32, #tpu.memory_space<vmem>>)
        tpu.yield
      }) : () -> ()
      %mul3A_54 = arith.constant 5 : i32
      %mul3A_55 = arith.muli %scan3A_47, %mul3A_54 : i32
      "tpu.region"() ({
        %run_scoped3A = tpu.sem_alloc : memref<!tpu.dma_semaphore, #tpu.memory_space<semaphore_mem>>
        %dma_start3A = arith.constant 0 : i32
        %dma_start3A_62 = tpu.memref_slice %arg6[%arg1, %mul3A_55, %dma_start3A] : memref<16x250x80xi32, #tpu.memory_space<hbm>> -> memref<1x5x80xi32, #tpu.memory_space<hbm>>
        %dma_start3A_63 = tpu.memref_squeeze %dma_start3A_62 : memref<1x5x80xi32, #tpu.memory_space<hbm>> -> memref<5x80xi32, #tpu.memory_space<hbm>>
        %dma_start3A_64 = arith.constant 0 : i32
        %dma_start3A_65 = tpu.memref_slice %arg6[%arg1, %mul3A_55, %dma_start3A_64] : memref<16x250x80xi32, #tpu.memory_space<hbm>> -> memref<1x5x80xi32, #tpu.memory_space<hbm>>
        %dma_start3A_66 = tpu.memref_squeeze %dma_start3A_65 : memref<1x5x80xi32, #tpu.memory_space<hbm>> -> memref<5x80xi32, #tpu.memory_space<hbm>>
        tpu.enqueue_dma source(%dma_start3A_66 : memref<5x80xi32, #tpu.memory_space<hbm>>) target(%arg13 : memref<5x80xi32, #tpu.memory_space<vmem>>) target_semaphore(%run_scoped3A : memref<!tpu.dma_semaphore, #tpu.memory_space<semaphore_mem>>)
        %dma_wait3A = arith.constant 0 : i32
        %dma_wait3A_67 = tpu.memref_slice %arg6[%arg1, %mul3A_55, %dma_wait3A] : memref<16x250x80xi32, #tpu.memory_space<hbm>> -> memref<1x5x80xi32, #tpu.memory_space<hbm>>
        %dma_wait3A_68 = tpu.memref_squeeze %dma_wait3A_67 : memref<1x5x80xi32, #tpu.memory_space<hbm>> -> memref<5x80xi32, #tpu.memory_space<hbm>>
        %dma_wait3A_69 = arith.constant 0 : i32
        %dma_wait3A_70 = tpu.memref_slice %arg6[%arg1, %mul3A_55, %dma_wait3A_69] : memref<16x250x80xi32, #tpu.memory_space<hbm>> -> memref<1x5x80xi32, #tpu.memory_space<hbm>>
        %dma_wait3A_71 = tpu.memref_squeeze %dma_wait3A_70 : memref<1x5x80xi32, #tpu.memory_space<hbm>> -> memref<5x80xi32, #tpu.memory_space<hbm>>
        tpu.wait_dma2 semaphore(%run_scoped3A : memref<!tpu.dma_semaphore, #tpu.memory_space<semaphore_mem>>) src(%dma_wait3A_71 : memref<5x80xi32, #tpu.memory_space<hbm>>) dst(%arg13 : memref<5x80xi32, #tpu.memory_space<vmem>>)
        tpu.yield
      }) : () -> ()
      %scan3A_56 = arith.constant 0 : i32
      %scan3A_57 = arith.constant 0 : i32
      %scan3A_58 = arith.constant 5 : i32
      %scan3A_59 = arith.addi %scan3A_57, %scan3A_58 : i32
      %scan3A_60 = arith.constant 1 : i32
      scf.for %scan3A_62 = %scan3A_57 to %scan3A_59 step %scan3A_60  : i32 {
        %mul3A_63 = arith.constant 5 : i32
        %mul3A_64 = arith.muli %scan3A_47, %mul3A_63 : i32
        %add3A_65 = arith.addi %mul3A_64, %scan3A_62 : i32
        %dma_start3A = arith.constant 0 : i32
        %dma_start3A_66 = tpu.memref_slice %arg10[%scan3A_62, %dma_start3A] : memref<5x80xi32, #tpu.memory_space<vmem>> -> memref<1x80xi32, #tpu.memory_space<vmem>>
        %dma_start3A_67 = tpu.memref_squeeze %dma_start3A_66 : memref<1x80xi32, #tpu.memory_space<vmem>> -> memref<80xi32, #tpu.memory_space<vmem>>
        %dma_start3A_68 = arith.constant 0 : i32
        %dma_start3A_69 = arith.constant 0 : i32
        %dma_start3A_70 = tpu.memref_slice %arg2[%dma_start3A_68, %dma_start3A_69] : memref<160000x128xf32, #tpu.memory_space<hbm>> -> memref<160000x128xf32, #tpu.memory_space<hbm>>
        tpu.enqueue_indirect_dma source(%dma_start3A_70 : memref<160000x128xf32, #tpu.memory_space<hbm>>) target(%arg14 : memref<80x128xf32, #tpu.memory_space<vmem>>) offsets(%dma_start3A_67 : memref<80xi32, #tpu.memory_space<vmem>>) semaphore(%arg19 : memref<!tpu.dma_semaphore, #tpu.memory_space<semaphore_mem>>)
        %dma_start3A_71 = arith.constant 0 : i32
        %dma_start3A_72 = tpu.memref_slice %arg11[%scan3A_62, %dma_start3A_71] : memref<5x80xi32, #tpu.memory_space<vmem>> -> memref<1x80xi32, #tpu.memory_space<vmem>>
        %dma_start3A_73 = tpu.memref_squeeze %dma_start3A_72 : memref<1x80xi32, #tpu.memory_space<vmem>> -> memref<80xi32, #tpu.memory_space<vmem>>
        %dma_start3A_74 = arith.constant 0 : i32
        %dma_start3A_75 = arith.constant 0 : i32
        %dma_start3A_76 = tpu.memref_slice %arg2[%dma_start3A_74, %dma_start3A_75] : memref<160000x128xf32, #tpu.memory_space<hbm>> -> memref<160000x128xf32, #tpu.memory_space<hbm>>
        tpu.enqueue_indirect_dma source(%dma_start3A_76 : memref<160000x128xf32, #tpu.memory_space<hbm>>) target(%arg15 : memref<80x128xf32, #tpu.memory_space<vmem>>) offsets(%dma_start3A_73 : memref<80xi32, #tpu.memory_space<vmem>>) semaphore(%arg20 : memref<!tpu.dma_semaphore, #tpu.memory_space<semaphore_mem>>)
        %mul3A_77 = arith.constant 20000 : i32
        %mul3A_78 = arith.muli %arg1, %mul3A_77 : i32
        %mul3A_79 = arith.constant 80 : i32
        %mul3A_80 = arith.muli %add3A_65, %mul3A_79 : i32
        %add3A_81 = arith.addi %mul3A_78, %mul3A_80 : i32
        %dma_start3A_82 = arith.constant 0 : i32
        %dma_start3A_83 = tpu.memref_slice %arg8[%add3A_81, %dma_start3A_82] : memref<320000x128xf32, #tpu.memory_space<hbm>> -> memref<80x128xf32, #tpu.memory_space<hbm>>
        %dma_start3A_84 = arith.constant 0 : i32
        %dma_start3A_85 = tpu.memref_slice %arg8[%add3A_81, %dma_start3A_84] : memref<320000x128xf32, #tpu.memory_space<hbm>> -> memref<80x128xf32, #tpu.memory_space<hbm>>
        tpu.enqueue_dma source(%dma_start3A_85 : memref<80x128xf32, #tpu.memory_space<hbm>>) target(%arg16 : memref<80x128xf32, #tpu.memory_space<vmem>>) target_semaphore(%arg22 : memref<!tpu.dma_semaphore, #tpu.memory_space<semaphore_mem>>)
        %dma_wait3A = arith.constant 0 : i32
        %dma_wait3A_86 = tpu.memref_slice %arg10[%scan3A_62, %dma_wait3A] : memref<5x80xi32, #tpu.memory_space<vmem>> -> memref<1x80xi32, #tpu.memory_space<vmem>>
        %dma_wait3A_87 = tpu.memref_squeeze %dma_wait3A_86 : memref<1x80xi32, #tpu.memory_space<vmem>> -> memref<80xi32, #tpu.memory_space<vmem>>
        %dma_wait3A_88 = arith.constant 0 : i32
        %dma_wait3A_89 = arith.constant 0 : i32
        %dma_wait3A_90 = tpu.memref_slice %arg2[%dma_wait3A_88, %dma_wait3A_89] : memref<160000x128xf32, #tpu.memory_space<hbm>> -> memref<160000x128xf32, #tpu.memory_space<hbm>>
        tpu.wait_indirect_dma semaphore(%arg19 : memref<!tpu.dma_semaphore, #tpu.memory_space<semaphore_mem>>) src(%dma_wait3A_90 : memref<160000x128xf32, #tpu.memory_space<hbm>>) dst(%arg14 : memref<80x128xf32, #tpu.memory_space<vmem>>)
        %dma_wait3A_91 = arith.constant 0 : i32
        %dma_wait3A_92 = tpu.memref_slice %arg11[%scan3A_62, %dma_wait3A_91] : memref<5x80xi32, #tpu.memory_space<vmem>> -> memref<1x80xi32, #tpu.memory_space<vmem>>
        %dma_wait3A_93 = tpu.memref_squeeze %dma_wait3A_92 : memref<1x80xi32, #tpu.memory_space<vmem>> -> memref<80xi32, #tpu.memory_space<vmem>>
        %dma_wait3A_94 = arith.constant 0 : i32
        %dma_wait3A_95 = arith.constant 0 : i32
        %dma_wait3A_96 = tpu.memref_slice %arg2[%dma_wait3A_94, %dma_wait3A_95] : memref<160000x128xf32, #tpu.memory_space<hbm>> -> memref<160000x128xf32, #tpu.memory_space<hbm>>
        tpu.wait_indirect_dma semaphore(%arg20 : memref<!tpu.dma_semaphore, #tpu.memory_space<semaphore_mem>>) src(%dma_wait3A_96 : memref<160000x128xf32, #tpu.memory_space<hbm>>) dst(%arg15 : memref<80x128xf32, #tpu.memory_space<vmem>>)
        %dma_wait3A_97 = arith.constant 0 : i32
        %dma_wait3A_98 = tpu.memref_slice %arg8[%add3A_81, %dma_wait3A_97] : memref<320000x128xf32, #tpu.memory_space<hbm>> -> memref<80x128xf32, #tpu.memory_space<hbm>>
        %dma_wait3A_99 = arith.constant 0 : i32
        %dma_wait3A_100 = tpu.memref_slice %arg8[%add3A_81, %dma_wait3A_99] : memref<320000x128xf32, #tpu.memory_space<hbm>> -> memref<80x128xf32, #tpu.memory_space<hbm>>
        tpu.wait_dma2 semaphore(%arg22 : memref<!tpu.dma_semaphore, #tpu.memory_space<semaphore_mem>>) src(%dma_wait3A_100 : memref<80x128xf32, #tpu.memory_space<hbm>>) dst(%arg16 : memref<80x128xf32, #tpu.memory_space<vmem>>)
        %broadcast_in_dim3A_101 = arith.constant 128 : i32
        %broadcast_in_dim3A_102 = vector.broadcast %broadcast_in_dim3A_101 : i32 to vector<16xi32>
        %iota3A = tpu.iota {dimensions = array<i32: 0>} : vector<16xi32>
        %add3A_103 = arith.constant 0 : i32
        %add3A_104 = vector.broadcast %add3A_103 : i32 to vector<16xi32>
        %add3A_105 = arith.addi %iota3A, %add3A_104 : vector<16xi32>
        %broadcast_in_dim3A_106 = arith.constant 0.000000e+00 : f32
        %broadcast_in_dim3A_107 = vector.broadcast %broadcast_in_dim3A_106 : f32 to vector<16xf32>
        %scan3A_108 = arith.constant 0 : i32
        %scan3A_109 = arith.constant 32 : i32
        %scan3A_110 = arith.addi %scan3A_108, %scan3A_109 : i32
        %scan3A_111 = arith.constant 1 : i32
        %scan3A_112 = scf.for %scan3A_256 = %scan3A_108 to %scan3A_110 step %scan3A_111 iter_args(%scan3A_257 = %broadcast_in_dim3A_107) -> (vector<16xf32>)  : i32 {
          %mul3A_258 = arith.constant 4 : i32
          %mul3A_259 = arith.muli %scan3A_256, %mul3A_258 : i32
          %add3A_260 = arith.constant 0 : i32
          %add3A_261 = arith.addi %mul3A_259, %add3A_260 : i32
          %broadcast_in_dim3A_262 = vector.broadcast %add3A_261 : i32 to vector<16xi32>
          %gather3A = tpu.vector_load_idx %arg14[%add3A_105, %broadcast_in_dim3A_262] : memref<80x128xf32, #tpu.memory_space<vmem>>[vector<16xi32>, vector<16xi32>], vector<16xf32>,
          %gather3A_263 = tpu.vector_load_idx %arg15[%add3A_105, %broadcast_in_dim3A_262] : memref<80x128xf32, #tpu.memory_space<vmem>>[vector<16xi32>, vector<16xi32>], vector<16xf32>,
          %gather3A_264 = tpu.vector_load_idx %arg16[%add3A_105, %broadcast_in_dim3A_262] : memref<80x128xf32, #tpu.memory_space<vmem>>[vector<16xi32>, vector<16xi32>], vector<16xf32>,
          %add3A_265 = arith.addf %gather3A_263, %gather3A_264 : vector<16xf32>
          %add3A_266 = arith.addf %add3A_265, %add3A_265 : vector<16xf32>
          %exp3A_267 = math.exp %add3A_266 : vector<16xf32>
          %add3A_268 = arith.constant 1.000000e+00 : f32
          %add3A_269 = vector.broadcast %add3A_268 : f32 to vector<16xf32>
          %add3A_270 = arith.addf %exp3A_267, %add3A_269 : vector<16xf32>
          %div3A = arith.constant 2.000000e+00 : f32
          %div3A_271 = vector.broadcast %div3A : f32 to vector<16xf32>
          %div3A_272 = arith.divf %div3A_271, %add3A_270 : vector<16xf32>
          %sub3A_273 = arith.constant 1.000000e+00 : f32
          %sub3A_274 = vector.broadcast %sub3A_273 : f32 to vector<16xf32>
          %sub3A_275 = arith.subf %sub3A_274, %div3A_272 : vector<16xf32>
          %mul3A_276 = arith.mulf %gather3A, %sub3A_275 : vector<16xf32>
          %add3A_277 = arith.addf %scan3A_257, %mul3A_276 : vector<16xf32>
          %mul3A_278 = arith.constant 4 : i32
          %mul3A_279 = arith.muli %scan3A_256, %mul3A_278 : i32
          %add3A_280 = arith.constant 1 : i32
          %add3A_281 = arith.addi %mul3A_279, %add3A_280 : i32
          %broadcast_in_dim3A_282 = vector.broadcast %add3A_281 : i32 to vector<16xi32>
          %gather3A_283 = tpu.vector_load_idx %arg14[%add3A_105, %broadcast_in_dim3A_282] : memref<80x128xf32, #tpu.memory_space<vmem>>[vector<16xi32>, vector<16xi32>], vector<16xf32>,
          %gather3A_284 = tpu.vector_load_idx %arg15[%add3A_105, %broadcast_in_dim3A_282] : memref<80x128xf32, #tpu.memory_space<vmem>>[vector<16xi32>, vector<16xi32>], vector<16xf32>,
          %gather3A_285 = tpu.vector_load_idx %arg16[%add3A_105, %broadcast_in_dim3A_282] : memref<80x128xf32, #tpu.memory_space<vmem>>[vector<16xi32>, vector<16xi32>], vector<16xf32>,
          %add3A_286 = arith.addf %gather3A_284, %gather3A_285 : vector<16xf32>
          %add3A_287 = arith.addf %add3A_286, %add3A_286 : vector<16xf32>
          %exp3A_288 = math.exp %add3A_287 : vector<16xf32>
          %add3A_289 = arith.constant 1.000000e+00 : f32
          %add3A_290 = vector.broadcast %add3A_289 : f32 to vector<16xf32>
          %add3A_291 = arith.addf %exp3A_288, %add3A_290 : vector<16xf32>
          %div3A_292 = arith.constant 2.000000e+00 : f32
          %div3A_293 = vector.broadcast %div3A_292 : f32 to vector<16xf32>
          %div3A_294 = arith.divf %div3A_293, %add3A_291 : vector<16xf32>
          %sub3A_295 = arith.constant 1.000000e+00 : f32
          %sub3A_296 = vector.broadcast %sub3A_295 : f32 to vector<16xf32>
          %sub3A_297 = arith.subf %sub3A_296, %div3A_294 : vector<16xf32>
          %mul3A_298 = arith.mulf %gather3A_283, %sub3A_297 : vector<16xf32>
          %add3A_299 = arith.addf %add3A_277, %mul3A_298 : vector<16xf32>
          %mul3A_300 = arith.constant 4 : i32
          %mul3A_301 = arith.muli %scan3A_256, %mul3A_300 : i32
          %add3A_302 = arith.constant 2 : i32
          %add3A_303 = arith.addi %mul3A_301, %add3A_302 : i32
          %broadcast_in_dim3A_304 = vector.broadcast %add3A_303 : i32 to vector<16xi32>
          %gather3A_305 = tpu.vector_load_idx %arg14[%add3A_105, %broadcast_in_dim3A_304] : memref<80x128xf32, #tpu.memory_space<vmem>>[vector<16xi32>, vector<16xi32>], vector<16xf32>,
          %gather3A_306 = tpu.vector_load_idx %arg15[%add3A_105, %broadcast_in_dim3A_304] : memref<80x128xf32, #tpu.memory_space<vmem>>[vector<16xi32>, vector<16xi32>], vector<16xf32>,
          %gather3A_307 = tpu.vector_load_idx %arg16[%add3A_105, %broadcast_in_dim3A_304] : memref<80x128xf32, #tpu.memory_space<vmem>>[vector<16xi32>, vector<16xi32>], vector<16xf32>,
          %add3A_308 = arith.addf %gather3A_306, %gather3A_307 : vector<16xf32>
          %add3A_309 = arith.addf %add3A_308, %add3A_308 : vector<16xf32>
          %exp3A_310 = math.exp %add3A_309 : vector<16xf32>
          %add3A_311 = arith.constant 1.000000e+00 : f32
          %add3A_312 = vector.broadcast %add3A_311 : f32 to vector<16xf32>
          %add3A_313 = arith.addf %exp3A_310, %add3A_312 : vector<16xf32>
          %div3A_314 = arith.constant 2.000000e+00 : f32
          %div3A_315 = vector.broadcast %div3A_314 : f32 to vector<16xf32>
          %div3A_316 = arith.divf %div3A_315, %add3A_313 : vector<16xf32>
          %sub3A_317 = arith.constant 1.000000e+00 : f32
          %sub3A_318 = vector.broadcast %sub3A_317 : f32 to vector<16xf32>
          %sub3A_319 = arith.subf %sub3A_318, %div3A_316 : vector<16xf32>
          %mul3A_320 = arith.mulf %gather3A_305, %sub3A_319 : vector<16xf32>
          %add3A_321 = arith.addf %add3A_299, %mul3A_320 : vector<16xf32>
          %mul3A_322 = arith.constant 4 : i32
          %mul3A_323 = arith.muli %scan3A_256, %mul3A_322 : i32
          %add3A_324 = arith.constant 3 : i32
          %add3A_325 = arith.addi %mul3A_323, %add3A_324 : i32
          %broadcast_in_dim3A_326 = vector.broadcast %add3A_325 : i32 to vector<16xi32>
          %gather3A_327 = tpu.vector_load_idx %arg14[%add3A_105, %broadcast_in_dim3A_326] : memref<80x128xf32, #tpu.memory_space<vmem>>[vector<16xi32>, vector<16xi32>], vector<16xf32>,
          %gather3A_328 = tpu.vector_load_idx %arg15[%add3A_105, %broadcast_in_dim3A_326] : memref<80x128xf32, #tpu.memory_space<vmem>>[vector<16xi32>, vector<16xi32>], vector<16xf32>,
          %gather3A_329 = tpu.vector_load_idx %arg16[%add3A_105, %broadcast_in_dim3A_326] : memref<80x128xf32, #tpu.memory_space<vmem>>[vector<16xi32>, vector<16xi32>], vector<16xf32>,
          %add3A_330 = arith.addf %gather3A_328, %gather3A_329 : vector<16xf32>
          %add3A_331 = arith.addf %add3A_330, %add3A_330 : vector<16xf32>
          %exp3A_332 = math.exp %add3A_331 : vector<16xf32>
          %add3A_333 = arith.constant 1.000000e+00 : f32
          %add3A_334 = vector.broadcast %add3A_333 : f32 to vector<16xf32>
          %add3A_335 = arith.addf %exp3A_332, %add3A_334 : vector<16xf32>
          %div3A_336 = arith.constant 2.000000e+00 : f32
          %div3A_337 = vector.broadcast %div3A_336 : f32 to vector<16xf32>
          %div3A_338 = arith.divf %div3A_337, %add3A_335 : vector<16xf32>
          %sub3A_339 = arith.constant 1.000000e+00 : f32
          %sub3A_340 = vector.broadcast %sub3A_339 : f32 to vector<16xf32>
          %sub3A_341 = arith.subf %sub3A_340, %div3A_338 : vector<16xf32>
          %mul3A_342 = arith.mulf %gather3A_327, %sub3A_341 : vector<16xf32>
          %add3A_343 = arith.addf %add3A_321, %mul3A_342 : vector<16xf32>
          scf.yield %add3A_343 : vector<16xf32>
        }
        %scan3A_113 = arith.constant 32 : i32
        %min3A = arith.constant 9.000000e+01 : f32
        %min3A_114 = vector.broadcast %min3A : f32 to vector<16xf32>
        %min3A_115 = arith.minimumf %scan3A_112, %min3A_114 : vector<16xf32>
        %sub3A = arith.constant 6.000000e+01 : f32
        %sub3A_116 = vector.broadcast %sub3A : f32 to vector<16xf32>
        %sub3A_117 = arith.subf %min3A_115, %sub3A_116 : vector<16xf32>
        %exp3A = math.exp %sub3A_117 : vector<16xf32>
        tpu.vector_store_idx %arg17[%add3A_105, %broadcast_in_dim3A_102], %exp3A : memref<80x136xf32, #tpu.memory_space<vmem>>[vector<16xi32>, vector<16xi32>], vector<16xf32>,
        %iota3A_118 = tpu.iota {dimensions = array<i32: 0>} : vector<16xi32>
        %add3A_119 = arith.constant 16 : i32
        %add3A_120 = vector.broadcast %add3A_119 : i32 to vector<16xi32>
        %add3A_121 = arith.addi %iota3A_118, %add3A_120 : vector<16xi32>
        %broadcast_in_dim3A_122 = arith.constant 0.000000e+00 : f32
        %broadcast_in_dim3A_123 = vector.broadcast %broadcast_in_dim3A_122 : f32 to vector<16xf32>
        %scan3A_124 = arith.constant 0 : i32
        %scan3A_125 = arith.constant 32 : i32
        %scan3A_126 = arith.addi %scan3A_124, %scan3A_125 : i32
        %scan3A_127 = arith.constant 1 : i32
        %scan3A_128 = scf.for %scan3A_256 = %scan3A_124 to %scan3A_126 step %scan3A_127 iter_args(%scan3A_257 = %broadcast_in_dim3A_123) -> (vector<16xf32>)  : i32 {
          %mul3A_258 = arith.constant 4 : i32
          %mul3A_259 = arith.muli %scan3A_256, %mul3A_258 : i32
          %add3A_260 = arith.constant 0 : i32
          %add3A_261 = arith.addi %mul3A_259, %add3A_260 : i32
          %broadcast_in_dim3A_262 = vector.broadcast %add3A_261 : i32 to vector<16xi32>
          %gather3A = tpu.vector_load_idx %arg14[%add3A_121, %broadcast_in_dim3A_262] : memref<80x128xf32, #tpu.memory_space<vmem>>[vector<16xi32>, vector<16xi32>], vector<16xf32>,
          %gather3A_263 = tpu.vector_load_idx %arg15[%add3A_121, %broadcast_in_dim3A_262] : memref<80x128xf32, #tpu.memory_space<vmem>>[vector<16xi32>, vector<16xi32>], vector<16xf32>,
          %gather3A_264 = tpu.vector_load_idx %arg16[%add3A_121, %broadcast_in_dim3A_262] : memref<80x128xf32, #tpu.memory_space<vmem>>[vector<16xi32>, vector<16xi32>], vector<16xf32>,
          %add3A_265 = arith.addf %gather3A_263, %gather3A_264 : vector<16xf32>
          %add3A_266 = arith.addf %add3A_265, %add3A_265 : vector<16xf32>
          %exp3A_267 = math.exp %add3A_266 : vector<16xf32>
          %add3A_268 = arith.constant 1.000000e+00 : f32
          %add3A_269 = vector.broadcast %add3A_268 : f32 to vector<16xf32>
          %add3A_270 = arith.addf %exp3A_267, %add3A_269 : vector<16xf32>
          %div3A = arith.constant 2.000000e+00 : f32
          %div3A_271 = vector.broadcast %div3A : f32 to vector<16xf32>
          %div3A_272 = arith.divf %div3A_271, %add3A_270 : vector<16xf32>
          %sub3A_273 = arith.constant 1.000000e+00 : f32
          %sub3A_274 = vector.broadcast %sub3A_273 : f32 to vector<16xf32>
          %sub3A_275 = arith.subf %sub3A_274, %div3A_272 : vector<16xf32>
          %mul3A_276 = arith.mulf %gather3A, %sub3A_275 : vector<16xf32>
          %add3A_277 = arith.addf %scan3A_257, %mul3A_276 : vector<16xf32>
          %mul3A_278 = arith.constant 4 : i32
          %mul3A_279 = arith.muli %scan3A_256, %mul3A_278 : i32
          %add3A_280 = arith.constant 1 : i32
          %add3A_281 = arith.addi %mul3A_279, %add3A_280 : i32
          %broadcast_in_dim3A_282 = vector.broadcast %add3A_281 : i32 to vector<16xi32>
          %gather3A_283 = tpu.vector_load_idx %arg14[%add3A_121, %broadcast_in_dim3A_282] : memref<80x128xf32, #tpu.memory_space<vmem>>[vector<16xi32>, vector<16xi32>], vector<16xf32>,
          %gather3A_284 = tpu.vector_load_idx %arg15[%add3A_121, %broadcast_in_dim3A_282] : memref<80x128xf32, #tpu.memory_space<vmem>>[vector<16xi32>, vector<16xi32>], vector<16xf32>,
          %gather3A_285 = tpu.vector_load_idx %arg16[%add3A_121, %broadcast_in_dim3A_282] : memref<80x128xf32, #tpu.memory_space<vmem>>[vector<16xi32>, vector<16xi32>], vector<16xf32>,
          %add3A_286 = arith.addf %gather3A_284, %gather3A_285 : vector<16xf32>
          %add3A_287 = arith.addf %add3A_286, %add3A_286 : vector<16xf32>
          %exp3A_288 = math.exp %add3A_287 : vector<16xf32>
          %add3A_289 = arith.constant 1.000000e+00 : f32
          %add3A_290 = vector.broadcast %add3A_289 : f32 to vector<16xf32>
          %add3A_291 = arith.addf %exp3A_288, %add3A_290 : vector<16xf32>
          %div3A_292 = arith.constant 2.000000e+00 : f32
          %div3A_293 = vector.broadcast %div3A_292 : f32 to vector<16xf32>
          %div3A_294 = arith.divf %div3A_293, %add3A_291 : vector<16xf32>
          %sub3A_295 = arith.constant 1.000000e+00 : f32
          %sub3A_296 = vector.broadcast %sub3A_295 : f32 to vector<16xf32>
          %sub3A_297 = arith.subf %sub3A_296, %div3A_294 : vector<16xf32>
          %mul3A_298 = arith.mulf %gather3A_283, %sub3A_297 : vector<16xf32>
          %add3A_299 = arith.addf %add3A_277, %mul3A_298 : vector<16xf32>
          %mul3A_300 = arith.constant 4 : i32
          %mul3A_301 = arith.muli %scan3A_256, %mul3A_300 : i32
          %add3A_302 = arith.constant 2 : i32
          %add3A_303 = arith.addi %mul3A_301, %add3A_302 : i32
          %broadcast_in_dim3A_304 = vector.broadcast %add3A_303 : i32 to vector<16xi32>
          %gather3A_305 = tpu.vector_load_idx %arg14[%add3A_121, %broadcast_in_dim3A_304] : memref<80x128xf32, #tpu.memory_space<vmem>>[vector<16xi32>, vector<16xi32>], vector<16xf32>,
          %gather3A_306 = tpu.vector_load_idx %arg15[%add3A_121, %broadcast_in_dim3A_304] : memref<80x128xf32, #tpu.memory_space<vmem>>[vector<16xi32>, vector<16xi32>], vector<16xf32>,
          %gather3A_307 = tpu.vector_load_idx %arg16[%add3A_121, %broadcast_in_dim3A_304] : memref<80x128xf32, #tpu.memory_space<vmem>>[vector<16xi32>, vector<16xi32>], vector<16xf32>,
          %add3A_308 = arith.addf %gather3A_306, %gather3A_307 : vector<16xf32>
          %add3A_309 = arith.addf %add3A_308, %add3A_308 : vector<16xf32>
          %exp3A_310 = math.exp %add3A_309 : vector<16xf32>
          %add3A_311 = arith.constant 1.000000e+00 : f32
          %add3A_312 = vector.broadcast %add3A_311 : f32 to vector<16xf32>
          %add3A_313 = arith.addf %exp3A_310, %add3A_312 : vector<16xf32>
          %div3A_314 = arith.constant 2.000000e+00 : f32
          %div3A_315 = vector.broadcast %div3A_314 : f32 to vector<16xf32>
          %div3A_316 = arith.divf %div3A_315, %add3A_313 : vector<16xf32>
          %sub3A_317 = arith.constant 1.000000e+00 : f32
          %sub3A_318 = vector.broadcast %sub3A_317 : f32 to vector<16xf32>
          %sub3A_319 = arith.subf %sub3A_318, %div3A_316 : vector<16xf32>
          %mul3A_320 = arith.mulf %gather3A_305, %sub3A_319 : vector<16xf32>
          %add3A_321 = arith.addf %add3A_299, %mul3A_320 : vector<16xf32>
          %mul3A_322 = arith.constant 4 : i32
          %mul3A_323 = arith.muli %scan3A_256, %mul3A_322 : i32
          %add3A_324 = arith.constant 3 : i32
          %add3A_325 = arith.addi %mul3A_323, %add3A_324 : i32
          %broadcast_in_dim3A_326 = vector.broadcast %add3A_325 : i32 to vector<16xi32>
          %gather3A_327 = tpu.vector_load_idx %arg14[%add3A_121, %broadcast_in_dim3A_326] : memref<80x128xf32, #tpu.memory_space<vmem>>[vector<16xi32>, vector<16xi32>], vector<16xf32>,
          %gather3A_328 = tpu.vector_load_idx %arg15[%add3A_121, %broadcast_in_dim3A_326] : memref<80x128xf32, #tpu.memory_space<vmem>>[vector<16xi32>, vector<16xi32>], vector<16xf32>,
          %gather3A_329 = tpu.vector_load_idx %arg16[%add3A_121, %broadcast_in_dim3A_326] : memref<80x128xf32, #tpu.memory_space<vmem>>[vector<16xi32>, vector<16xi32>], vector<16xf32>,
          %add3A_330 = arith.addf %gather3A_328, %gather3A_329 : vector<16xf32>
          %add3A_331 = arith.addf %add3A_330, %add3A_330 : vector<16xf32>
          %exp3A_332 = math.exp %add3A_331 : vector<16xf32>
          %add3A_333 = arith.constant 1.000000e+00 : f32
          %add3A_334 = vector.broadcast %add3A_333 : f32 to vector<16xf32>
          %add3A_335 = arith.addf %exp3A_332, %add3A_334 : vector<16xf32>
          %div3A_336 = arith.constant 2.000000e+00 : f32
          %div3A_337 = vector.broadcast %div3A_336 : f32 to vector<16xf32>
          %div3A_338 = arith.divf %div3A_337, %add3A_335 : vector<16xf32>
          %sub3A_339 = arith.constant 1.000000e+00 : f32
          %sub3A_340 = vector.broadcast %sub3A_339 : f32 to vector<16xf32>
          %sub3A_341 = arith.subf %sub3A_340, %div3A_338 : vector<16xf32>
          %mul3A_342 = arith.mulf %gather3A_327, %sub3A_341 : vector<16xf32>
          %add3A_343 = arith.addf %add3A_321, %mul3A_342 : vector<16xf32>
          scf.yield %add3A_343 : vector<16xf32>
        }
        %scan3A_129 = arith.constant 32 : i32
        %min3A_130 = arith.constant 9.000000e+01 : f32
        %min3A_131 = vector.broadcast %min3A_130 : f32 to vector<16xf32>
        %min3A_132 = arith.minimumf %scan3A_128, %min3A_131 : vector<16xf32>
        %sub3A_133 = arith.constant 6.000000e+01 : f32
        %sub3A_134 = vector.broadcast %sub3A_133 : f32 to vector<16xf32>
        %sub3A_135 = arith.subf %min3A_132, %sub3A_134 : vector<16xf32>
        %exp3A_136 = math.exp %sub3A_135 : vector<16xf32>
        tpu.vector_store_idx %arg17[%add3A_121, %broadcast_in_dim3A_102], %exp3A_136 : memref<80x136xf32, #tpu.memory_space<vmem>>[vector<16xi32>, vector<16xi32>], vector<16xf32>,
        %iota3A_137 = tpu.iota {dimensions = array<i32: 0>} : vector<16xi32>
        %add3A_138 = arith.constant 32 : i32
        %add3A_139 = vector.broadcast %add3A_138 : i32 to vector<16xi32>
        %add3A_140 = arith.addi %iota3A_137, %add3A_139 : vector<16xi32>
        %broadcast_in_dim3A_141 = arith.constant 0.000000e+00 : f32
        %broadcast_in_dim3A_142 = vector.broadcast %broadcast_in_dim3A_141 : f32 to vector<16xf32>
        %scan3A_143 = arith.constant 0 : i32
        %scan3A_144 = arith.constant 32 : i32
        %scan3A_145 = arith.addi %scan3A_143, %scan3A_144 : i32
        %scan3A_146 = arith.constant 1 : i32
        %scan3A_147 = scf.for %scan3A_256 = %scan3A_143 to %scan3A_145 step %scan3A_146 iter_args(%scan3A_257 = %broadcast_in_dim3A_142) -> (vector<16xf32>)  : i32 {
          %mul3A_258 = arith.constant 4 : i32
          %mul3A_259 = arith.muli %scan3A_256, %mul3A_258 : i32
          %add3A_260 = arith.constant 0 : i32
          %add3A_261 = arith.addi %mul3A_259, %add3A_260 : i32
          %broadcast_in_dim3A_262 = vector.broadcast %add3A_261 : i32 to vector<16xi32>
          %gather3A = tpu.vector_load_idx %arg14[%add3A_140, %broadcast_in_dim3A_262] : memref<80x128xf32, #tpu.memory_space<vmem>>[vector<16xi32>, vector<16xi32>], vector<16xf32>,
          %gather3A_263 = tpu.vector_load_idx %arg15[%add3A_140, %broadcast_in_dim3A_262] : memref<80x128xf32, #tpu.memory_space<vmem>>[vector<16xi32>, vector<16xi32>], vector<16xf32>,
          %gather3A_264 = tpu.vector_load_idx %arg16[%add3A_140, %broadcast_in_dim3A_262] : memref<80x128xf32, #tpu.memory_space<vmem>>[vector<16xi32>, vector<16xi32>], vector<16xf32>,
          %add3A_265 = arith.addf %gather3A_263, %gather3A_264 : vector<16xf32>
          %add3A_266 = arith.addf %add3A_265, %add3A_265 : vector<16xf32>
          %exp3A_267 = math.exp %add3A_266 : vector<16xf32>
          %add3A_268 = arith.constant 1.000000e+00 : f32
          %add3A_269 = vector.broadcast %add3A_268 : f32 to vector<16xf32>
          %add3A_270 = arith.addf %exp3A_267, %add3A_269 : vector<16xf32>
          %div3A = arith.constant 2.000000e+00 : f32
          %div3A_271 = vector.broadcast %div3A : f32 to vector<16xf32>
          %div3A_272 = arith.divf %div3A_271, %add3A_270 : vector<16xf32>
          %sub3A_273 = arith.constant 1.000000e+00 : f32
          %sub3A_274 = vector.broadcast %sub3A_273 : f32 to vector<16xf32>
          %sub3A_275 = arith.subf %sub3A_274, %div3A_272 : vector<16xf32>
          %mul3A_276 = arith.mulf %gather3A, %sub3A_275 : vector<16xf32>
          %add3A_277 = arith.addf %scan3A_257, %mul3A_276 : vector<16xf32>
          %mul3A_278 = arith.constant 4 : i32
          %mul3A_279 = arith.muli %scan3A_256, %mul3A_278 : i32
          %add3A_280 = arith.constant 1 : i32
          %add3A_281 = arith.addi %mul3A_279, %add3A_280 : i32
          %broadcast_in_dim3A_282 = vector.broadcast %add3A_281 : i32 to vector<16xi32>
          %gather3A_283 = tpu.vector_load_idx %arg14[%add3A_140, %broadcast_in_dim3A_282] : memref<80x128xf32, #tpu.memory_space<vmem>>[vector<16xi32>, vector<16xi32>], vector<16xf32>,
          %gather3A_284 = tpu.vector_load_idx %arg15[%add3A_140, %broadcast_in_dim3A_282] : memref<80x128xf32, #tpu.memory_space<vmem>>[vector<16xi32>, vector<16xi32>], vector<16xf32>,
          %gather3A_285 = tpu.vector_load_idx %arg16[%add3A_140, %broadcast_in_dim3A_282] : memref<80x128xf32, #tpu.memory_space<vmem>>[vector<16xi32>, vector<16xi32>], vector<16xf32>,
          %add3A_286 = arith.addf %gather3A_284, %gather3A_285 : vector<16xf32>
          %add3A_287 = arith.addf %add3A_286, %add3A_286 : vector<16xf32>
          %exp3A_288 = math.exp %add3A_287 : vector<16xf32>
          %add3A_289 = arith.constant 1.000000e+00 : f32
          %add3A_290 = vector.broadcast %add3A_289 : f32 to vector<16xf32>
          %add3A_291 = arith.addf %exp3A_288, %add3A_290 : vector<16xf32>
          %div3A_292 = arith.constant 2.000000e+00 : f32
          %div3A_293 = vector.broadcast %div3A_292 : f32 to vector<16xf32>
          %div3A_294 = arith.divf %div3A_293, %add3A_291 : vector<16xf32>
          %sub3A_295 = arith.constant 1.000000e+00 : f32
          %sub3A_296 = vector.broadcast %sub3A_295 : f32 to vector<16xf32>
          %sub3A_297 = arith.subf %sub3A_296, %div3A_294 : vector<16xf32>
          %mul3A_298 = arith.mulf %gather3A_283, %sub3A_297 : vector<16xf32>
          %add3A_299 = arith.addf %add3A_277, %mul3A_298 : vector<16xf32>
          %mul3A_300 = arith.constant 4 : i32
          %mul3A_301 = arith.muli %scan3A_256, %mul3A_300 : i32
          %add3A_302 = arith.constant 2 : i32
          %add3A_303 = arith.addi %mul3A_301, %add3A_302 : i32
          %broadcast_in_dim3A_304 = vector.broadcast %add3A_303 : i32 to vector<16xi32>
          %gather3A_305 = tpu.vector_load_idx %arg14[%add3A_140, %broadcast_in_dim3A_304] : memref<80x128xf32, #tpu.memory_space<vmem>>[vector<16xi32>, vector<16xi32>], vector<16xf32>,
          %gather3A_306 = tpu.vector_load_idx %arg15[%add3A_140, %broadcast_in_dim3A_304] : memref<80x128xf32, #tpu.memory_space<vmem>>[vector<16xi32>, vector<16xi32>], vector<16xf32>,
          %gather3A_307 = tpu.vector_load_idx %arg16[%add3A_140, %broadcast_in_dim3A_304] : memref<80x128xf32, #tpu.memory_space<vmem>>[vector<16xi32>, vector<16xi32>], vector<16xf32>,
          %add3A_308 = arith.addf %gather3A_306, %gather3A_307 : vector<16xf32>
          %add3A_309 = arith.addf %add3A_308, %add3A_308 : vector<16xf32>
          %exp3A_310 = math.exp %add3A_309 : vector<16xf32>
          %add3A_311 = arith.constant 1.000000e+00 : f32
          %add3A_312 = vector.broadcast %add3A_311 : f32 to vector<16xf32>
          %add3A_313 = arith.addf %exp3A_310, %add3A_312 : vector<16xf32>
          %div3A_314 = arith.constant 2.000000e+00 : f32
          %div3A_315 = vector.broadcast %div3A_314 : f32 to vector<16xf32>
          %div3A_316 = arith.divf %div3A_315, %add3A_313 : vector<16xf32>
          %sub3A_317 = arith.constant 1.000000e+00 : f32
          %sub3A_318 = vector.broadcast %sub3A_317 : f32 to vector<16xf32>
          %sub3A_319 = arith.subf %sub3A_318, %div3A_316 : vector<16xf32>
          %mul3A_320 = arith.mulf %gather3A_305, %sub3A_319 : vector<16xf32>
          %add3A_321 = arith.addf %add3A_299, %mul3A_320 : vector<16xf32>
          %mul3A_322 = arith.constant 4 : i32
          %mul3A_323 = arith.muli %scan3A_256, %mul3A_322 : i32
          %add3A_324 = arith.constant 3 : i32
          %add3A_325 = arith.addi %mul3A_323, %add3A_324 : i32
          %broadcast_in_dim3A_326 = vector.broadcast %add3A_325 : i32 to vector<16xi32>
          %gather3A_327 = tpu.vector_load_idx %arg14[%add3A_140, %broadcast_in_dim3A_326] : memref<80x128xf32, #tpu.memory_space<vmem>>[vector<16xi32>, vector<16xi32>], vector<16xf32>,
          %gather3A_328 = tpu.vector_load_idx %arg15[%add3A_140, %broadcast_in_dim3A_326] : memref<80x128xf32, #tpu.memory_space<vmem>>[vector<16xi32>, vector<16xi32>], vector<16xf32>,
          %gather3A_329 = tpu.vector_load_idx %arg16[%add3A_140, %broadcast_in_dim3A_326] : memref<80x128xf32, #tpu.memory_space<vmem>>[vector<16xi32>, vector<16xi32>], vector<16xf32>,
          %add3A_330 = arith.addf %gather3A_328, %gather3A_329 : vector<16xf32>
          %add3A_331 = arith.addf %add3A_330, %add3A_330 : vector<16xf32>
          %exp3A_332 = math.exp %add3A_331 : vector<16xf32>
          %add3A_333 = arith.constant 1.000000e+00 : f32
          %add3A_334 = vector.broadcast %add3A_333 : f32 to vector<16xf32>
          %add3A_335 = arith.addf %exp3A_332, %add3A_334 : vector<16xf32>
          %div3A_336 = arith.constant 2.000000e+00 : f32
          %div3A_337 = vector.broadcast %div3A_336 : f32 to vector<16xf32>
          %div3A_338 = arith.divf %div3A_337, %add3A_335 : vector<16xf32>
          %sub3A_339 = arith.constant 1.000000e+00 : f32
          %sub3A_340 = vector.broadcast %sub3A_339 : f32 to vector<16xf32>
          %sub3A_341 = arith.subf %sub3A_340, %div3A_338 : vector<16xf32>
          %mul3A_342 = arith.mulf %gather3A_327, %sub3A_341 : vector<16xf32>
          %add3A_343 = arith.addf %add3A_321, %mul3A_342 : vector<16xf32>
          scf.yield %add3A_343 : vector<16xf32>
        }
        %scan3A_148 = arith.constant 32 : i32
        %min3A_149 = arith.constant 9.000000e+01 : f32
        %min3A_150 = vector.broadcast %min3A_149 : f32 to vector<16xf32>
        %min3A_151 = arith.minimumf %scan3A_147, %min3A_150 : vector<16xf32>
        %sub3A_152 = arith.constant 6.000000e+01 : f32
        %sub3A_153 = vector.broadcast %sub3A_152 : f32 to vector<16xf32>
        %sub3A_154 = arith.subf %min3A_151, %sub3A_153 : vector<16xf32>
        %exp3A_155 = math.exp %sub3A_154 : vector<16xf32>
        tpu.vector_store_idx %arg17[%add3A_140, %broadcast_in_dim3A_102], %exp3A_155 : memref<80x136xf32, #tpu.memory_space<vmem>>[vector<16xi32>, vector<16xi32>], vector<16xf32>,
        %iota3A_156 = tpu.iota {dimensions = array<i32: 0>} : vector<16xi32>
        %add3A_157 = arith.constant 48 : i32
        %add3A_158 = vector.broadcast %add3A_157 : i32 to vector<16xi32>
        %add3A_159 = arith.addi %iota3A_156, %add3A_158 : vector<16xi32>
        %broadcast_in_dim3A_160 = arith.constant 0.000000e+00 : f32
        %broadcast_in_dim3A_161 = vector.broadcast %broadcast_in_dim3A_160 : f32 to vector<16xf32>
        %scan3A_162 = arith.constant 0 : i32
        %scan3A_163 = arith.constant 32 : i32
        %scan3A_164 = arith.addi %scan3A_162, %scan3A_163 : i32
        %scan3A_165 = arith.constant 1 : i32
        %scan3A_166 = scf.for %scan3A_256 = %scan3A_162 to %scan3A_164 step %scan3A_165 iter_args(%scan3A_257 = %broadcast_in_dim3A_161) -> (vector<16xf32>)  : i32 {
          %mul3A_258 = arith.constant 4 : i32
          %mul3A_259 = arith.muli %scan3A_256, %mul3A_258 : i32
          %add3A_260 = arith.constant 0 : i32
          %add3A_261 = arith.addi %mul3A_259, %add3A_260 : i32
          %broadcast_in_dim3A_262 = vector.broadcast %add3A_261 : i32 to vector<16xi32>
          %gather3A = tpu.vector_load_idx %arg14[%add3A_159, %broadcast_in_dim3A_262] : memref<80x128xf32, #tpu.memory_space<vmem>>[vector<16xi32>, vector<16xi32>], vector<16xf32>,
          %gather3A_263 = tpu.vector_load_idx %arg15[%add3A_159, %broadcast_in_dim3A_262] : memref<80x128xf32, #tpu.memory_space<vmem>>[vector<16xi32>, vector<16xi32>], vector<16xf32>,
          %gather3A_264 = tpu.vector_load_idx %arg16[%add3A_159, %broadcast_in_dim3A_262] : memref<80x128xf32, #tpu.memory_space<vmem>>[vector<16xi32>, vector<16xi32>], vector<16xf32>,
          %add3A_265 = arith.addf %gather3A_263, %gather3A_264 : vector<16xf32>
          %add3A_266 = arith.addf %add3A_265, %add3A_265 : vector<16xf32>
          %exp3A_267 = math.exp %add3A_266 : vector<16xf32>
          %add3A_268 = arith.constant 1.000000e+00 : f32
          %add3A_269 = vector.broadcast %add3A_268 : f32 to vector<16xf32>
          %add3A_270 = arith.addf %exp3A_267, %add3A_269 : vector<16xf32>
          %div3A = arith.constant 2.000000e+00 : f32
          %div3A_271 = vector.broadcast %div3A : f32 to vector<16xf32>
          %div3A_272 = arith.divf %div3A_271, %add3A_270 : vector<16xf32>
          %sub3A_273 = arith.constant 1.000000e+00 : f32
          %sub3A_274 = vector.broadcast %sub3A_273 : f32 to vector<16xf32>
          %sub3A_275 = arith.subf %sub3A_274, %div3A_272 : vector<16xf32>
          %mul3A_276 = arith.mulf %gather3A, %sub3A_275 : vector<16xf32>
          %add3A_277 = arith.addf %scan3A_257, %mul3A_276 : vector<16xf32>
          %mul3A_278 = arith.constant 4 : i32
          %mul3A_279 = arith.muli %scan3A_256, %mul3A_278 : i32
          %add3A_280 = arith.constant 1 : i32
          %add3A_281 = arith.addi %mul3A_279, %add3A_280 : i32
          %broadcast_in_dim3A_282 = vector.broadcast %add3A_281 : i32 to vector<16xi32>
          %gather3A_283 = tpu.vector_load_idx %arg14[%add3A_159, %broadcast_in_dim3A_282] : memref<80x128xf32, #tpu.memory_space<vmem>>[vector<16xi32>, vector<16xi32>], vector<16xf32>,
          %gather3A_284 = tpu.vector_load_idx %arg15[%add3A_159, %broadcast_in_dim3A_282] : memref<80x128xf32, #tpu.memory_space<vmem>>[vector<16xi32>, vector<16xi32>], vector<16xf32>,
          %gather3A_285 = tpu.vector_load_idx %arg16[%add3A_159, %broadcast_in_dim3A_282] : memref<80x128xf32, #tpu.memory_space<vmem>>[vector<16xi32>, vector<16xi32>], vector<16xf32>,
          %add3A_286 = arith.addf %gather3A_284, %gather3A_285 : vector<16xf32>
          %add3A_287 = arith.addf %add3A_286, %add3A_286 : vector<16xf32>
          %exp3A_288 = math.exp %add3A_287 : vector<16xf32>
          %add3A_289 = arith.constant 1.000000e+00 : f32
          %add3A_290 = vector.broadcast %add3A_289 : f32 to vector<16xf32>
          %add3A_291 = arith.addf %exp3A_288, %add3A_290 : vector<16xf32>
          %div3A_292 = arith.constant 2.000000e+00 : f32
          %div3A_293 = vector.broadcast %div3A_292 : f32 to vector<16xf32>
          %div3A_294 = arith.divf %div3A_293, %add3A_291 : vector<16xf32>
          %sub3A_295 = arith.constant 1.000000e+00 : f32
          %sub3A_296 = vector.broadcast %sub3A_295 : f32 to vector<16xf32>
          %sub3A_297 = arith.subf %sub3A_296, %div3A_294 : vector<16xf32>
          %mul3A_298 = arith.mulf %gather3A_283, %sub3A_297 : vector<16xf32>
          %add3A_299 = arith.addf %add3A_277, %mul3A_298 : vector<16xf32>
          %mul3A_300 = arith.constant 4 : i32
          %mul3A_301 = arith.muli %scan3A_256, %mul3A_300 : i32
          %add3A_302 = arith.constant 2 : i32
          %add3A_303 = arith.addi %mul3A_301, %add3A_302 : i32
          %broadcast_in_dim3A_304 = vector.broadcast %add3A_303 : i32 to vector<16xi32>
          %gather3A_305 = tpu.vector_load_idx %arg14[%add3A_159, %broadcast_in_dim3A_304] : memref<80x128xf32, #tpu.memory_space<vmem>>[vector<16xi32>, vector<16xi32>], vector<16xf32>,
          %gather3A_306 = tpu.vector_load_idx %arg15[%add3A_159, %broadcast_in_dim3A_304] : memref<80x128xf32, #tpu.memory_space<vmem>>[vector<16xi32>, vector<16xi32>], vector<16xf32>,
          %gather3A_307 = tpu.vector_load_idx %arg16[%add3A_159, %broadcast_in_dim3A_304] : memref<80x128xf32, #tpu.memory_space<vmem>>[vector<16xi32>, vector<16xi32>], vector<16xf32>,
          %add3A_308 = arith.addf %gather3A_306, %gather3A_307 : vector<16xf32>
          %add3A_309 = arith.addf %add3A_308, %add3A_308 : vector<16xf32>
          %exp3A_310 = math.exp %add3A_309 : vector<16xf32>
          %add3A_311 = arith.constant 1.000000e+00 : f32
          %add3A_312 = vector.broadcast %add3A_311 : f32 to vector<16xf32>
          %add3A_313 = arith.addf %exp3A_310, %add3A_312 : vector<16xf32>
          %div3A_314 = arith.constant 2.000000e+00 : f32
          %div3A_315 = vector.broadcast %div3A_314 : f32 to vector<16xf32>
          %div3A_316 = arith.divf %div3A_315, %add3A_313 : vector<16xf32>
          %sub3A_317 = arith.constant 1.000000e+00 : f32
          %sub3A_318 = vector.broadcast %sub3A_317 : f32 to vector<16xf32>
          %sub3A_319 = arith.subf %sub3A_318, %div3A_316 : vector<16xf32>
          %mul3A_320 = arith.mulf %gather3A_305, %sub3A_319 : vector<16xf32>
          %add3A_321 = arith.addf %add3A_299, %mul3A_320 : vector<16xf32>
          %mul3A_322 = arith.constant 4 : i32
          %mul3A_323 = arith.muli %scan3A_256, %mul3A_322 : i32
          %add3A_324 = arith.constant 3 : i32
          %add3A_325 = arith.addi %mul3A_323, %add3A_324 : i32
          %broadcast_in_dim3A_326 = vector.broadcast %add3A_325 : i32 to vector<16xi32>
          %gather3A_327 = tpu.vector_load_idx %arg14[%add3A_159, %broadcast_in_dim3A_326] : memref<80x128xf32, #tpu.memory_space<vmem>>[vector<16xi32>, vector<16xi32>], vector<16xf32>,
          %gather3A_328 = tpu.vector_load_idx %arg15[%add3A_159, %broadcast_in_dim3A_326] : memref<80x128xf32, #tpu.memory_space<vmem>>[vector<16xi32>, vector<16xi32>], vector<16xf32>,
          %gather3A_329 = tpu.vector_load_idx %arg16[%add3A_159, %broadcast_in_dim3A_326] : memref<80x128xf32, #tpu.memory_space<vmem>>[vector<16xi32>, vector<16xi32>], vector<16xf32>,
          %add3A_330 = arith.addf %gather3A_328, %gather3A_329 : vector<16xf32>
          %add3A_331 = arith.addf %add3A_330, %add3A_330 : vector<16xf32>
          %exp3A_332 = math.exp %add3A_331 : vector<16xf32>
          %add3A_333 = arith.constant 1.000000e+00 : f32
          %add3A_334 = vector.broadcast %add3A_333 : f32 to vector<16xf32>
          %add3A_335 = arith.addf %exp3A_332, %add3A_334 : vector<16xf32>
          %div3A_336 = arith.constant 2.000000e+00 : f32
          %div3A_337 = vector.broadcast %div3A_336 : f32 to vector<16xf32>
          %div3A_338 = arith.divf %div3A_337, %add3A_335 : vector<16xf32>
          %sub3A_339 = arith.constant 1.000000e+00 : f32
          %sub3A_340 = vector.broadcast %sub3A_339 : f32 to vector<16xf32>
          %sub3A_341 = arith.subf %sub3A_340, %div3A_338 : vector<16xf32>
          %mul3A_342 = arith.mulf %gather3A_327, %sub3A_341 : vector<16xf32>
          %add3A_343 = arith.addf %add3A_321, %mul3A_342 : vector<16xf32>
          scf.yield %add3A_343 : vector<16xf32>
        }
        %scan3A_167 = arith.constant 32 : i32
        %min3A_168 = arith.constant 9.000000e+01 : f32
        %min3A_169 = vector.broadcast %min3A_168 : f32 to vector<16xf32>
        %min3A_170 = arith.minimumf %scan3A_166, %min3A_169 : vector<16xf32>
        %sub3A_171 = arith.constant 6.000000e+01 : f32
        %sub3A_172 = vector.broadcast %sub3A_171 : f32 to vector<16xf32>
        %sub3A_173 = arith.subf %min3A_170, %sub3A_172 : vector<16xf32>
        %exp3A_174 = math.exp %sub3A_173 : vector<16xf32>
        tpu.vector_store_idx %arg17[%add3A_159, %broadcast_in_dim3A_102], %exp3A_174 : memref<80x136xf32, #tpu.memory_space<vmem>>[vector<16xi32>, vector<16xi32>], vector<16xf32>,
        %iota3A_175 = tpu.iota {dimensions = array<i32: 0>} : vector<16xi32>
        %add3A_176 = arith.constant 64 : i32
        %add3A_177 = vector.broadcast %add3A_176 : i32 to vector<16xi32>
        %add3A_178 = arith.addi %iota3A_175, %add3A_177 : vector<16xi32>
        %broadcast_in_dim3A_179 = arith.constant 0.000000e+00 : f32
        %broadcast_in_dim3A_180 = vector.broadcast %broadcast_in_dim3A_179 : f32 to vector<16xf32>
        %scan3A_181 = arith.constant 0 : i32
        %scan3A_182 = arith.constant 32 : i32
        %scan3A_183 = arith.addi %scan3A_181, %scan3A_182 : i32
        %scan3A_184 = arith.constant 1 : i32
        %scan3A_185 = scf.for %scan3A_256 = %scan3A_181 to %scan3A_183 step %scan3A_184 iter_args(%scan3A_257 = %broadcast_in_dim3A_180) -> (vector<16xf32>)  : i32 {
          %mul3A_258 = arith.constant 4 : i32
          %mul3A_259 = arith.muli %scan3A_256, %mul3A_258 : i32
          %add3A_260 = arith.constant 0 : i32
          %add3A_261 = arith.addi %mul3A_259, %add3A_260 : i32
          %broadcast_in_dim3A_262 = vector.broadcast %add3A_261 : i32 to vector<16xi32>
          %gather3A = tpu.vector_load_idx %arg14[%add3A_178, %broadcast_in_dim3A_262] : memref<80x128xf32, #tpu.memory_space<vmem>>[vector<16xi32>, vector<16xi32>], vector<16xf32>,
          %gather3A_263 = tpu.vector_load_idx %arg15[%add3A_178, %broadcast_in_dim3A_262] : memref<80x128xf32, #tpu.memory_space<vmem>>[vector<16xi32>, vector<16xi32>], vector<16xf32>,
          %gather3A_264 = tpu.vector_load_idx %arg16[%add3A_178, %broadcast_in_dim3A_262] : memref<80x128xf32, #tpu.memory_space<vmem>>[vector<16xi32>, vector<16xi32>], vector<16xf32>,
          %add3A_265 = arith.addf %gather3A_263, %gather3A_264 : vector<16xf32>
          %add3A_266 = arith.addf %add3A_265, %add3A_265 : vector<16xf32>
          %exp3A_267 = math.exp %add3A_266 : vector<16xf32>
          %add3A_268 = arith.constant 1.000000e+00 : f32
          %add3A_269 = vector.broadcast %add3A_268 : f32 to vector<16xf32>
          %add3A_270 = arith.addf %exp3A_267, %add3A_269 : vector<16xf32>
          %div3A = arith.constant 2.000000e+00 : f32
          %div3A_271 = vector.broadcast %div3A : f32 to vector<16xf32>
          %div3A_272 = arith.divf %div3A_271, %add3A_270 : vector<16xf32>
          %sub3A_273 = arith.constant 1.000000e+00 : f32
          %sub3A_274 = vector.broadcast %sub3A_273 : f32 to vector<16xf32>
          %sub3A_275 = arith.subf %sub3A_274, %div3A_272 : vector<16xf32>
          %mul3A_276 = arith.mulf %gather3A, %sub3A_275 : vector<16xf32>
          %add3A_277 = arith.addf %scan3A_257, %mul3A_276 : vector<16xf32>
          %mul3A_278 = arith.constant 4 : i32
          %mul3A_279 = arith.muli %scan3A_256, %mul3A_278 : i32
          %add3A_280 = arith.constant 1 : i32
          %add3A_281 = arith.addi %mul3A_279, %add3A_280 : i32
          %broadcast_in_dim3A_282 = vector.broadcast %add3A_281 : i32 to vector<16xi32>
          %gather3A_283 = tpu.vector_load_idx %arg14[%add3A_178, %broadcast_in_dim3A_282] : memref<80x128xf32, #tpu.memory_space<vmem>>[vector<16xi32>, vector<16xi32>], vector<16xf32>,
          %gather3A_284 = tpu.vector_load_idx %arg15[%add3A_178, %broadcast_in_dim3A_282] : memref<80x128xf32, #tpu.memory_space<vmem>>[vector<16xi32>, vector<16xi32>], vector<16xf32>,
          %gather3A_285 = tpu.vector_load_idx %arg16[%add3A_178, %broadcast_in_dim3A_282] : memref<80x128xf32, #tpu.memory_space<vmem>>[vector<16xi32>, vector<16xi32>], vector<16xf32>,
          %add3A_286 = arith.addf %gather3A_284, %gather3A_285 : vector<16xf32>
          %add3A_287 = arith.addf %add3A_286, %add3A_286 : vector<16xf32>
          %exp3A_288 = math.exp %add3A_287 : vector<16xf32>
          %add3A_289 = arith.constant 1.000000e+00 : f32
          %add3A_290 = vector.broadcast %add3A_289 : f32 to vector<16xf32>
          %add3A_291 = arith.addf %exp3A_288, %add3A_290 : vector<16xf32>
          %div3A_292 = arith.constant 2.000000e+00 : f32
          %div3A_293 = vector.broadcast %div3A_292 : f32 to vector<16xf32>
          %div3A_294 = arith.divf %div3A_293, %add3A_291 : vector<16xf32>
          %sub3A_295 = arith.constant 1.000000e+00 : f32
          %sub3A_296 = vector.broadcast %sub3A_295 : f32 to vector<16xf32>
          %sub3A_297 = arith.subf %sub3A_296, %div3A_294 : vector<16xf32>
          %mul3A_298 = arith.mulf %gather3A_283, %sub3A_297 : vector<16xf32>
          %add3A_299 = arith.addf %add3A_277, %mul3A_298 : vector<16xf32>
          %mul3A_300 = arith.constant 4 : i32
          %mul3A_301 = arith.muli %scan3A_256, %mul3A_300 : i32
          %add3A_302 = arith.constant 2 : i32
          %add3A_303 = arith.addi %mul3A_301, %add3A_302 : i32
          %broadcast_in_dim3A_304 = vector.broadcast %add3A_303 : i32 to vector<16xi32>
          %gather3A_305 = tpu.vector_load_idx %arg14[%add3A_178, %broadcast_in_dim3A_304] : memref<80x128xf32, #tpu.memory_space<vmem>>[vector<16xi32>, vector<16xi32>], vector<16xf32>,
          %gather3A_306 = tpu.vector_load_idx %arg15[%add3A_178, %broadcast_in_dim3A_304] : memref<80x128xf32, #tpu.memory_space<vmem>>[vector<16xi32>, vector<16xi32>], vector<16xf32>,
          %gather3A_307 = tpu.vector_load_idx %arg16[%add3A_178, %broadcast_in_dim3A_304] : memref<80x128xf32, #tpu.memory_space<vmem>>[vector<16xi32>, vector<16xi32>], vector<16xf32>,
          %add3A_308 = arith.addf %gather3A_306, %gather3A_307 : vector<16xf32>
          %add3A_309 = arith.addf %add3A_308, %add3A_308 : vector<16xf32>
          %exp3A_310 = math.exp %add3A_309 : vector<16xf32>
          %add3A_311 = arith.constant 1.000000e+00 : f32
          %add3A_312 = vector.broadcast %add3A_311 : f32 to vector<16xf32>
          %add3A_313 = arith.addf %exp3A_310, %add3A_312 : vector<16xf32>
          %div3A_314 = arith.constant 2.000000e+00 : f32
          %div3A_315 = vector.broadcast %div3A_314 : f32 to vector<16xf32>
          %div3A_316 = arith.divf %div3A_315, %add3A_313 : vector<16xf32>
          %sub3A_317 = arith.constant 1.000000e+00 : f32
          %sub3A_318 = vector.broadcast %sub3A_317 : f32 to vector<16xf32>
          %sub3A_319 = arith.subf %sub3A_318, %div3A_316 : vector<16xf32>
          %mul3A_320 = arith.mulf %gather3A_305, %sub3A_319 : vector<16xf32>
          %add3A_321 = arith.addf %add3A_299, %mul3A_320 : vector<16xf32>
          %mul3A_322 = arith.constant 4 : i32
          %mul3A_323 = arith.muli %scan3A_256, %mul3A_322 : i32
          %add3A_324 = arith.constant 3 : i32
          %add3A_325 = arith.addi %mul3A_323, %add3A_324 : i32
          %broadcast_in_dim3A_326 = vector.broadcast %add3A_325 : i32 to vector<16xi32>
          %gather3A_327 = tpu.vector_load_idx %arg14[%add3A_178, %broadcast_in_dim3A_326] : memref<80x128xf32, #tpu.memory_space<vmem>>[vector<16xi32>, vector<16xi32>], vector<16xf32>,
          %gather3A_328 = tpu.vector_load_idx %arg15[%add3A_178, %broadcast_in_dim3A_326] : memref<80x128xf32, #tpu.memory_space<vmem>>[vector<16xi32>, vector<16xi32>], vector<16xf32>,
          %gather3A_329 = tpu.vector_load_idx %arg16[%add3A_178, %broadcast_in_dim3A_326] : memref<80x128xf32, #tpu.memory_space<vmem>>[vector<16xi32>, vector<16xi32>], vector<16xf32>,
          %add3A_330 = arith.addf %gather3A_328, %gather3A_329 : vector<16xf32>
          %add3A_331 = arith.addf %add3A_330, %add3A_330 : vector<16xf32>
          %exp3A_332 = math.exp %add3A_331 : vector<16xf32>
          %add3A_333 = arith.constant 1.000000e+00 : f32
          %add3A_334 = vector.broadcast %add3A_333 : f32 to vector<16xf32>
          %add3A_335 = arith.addf %exp3A_332, %add3A_334 : vector<16xf32>
          %div3A_336 = arith.constant 2.000000e+00 : f32
          %div3A_337 = vector.broadcast %div3A_336 : f32 to vector<16xf32>
          %div3A_338 = arith.divf %div3A_337, %add3A_335 : vector<16xf32>
          %sub3A_339 = arith.constant 1.000000e+00 : f32
          %sub3A_340 = vector.broadcast %sub3A_339 : f32 to vector<16xf32>
          %sub3A_341 = arith.subf %sub3A_340, %div3A_338 : vector<16xf32>
          %mul3A_342 = arith.mulf %gather3A_327, %sub3A_341 : vector<16xf32>
          %add3A_343 = arith.addf %add3A_321, %mul3A_342 : vector<16xf32>
          scf.yield %add3A_343 : vector<16xf32>
        }
        %scan3A_186 = arith.constant 32 : i32
        %min3A_187 = arith.constant 9.000000e+01 : f32
        %min3A_188 = vector.broadcast %min3A_187 : f32 to vector<16xf32>
        %min3A_189 = arith.minimumf %scan3A_185, %min3A_188 : vector<16xf32>
        %sub3A_190 = arith.constant 6.000000e+01 : f32
        %sub3A_191 = vector.broadcast %sub3A_190 : f32 to vector<16xf32>
        %sub3A_192 = arith.subf %min3A_189, %sub3A_191 : vector<16xf32>
        %exp3A_193 = math.exp %sub3A_192 : vector<16xf32>
        tpu.vector_store_idx %arg17[%add3A_178, %broadcast_in_dim3A_102], %exp3A_193 : memref<80x136xf32, #tpu.memory_space<vmem>>[vector<16xi32>, vector<16xi32>], vector<16xf32>,
        %dma_start3A_194 = arith.constant 0 : i32
        %dma_start3A_195 = tpu.memref_slice %arg12[%scan3A_62, %dma_start3A_194] : memref<5x80xi32, #tpu.memory_space<vmem>> -> memref<1x80xi32, #tpu.memory_space<vmem>>
        %dma_start3A_196 = tpu.memref_squeeze %dma_start3A_195 : memref<1x80xi32, #tpu.memory_space<vmem>> -> memref<80xi32, #tpu.memory_space<vmem>>
        %dma_start3A_197 = arith.constant 0 : i32
        %dma_start3A_198 = arith.constant 0 : i32
        %dma_start3A_199 = tpu.memref_slice %arg7[%dma_start3A_197, %dma_start3A_198] : memref<10000x128xf32, #tpu.memory_space<hbm>> -> memref<10000x128xf32, #tpu.memory_space<hbm>>
        tpu.enqueue_indirect_dma source(%dma_start3A_199 : memref<10000x128xf32, #tpu.memory_space<hbm>>) target(%arg15 : memref<80x128xf32, #tpu.memory_space<vmem>>) offsets(%dma_start3A_196 : memref<80xi32, #tpu.memory_space<vmem>>) semaphore(%arg21 : memref<!tpu.dma_semaphore, #tpu.memory_space<semaphore_mem>>)
        %dma_wait3A_200 = arith.constant 0 : i32
        %dma_wait3A_201 = tpu.memref_slice %arg12[%scan3A_62, %dma_wait3A_200] : memref<5x80xi32, #tpu.memory_space<vmem>> -> memref<1x80xi32, #tpu.memory_space<vmem>>
        %dma_wait3A_202 = tpu.memref_squeeze %dma_wait3A_201 : memref<1x80xi32, #tpu.memory_space<vmem>> -> memref<80xi32, #tpu.memory_space<vmem>>
        %dma_wait3A_203 = arith.constant 0 : i32
        %dma_wait3A_204 = arith.constant 0 : i32
        %dma_wait3A_205 = tpu.memref_slice %arg7[%dma_wait3A_203, %dma_wait3A_204] : memref<10000x128xf32, #tpu.memory_space<hbm>> -> memref<10000x128xf32, #tpu.memory_space<hbm>>
        tpu.wait_indirect_dma semaphore(%arg21 : memref<!tpu.dma_semaphore, #tpu.memory_space<semaphore_mem>>) src(%dma_wait3A_205 : memref<10000x128xf32, #tpu.memory_space<hbm>>) dst(%arg15 : memref<80x128xf32, #tpu.memory_space<vmem>>)
        %iota3A_206 = tpu.iota {dimensions = array<i32: 0>} : vector<16xi32>
        %add3A_207 = arith.constant 0 : i32
        %add3A_208 = vector.broadcast %add3A_207 : i32 to vector<16xi32>
        %add3A_209 = arith.addi %iota3A_206, %add3A_208 : vector<16xi32>
        %scan3A_210 = arith.constant 0 : i32
        %scan3A_211 = arith.constant 0 : i32
        %scan3A_212 = arith.constant 32 : i32
        %scan3A_213 = arith.addi %scan3A_211, %scan3A_212 : i32
        %scan3A_214 = arith.constant 1 : i32
        scf.for %scan3A_256 = %scan3A_211 to %scan3A_213 step %scan3A_214  : i32 {
          %mul3A_257 = arith.constant 4 : i32
          %mul3A_258 = arith.muli %scan3A_256, %mul3A_257 : i32
          %add3A_259 = arith.constant 0 : i32
          %add3A_260 = arith.addi %mul3A_258, %add3A_259 : i32
          %broadcast_in_dim3A_261 = vector.broadcast %add3A_260 : i32 to vector<16xi32>
          %gather3A = tpu.vector_load_idx %arg15[%add3A_209, %broadcast_in_dim3A_261] : memref<80x128xf32, #tpu.memory_space<vmem>>[vector<16xi32>, vector<16xi32>], vector<16xf32>,
          %mul3A_262 = arith.mulf %gather3A, %exp3A : vector<16xf32>
          tpu.vector_store_idx %arg17[%add3A_209, %broadcast_in_dim3A_261], %mul3A_262 : memref<80x136xf32, #tpu.memory_space<vmem>>[vector<16xi32>, vector<16xi32>], vector<16xf32>,
          %mul3A_263 = arith.constant 4 : i32
          %mul3A_264 = arith.muli %scan3A_256, %mul3A_263 : i32
          %add3A_265 = arith.constant 1 : i32
          %add3A_266 = arith.addi %mul3A_264, %add3A_265 : i32
          %broadcast_in_dim3A_267 = vector.broadcast %add3A_266 : i32 to vector<16xi32>
          %gather3A_268 = tpu.vector_load_idx %arg15[%add3A_209, %broadcast_in_dim3A_267] : memref<80x128xf32, #tpu.memory_space<vmem>>[vector<16xi32>, vector<16xi32>], vector<16xf32>,
          %mul3A_269 = arith.mulf %gather3A_268, %exp3A : vector<16xf32>
          tpu.vector_store_idx %arg17[%add3A_209, %broadcast_in_dim3A_267], %mul3A_269 : memref<80x136xf32, #tpu.memory_space<vmem>>[vector<16xi32>, vector<16xi32>], vector<16xf32>,
          %mul3A_270 = arith.constant 4 : i32
          %mul3A_271 = arith.muli %scan3A_256, %mul3A_270 : i32
          %add3A_272 = arith.constant 2 : i32
          %add3A_273 = arith.addi %mul3A_271, %add3A_272 : i32
          %broadcast_in_dim3A_274 = vector.broadcast %add3A_273 : i32 to vector<16xi32>
          %gather3A_275 = tpu.vector_load_idx %arg15[%add3A_209, %broadcast_in_dim3A_274] : memref<80x128xf32, #tpu.memory_space<vmem>>[vector<16xi32>, vector<16xi32>], vector<16xf32>,
          %mul3A_276 = arith.mulf %gather3A_275, %exp3A : vector<16xf32>
          tpu.vector_store_idx %arg17[%add3A_209, %broadcast_in_dim3A_274], %mul3A_276 : memref<80x136xf32, #tpu.memory_space<vmem>>[vector<16xi32>, vector<16xi32>], vector<16xf32>,
          %mul3A_277 = arith.constant 4 : i32
          %mul3A_278 = arith.muli %scan3A_256, %mul3A_277 : i32
          %add3A_279 = arith.constant 3 : i32
          %add3A_280 = arith.addi %mul3A_278, %add3A_279 : i32
          %broadcast_in_dim3A_281 = vector.broadcast %add3A_280 : i32 to vector<16xi32>
          %gather3A_282 = tpu.vector_load_idx %arg15[%add3A_209, %broadcast_in_dim3A_281] : memref<80x128xf32, #tpu.memory_space<vmem>>[vector<16xi32>, vector<16xi32>], vector<16xf32>,
          %mul3A_283 = arith.mulf %gather3A_282, %exp3A : vector<16xf32>
          tpu.vector_store_idx %arg17[%add3A_209, %broadcast_in_dim3A_281], %mul3A_283 : memref<80x136xf32, #tpu.memory_space<vmem>>[vector<16xi32>, vector<16xi32>], vector<16xf32>,
        }
        %scan3A_215 = arith.constant 32 : i32
        %iota3A_216 = tpu.iota {dimensions = array<i32: 0>} : vector<16xi32>
        %add3A_217 = arith.constant 16 : i32
        %add3A_218 = vector.broadcast %add3A_217 : i32 to vector<16xi32>
        %add3A_219 = arith.addi %iota3A_216, %add3A_218 : vector<16xi32>
        %scan3A_220 = arith.constant 0 : i32
        %scan3A_221 = arith.constant 0 : i32
        %scan3A_222 = arith.constant 32 : i32
        %scan3A_223 = arith.addi %scan3A_221, %scan3A_222 : i32
        %scan3A_224 = arith.constant 1 : i32
        scf.for %scan3A_256 = %scan3A_221 to %scan3A_223 step %scan3A_224  : i32 {
          %mul3A_257 = arith.constant 4 : i32
          %mul3A_258 = arith.muli %scan3A_256, %mul3A_257 : i32
          %add3A_259 = arith.constant 0 : i32
          %add3A_260 = arith.addi %mul3A_258, %add3A_259 : i32
          %broadcast_in_dim3A_261 = vector.broadcast %add3A_260 : i32 to vector<16xi32>
          %gather3A = tpu.vector_load_idx %arg15[%add3A_219, %broadcast_in_dim3A_261] : memref<80x128xf32, #tpu.memory_space<vmem>>[vector<16xi32>, vector<16xi32>], vector<16xf32>,
          %mul3A_262 = arith.mulf %gather3A, %exp3A_136 : vector<16xf32>
          tpu.vector_store_idx %arg17[%add3A_219, %broadcast_in_dim3A_261], %mul3A_262 : memref<80x136xf32, #tpu.memory_space<vmem>>[vector<16xi32>, vector<16xi32>], vector<16xf32>,
          %mul3A_263 = arith.constant 4 : i32
          %mul3A_264 = arith.muli %scan3A_256, %mul3A_263 : i32
          %add3A_265 = arith.constant 1 : i32
          %add3A_266 = arith.addi %mul3A_264, %add3A_265 : i32
          %broadcast_in_dim3A_267 = vector.broadcast %add3A_266 : i32 to vector<16xi32>
          %gather3A_268 = tpu.vector_load_idx %arg15[%add3A_219, %broadcast_in_dim3A_267] : memref<80x128xf32, #tpu.memory_space<vmem>>[vector<16xi32>, vector<16xi32>], vector<16xf32>,
          %mul3A_269 = arith.mulf %gather3A_268, %exp3A_136 : vector<16xf32>
          tpu.vector_store_idx %arg17[%add3A_219, %broadcast_in_dim3A_267], %mul3A_269 : memref<80x136xf32, #tpu.memory_space<vmem>>[vector<16xi32>, vector<16xi32>], vector<16xf32>,
          %mul3A_270 = arith.constant 4 : i32
          %mul3A_271 = arith.muli %scan3A_256, %mul3A_270 : i32
          %add3A_272 = arith.constant 2 : i32
          %add3A_273 = arith.addi %mul3A_271, %add3A_272 : i32
          %broadcast_in_dim3A_274 = vector.broadcast %add3A_273 : i32 to vector<16xi32>
          %gather3A_275 = tpu.vector_load_idx %arg15[%add3A_219, %broadcast_in_dim3A_274] : memref<80x128xf32, #tpu.memory_space<vmem>>[vector<16xi32>, vector<16xi32>], vector<16xf32>,
          %mul3A_276 = arith.mulf %gather3A_275, %exp3A_136 : vector<16xf32>
          tpu.vector_store_idx %arg17[%add3A_219, %broadcast_in_dim3A_274], %mul3A_276 : memref<80x136xf32, #tpu.memory_space<vmem>>[vector<16xi32>, vector<16xi32>], vector<16xf32>,
          %mul3A_277 = arith.constant 4 : i32
          %mul3A_278 = arith.muli %scan3A_256, %mul3A_277 : i32
          %add3A_279 = arith.constant 3 : i32
          %add3A_280 = arith.addi %mul3A_278, %add3A_279 : i32
          %broadcast_in_dim3A_281 = vector.broadcast %add3A_280 : i32 to vector<16xi32>
          %gather3A_282 = tpu.vector_load_idx %arg15[%add3A_219, %broadcast_in_dim3A_281] : memref<80x128xf32, #tpu.memory_space<vmem>>[vector<16xi32>, vector<16xi32>], vector<16xf32>,
          %mul3A_283 = arith.mulf %gather3A_282, %exp3A_136 : vector<16xf32>
          tpu.vector_store_idx %arg17[%add3A_219, %broadcast_in_dim3A_281], %mul3A_283 : memref<80x136xf32, #tpu.memory_space<vmem>>[vector<16xi32>, vector<16xi32>], vector<16xf32>,
        }
        %scan3A_225 = arith.constant 32 : i32
        %iota3A_226 = tpu.iota {dimensions = array<i32: 0>} : vector<16xi32>
        %add3A_227 = arith.constant 32 : i32
        %add3A_228 = vector.broadcast %add3A_227 : i32 to vector<16xi32>
        %add3A_229 = arith.addi %iota3A_226, %add3A_228 : vector<16xi32>
        %scan3A_230 = arith.constant 0 : i32
        %scan3A_231 = arith.constant 0 : i32
        %scan3A_232 = arith.constant 32 : i32
        %scan3A_233 = arith.addi %scan3A_231, %scan3A_232 : i32
        %scan3A_234 = arith.constant 1 : i32
        scf.for %scan3A_256 = %scan3A_231 to %scan3A_233 step %scan3A_234  : i32 {
          %mul3A_257 = arith.constant 4 : i32
          %mul3A_258 = arith.muli %scan3A_256, %mul3A_257 : i32
          %add3A_259 = arith.constant 0 : i32
          %add3A_260 = arith.addi %mul3A_258, %add3A_259 : i32
          %broadcast_in_dim3A_261 = vector.broadcast %add3A_260 : i32 to vector<16xi32>
          %gather3A = tpu.vector_load_idx %arg15[%add3A_229, %broadcast_in_dim3A_261] : memref<80x128xf32, #tpu.memory_space<vmem>>[vector<16xi32>, vector<16xi32>], vector<16xf32>,
          %mul3A_262 = arith.mulf %gather3A, %exp3A_155 : vector<16xf32>
          tpu.vector_store_idx %arg17[%add3A_229, %broadcast_in_dim3A_261], %mul3A_262 : memref<80x136xf32, #tpu.memory_space<vmem>>[vector<16xi32>, vector<16xi32>], vector<16xf32>,
          %mul3A_263 = arith.constant 4 : i32
          %mul3A_264 = arith.muli %scan3A_256, %mul3A_263 : i32
          %add3A_265 = arith.constant 1 : i32
          %add3A_266 = arith.addi %mul3A_264, %add3A_265 : i32
          %broadcast_in_dim3A_267 = vector.broadcast %add3A_266 : i32 to vector<16xi32>
          %gather3A_268 = tpu.vector_load_idx %arg15[%add3A_229, %broadcast_in_dim3A_267] : memref<80x128xf32, #tpu.memory_space<vmem>>[vector<16xi32>, vector<16xi32>], vector<16xf32>,
          %mul3A_269 = arith.mulf %gather3A_268, %exp3A_155 : vector<16xf32>
          tpu.vector_store_idx %arg17[%add3A_229, %broadcast_in_dim3A_267], %mul3A_269 : memref<80x136xf32, #tpu.memory_space<vmem>>[vector<16xi32>, vector<16xi32>], vector<16xf32>,
          %mul3A_270 = arith.constant 4 : i32
          %mul3A_271 = arith.muli %scan3A_256, %mul3A_270 : i32
          %add3A_272 = arith.constant 2 : i32
          %add3A_273 = arith.addi %mul3A_271, %add3A_272 : i32
          %broadcast_in_dim3A_274 = vector.broadcast %add3A_273 : i32 to vector<16xi32>
          %gather3A_275 = tpu.vector_load_idx %arg15[%add3A_229, %broadcast_in_dim3A_274] : memref<80x128xf32, #tpu.memory_space<vmem>>[vector<16xi32>, vector<16xi32>], vector<16xf32>,
          %mul3A_276 = arith.mulf %gather3A_275, %exp3A_155 : vector<16xf32>
          tpu.vector_store_idx %arg17[%add3A_229, %broadcast_in_dim3A_274], %mul3A_276 : memref<80x136xf32, #tpu.memory_space<vmem>>[vector<16xi32>, vector<16xi32>], vector<16xf32>,
          %mul3A_277 = arith.constant 4 : i32
          %mul3A_278 = arith.muli %scan3A_256, %mul3A_277 : i32
          %add3A_279 = arith.constant 3 : i32
          %add3A_280 = arith.addi %mul3A_278, %add3A_279 : i32
          %broadcast_in_dim3A_281 = vector.broadcast %add3A_280 : i32 to vector<16xi32>
          %gather3A_282 = tpu.vector_load_idx %arg15[%add3A_229, %broadcast_in_dim3A_281] : memref<80x128xf32, #tpu.memory_space<vmem>>[vector<16xi32>, vector<16xi32>], vector<16xf32>,
          %mul3A_283 = arith.mulf %gather3A_282, %exp3A_155 : vector<16xf32>
          tpu.vector_store_idx %arg17[%add3A_229, %broadcast_in_dim3A_281], %mul3A_283 : memref<80x136xf32, #tpu.memory_space<vmem>>[vector<16xi32>, vector<16xi32>], vector<16xf32>,
        }
        %scan3A_235 = arith.constant 32 : i32
        %iota3A_236 = tpu.iota {dimensions = array<i32: 0>} : vector<16xi32>
        %add3A_237 = arith.constant 48 : i32
        %add3A_238 = vector.broadcast %add3A_237 : i32 to vector<16xi32>
        %add3A_239 = arith.addi %iota3A_236, %add3A_238 : vector<16xi32>
        %scan3A_240 = arith.constant 0 : i32
        %scan3A_241 = arith.constant 0 : i32
        %scan3A_242 = arith.constant 32 : i32
        %scan3A_243 = arith.addi %scan3A_241, %scan3A_242 : i32
        %scan3A_244 = arith.constant 1 : i32
        scf.for %scan3A_256 = %scan3A_241 to %scan3A_243 step %scan3A_244  : i32 {
          %mul3A_257 = arith.constant 4 : i32
          %mul3A_258 = arith.muli %scan3A_256, %mul3A_257 : i32
          %add3A_259 = arith.constant 0 : i32
          %add3A_260 = arith.addi %mul3A_258, %add3A_259 : i32
          %broadcast_in_dim3A_261 = vector.broadcast %add3A_260 : i32 to vector<16xi32>
          %gather3A = tpu.vector_load_idx %arg15[%add3A_239, %broadcast_in_dim3A_261] : memref<80x128xf32, #tpu.memory_space<vmem>>[vector<16xi32>, vector<16xi32>], vector<16xf32>,
          %mul3A_262 = arith.mulf %gather3A, %exp3A_174 : vector<16xf32>
          tpu.vector_store_idx %arg17[%add3A_239, %broadcast_in_dim3A_261], %mul3A_262 : memref<80x136xf32, #tpu.memory_space<vmem>>[vector<16xi32>, vector<16xi32>], vector<16xf32>,
          %mul3A_263 = arith.constant 4 : i32
          %mul3A_264 = arith.muli %scan3A_256, %mul3A_263 : i32
          %add3A_265 = arith.constant 1 : i32
          %add3A_266 = arith.addi %mul3A_264, %add3A_265 : i32
          %broadcast_in_dim3A_267 = vector.broadcast %add3A_266 : i32 to vector<16xi32>
          %gather3A_268 = tpu.vector_load_idx %arg15[%add3A_239, %broadcast_in_dim3A_267] : memref<80x128xf32, #tpu.memory_space<vmem>>[vector<16xi32>, vector<16xi32>], vector<16xf32>,
          %mul3A_269 = arith.mulf %gather3A_268, %exp3A_174 : vector<16xf32>
          tpu.vector_store_idx %arg17[%add3A_239, %broadcast_in_dim3A_267], %mul3A_269 : memref<80x136xf32, #tpu.memory_space<vmem>>[vector<16xi32>, vector<16xi32>], vector<16xf32>,
          %mul3A_270 = arith.constant 4 : i32
          %mul3A_271 = arith.muli %scan3A_256, %mul3A_270 : i32
          %add3A_272 = arith.constant 2 : i32
          %add3A_273 = arith.addi %mul3A_271, %add3A_272 : i32
          %broadcast_in_dim3A_274 = vector.broadcast %add3A_273 : i32 to vector<16xi32>
          %gather3A_275 = tpu.vector_load_idx %arg15[%add3A_239, %broadcast_in_dim3A_274] : memref<80x128xf32, #tpu.memory_space<vmem>>[vector<16xi32>, vector<16xi32>], vector<16xf32>,
          %mul3A_276 = arith.mulf %gather3A_275, %exp3A_174 : vector<16xf32>
          tpu.vector_store_idx %arg17[%add3A_239, %broadcast_in_dim3A_274], %mul3A_276 : memref<80x136xf32, #tpu.memory_space<vmem>>[vector<16xi32>, vector<16xi32>], vector<16xf32>,
          %mul3A_277 = arith.constant 4 : i32
          %mul3A_278 = arith.muli %scan3A_256, %mul3A_277 : i32
          %add3A_279 = arith.constant 3 : i32
          %add3A_280 = arith.addi %mul3A_278, %add3A_279 : i32
          %broadcast_in_dim3A_281 = vector.broadcast %add3A_280 : i32 to vector<16xi32>
          %gather3A_282 = tpu.vector_load_idx %arg15[%add3A_239, %broadcast_in_dim3A_281] : memref<80x128xf32, #tpu.memory_space<vmem>>[vector<16xi32>, vector<16xi32>], vector<16xf32>,
          %mul3A_283 = arith.mulf %gather3A_282, %exp3A_174 : vector<16xf32>
          tpu.vector_store_idx %arg17[%add3A_239, %broadcast_in_dim3A_281], %mul3A_283 : memref<80x136xf32, #tpu.memory_space<vmem>>[vector<16xi32>, vector<16xi32>], vector<16xf32>,
        }
        %scan3A_245 = arith.constant 32 : i32
        %iota3A_246 = tpu.iota {dimensions = array<i32: 0>} : vector<16xi32>
        %add3A_247 = arith.constant 64 : i32
        %add3A_248 = vector.broadcast %add3A_247 : i32 to vector<16xi32>
        %add3A_249 = arith.addi %iota3A_246, %add3A_248 : vector<16xi32>
        %scan3A_250 = arith.constant 0 : i32
        %scan3A_251 = arith.constant 0 : i32
        %scan3A_252 = arith.constant 32 : i32
        %scan3A_253 = arith.addi %scan3A_251, %scan3A_252 : i32
        %scan3A_254 = arith.constant 1 : i32
        scf.for %scan3A_256 = %scan3A_251 to %scan3A_253 step %scan3A_254  : i32 {
          %mul3A_257 = arith.constant 4 : i32
          %mul3A_258 = arith.muli %scan3A_256, %mul3A_257 : i32
          %add3A_259 = arith.constant 0 : i32
          %add3A_260 = arith.addi %mul3A_258, %add3A_259 : i32
          %broadcast_in_dim3A_261 = vector.broadcast %add3A_260 : i32 to vector<16xi32>
          %gather3A = tpu.vector_load_idx %arg15[%add3A_249, %broadcast_in_dim3A_261] : memref<80x128xf32, #tpu.memory_space<vmem>>[vector<16xi32>, vector<16xi32>], vector<16xf32>,
          %mul3A_262 = arith.mulf %gather3A, %exp3A_193 : vector<16xf32>
          tpu.vector_store_idx %arg17[%add3A_249, %broadcast_in_dim3A_261], %mul3A_262 : memref<80x136xf32, #tpu.memory_space<vmem>>[vector<16xi32>, vector<16xi32>], vector<16xf32>,
          %mul3A_263 = arith.constant 4 : i32
          %mul3A_264 = arith.muli %scan3A_256, %mul3A_263 : i32
          %add3A_265 = arith.constant 1 : i32
          %add3A_266 = arith.addi %mul3A_264, %add3A_265 : i32
          %broadcast_in_dim3A_267 = vector.broadcast %add3A_266 : i32 to vector<16xi32>
          %gather3A_268 = tpu.vector_load_idx %arg15[%add3A_249, %broadcast_in_dim3A_267] : memref<80x128xf32, #tpu.memory_space<vmem>>[vector<16xi32>, vector<16xi32>], vector<16xf32>,
          %mul3A_269 = arith.mulf %gather3A_268, %exp3A_193 : vector<16xf32>
          tpu.vector_store_idx %arg17[%add3A_249, %broadcast_in_dim3A_267], %mul3A_269 : memref<80x136xf32, #tpu.memory_space<vmem>>[vector<16xi32>, vector<16xi32>], vector<16xf32>,
          %mul3A_270 = arith.constant 4 : i32
          %mul3A_271 = arith.muli %scan3A_256, %mul3A_270 : i32
          %add3A_272 = arith.constant 2 : i32
          %add3A_273 = arith.addi %mul3A_271, %add3A_272 : i32
          %broadcast_in_dim3A_274 = vector.broadcast %add3A_273 : i32 to vector<16xi32>
          %gather3A_275 = tpu.vector_load_idx %arg15[%add3A_249, %broadcast_in_dim3A_274] : memref<80x128xf32, #tpu.memory_space<vmem>>[vector<16xi32>, vector<16xi32>], vector<16xf32>,
          %mul3A_276 = arith.mulf %gather3A_275, %exp3A_193 : vector<16xf32>
          tpu.vector_store_idx %arg17[%add3A_249, %broadcast_in_dim3A_274], %mul3A_276 : memref<80x136xf32, #tpu.memory_space<vmem>>[vector<16xi32>, vector<16xi32>], vector<16xf32>,
          %mul3A_277 = arith.constant 4 : i32
          %mul3A_278 = arith.muli %scan3A_256, %mul3A_277 : i32
          %add3A_279 = arith.constant 3 : i32
          %add3A_280 = arith.addi %mul3A_278, %add3A_279 : i32
          %broadcast_in_dim3A_281 = vector.broadcast %add3A_280 : i32 to vector<16xi32>
          %gather3A_282 = tpu.vector_load_idx %arg15[%add3A_249, %broadcast_in_dim3A_281] : memref<80x128xf32, #tpu.memory_space<vmem>>[vector<16xi32>, vector<16xi32>], vector<16xf32>,
          %mul3A_283 = arith.mulf %gather3A_282, %exp3A_193 : vector<16xf32>
          tpu.vector_store_idx %arg17[%add3A_249, %broadcast_in_dim3A_281], %mul3A_283 : memref<80x136xf32, #tpu.memory_space<vmem>>[vector<16xi32>, vector<16xi32>], vector<16xf32>,
        }
        %scan3A_255 = arith.constant 32 : i32
        "tpu.region"() ({
          %run_scoped3A = tpu.sem_alloc : memref<!tpu.dma_semaphore, #tpu.memory_space<semaphore_mem>>
          %dma_start3A_256 = arith.constant 0 : i32
          %dma_start3A_257 = tpu.memref_slice %arg13[%scan3A_62, %dma_start3A_256] : memref<5x80xi32, #tpu.memory_space<vmem>> -> memref<1x80xi32, #tpu.memory_space<vmem>>
          %dma_start3A_258 = tpu.memref_squeeze %dma_start3A_257 : memref<1x80xi32, #tpu.memory_space<vmem>> -> memref<80xi32, #tpu.memory_space<vmem>>
          %dma_start3A_259 = arith.constant 0 : i32
          %dma_start3A_260 = arith.constant 0 : i32
          %dma_start3A_261 = tpu.memref_slice %arg18[%dma_start3A_259, %dma_start3A_260] : memref<10112x136xf32, #tpu.memory_space<vmem_shared>> -> memref<10112x136xf32, #tpu.memory_space<vmem_shared>>
          tpu.enqueue_indirect_dma source(%arg17 : memref<80x136xf32, #tpu.memory_space<vmem>>) target(%dma_start3A_261 : memref<10112x136xf32, #tpu.memory_space<vmem_shared>>) offsets(%dma_start3A_258 : memref<80xi32, #tpu.memory_space<vmem>>) semaphore(%run_scoped3A : memref<!tpu.dma_semaphore, #tpu.memory_space<semaphore_mem>>) {add = true}
          %dma_wait3A_262 = arith.constant 0 : i32
          %dma_wait3A_263 = tpu.memref_slice %arg13[%scan3A_62, %dma_wait3A_262] : memref<5x80xi32, #tpu.memory_space<vmem>> -> memref<1x80xi32, #tpu.memory_space<vmem>>
          %dma_wait3A_264 = tpu.memref_squeeze %dma_wait3A_263 : memref<1x80xi32, #tpu.memory_space<vmem>> -> memref<80xi32, #tpu.memory_space<vmem>>
          %dma_wait3A_265 = arith.constant 0 : i32
          %dma_wait3A_266 = arith.constant 0 : i32
          %dma_wait3A_267 = tpu.memref_slice %arg18[%dma_wait3A_265, %dma_wait3A_266] : memref<10112x136xf32, #tpu.memory_space<vmem_shared>> -> memref<10112x136xf32, #tpu.memory_space<vmem_shared>>
          tpu.wait_indirect_dma semaphore(%run_scoped3A : memref<!tpu.dma_semaphore, #tpu.memory_space<semaphore_mem>>) src(%arg17 : memref<80x136xf32, #tpu.memory_space<vmem>>) dst(%dma_wait3A_267 : memref<10112x136xf32, #tpu.memory_space<vmem_shared>>)
          tpu.yield
        }) : () -> ()
      }
      %scan3A_61 = arith.constant 5 : i32
    }
    %scan3A_41 = arith.constant 50 : i32
    %barrier3A_42 = arith.constant 0 : index
    tpu.barrier barrier_id(%barrier3A_42)
    %mul3A_43 = arith.constant 632 : i32
    %mul3A_44 = arith.muli %arg1, %mul3A_43 : i32
    %mul3A_45 = arith.constant 632 : i32
    %mul3A_46 = arith.muli %arg1, %mul3A_45 : i32
    "tpu.region"() ({
      %run_scoped3A = tpu.sem_alloc : memref<!tpu.dma_semaphore, #tpu.memory_space<semaphore_mem>>
      %dma_start3A = arith.constant 0 : i32
      %dma_start3A_47 = tpu.memref_slice %arg9[%mul3A_46, %dma_start3A] : memref<10112x136xf32, #tpu.memory_space<hbm>> -> memref<632x136xf32, #tpu.memory_space<hbm>>
      %dma_start3A_48 = arith.constant 0 : i32
      %dma_start3A_49 = tpu.memref_slice %arg18[%mul3A_44, %dma_start3A_48] : memref<10112x136xf32, #tpu.memory_space<vmem_shared>> -> memref<632x136xf32, #tpu.memory_space<vmem_shared>>
      tpu.enqueue_dma source(%dma_start3A_49 : memref<632x136xf32, #tpu.memory_space<vmem_shared>>) target(%dma_start3A_47 : memref<632x136xf32, #tpu.memory_space<hbm>>) target_semaphore(%run_scoped3A : memref<!tpu.dma_semaphore, #tpu.memory_space<semaphore_mem>>)
      %dma_wait3A = arith.constant 0 : i32
      %dma_wait3A_50 = tpu.memref_slice %arg9[%mul3A_46, %dma_wait3A] : memref<10112x136xf32, #tpu.memory_space<hbm>> -> memref<632x136xf32, #tpu.memory_space<hbm>>
      %dma_wait3A_51 = arith.constant 0 : i32
      %dma_wait3A_52 = tpu.memref_slice %arg18[%mul3A_44, %dma_wait3A_51] : memref<10112x136xf32, #tpu.memory_space<vmem_shared>> -> memref<632x136xf32, #tpu.memory_space<vmem_shared>>
      tpu.wait_dma2 semaphore(%run_scoped3A : memref<!tpu.dma_semaphore, #tpu.memory_space<semaphore_mem>>) src(%dma_wait3A_52 : memref<632x136xf32, #tpu.memory_space<vmem_shared>>) dst(%dma_wait3A_50 : memref<632x136xf32, #tpu.memory_space<hbm>>)
      tpu.yield
    }) : () -> ()
    return
  }
}

module attributes {stable_mosaic.version = 14 : i64} {
  func.func @_proj_body(%arg0: i32, %arg1: i32, %arg2: memref<2000x128xf32, #tpu.memory_space<vmem>>, %arg3: memref<1x128x128xf32, #tpu.memory_space<vmem>>, %arg4: memref<2000x128xf32, #tpu.memory_space<vmem>>) attributes {dimension_semantics = [#tpu.dimension_semantics<arbitrary>, #tpu.dimension_semantics<arbitrary>], iteration_bounds = array<i64: 16, 5>, scalar_prefetch = 0 : i64, scratch_operands = 0 : i64, tpu.core_type = #tpu.core_type<tc>, window_params = [{transform_indices = @transform_0, window_bounds = array<i64: 2000, 128>}, {transform_indices = @transform_1, window_bounds = array<i64: 1, 128, 128>}, {transform_indices = @transform_2, window_bounds = array<i64: 2000, 128>}]} {
    %get3A = arith.constant 0 : index
    %get3A_0 = arith.constant 0 : index
    %get3A_1 = vector.load %arg2[%get3A, %get3A_0] : memref<2000x128xf32, #tpu.memory_space<vmem>>, vector<2000x128xf32>
    %convert_element_type3A = arith.truncf %get3A_1 : vector<2000x128xf32> to vector<2000x128xbf16>
    %get3A_2 = arith.constant 0 : index
    %get3A_3 = arith.constant 0 : index
    %get3A_4 = arith.constant 0 : index
    %get3A_5 = vector.load %arg3[%get3A_2, %get3A_3, %get3A_4] : memref<1x128x128xf32, #tpu.memory_space<vmem>>, vector<1x128x128xf32>
    %get3A_6 = vector.shape_cast %get3A_5 : vector<1x128x128xf32> to vector<128x128xf32>
    %convert_element_type3A_7 = arith.truncf %get3A_6 : vector<128x128xf32> to vector<128x128xbf16>
    %dot_general3A = arith.constant dense<0.000000e+00> : vector<2000x128xf32>
    %dot_general3A_8 = tpu.matmul %convert_element_type3A, %convert_element_type3A_7, %dot_general3A {dimension_numbers = #tpu.dot_dimension_numbers<[1], [0], [0], [1], [0, 0, 1, 1], [], []>, transpose_lhs_hint = false} : vector<2000x128xbf16>, vector<128x128xbf16>, vector<2000x128xf32> -> vector<2000x128xf32>
    %swap3A = arith.constant 0 : index
    %swap3A_9 = arith.constant 0 : index
    %swap3A_10 = vector.load %arg4[%swap3A, %swap3A_9] : memref<2000x128xf32, #tpu.memory_space<vmem>>, vector<2000x128xf32>
    tpu.vector_store %arg4[%swap3A, %swap3A_9], %dot_general3A_8 {strides = array<i32>} : memref<2000x128xf32, #tpu.memory_space<vmem>>, vector<2000x128xf32>,
    return
  }
  func.func @transform_0(%arg0: i32, %arg1: i32) -> (i32, i32) {
    %c0_i32 = arith.constant 0 : i32
    %c0_i32_0 = arith.constant 0 : i32
    return %arg1, %c0_i32 : i32, i32
  }
  func.func @transform_1(%arg0: i32, %arg1: i32) -> (i32, i32, i32) {
    %c0_i32 = arith.constant 0 : i32
    %c0_i32_0 = arith.constant 0 : i32
    %c0_i32_1 = arith.constant 0 : i32
    return %arg0, %c0_i32, %c0_i32_0 : i32, i32, i32
  }
  func.func @transform_2(%arg0: i32, %arg1: i32) -> (i32, i32) {
    %mul3A = arith.constant 5 : i32
    %mul3A_0 = arith.muli %arg0, %mul3A : i32
    %add3A = arith.addi %mul3A_0, %arg1 : i32
    %c0_i32 = arith.constant 0 : i32
    %c0_i32_1 = arith.constant 0 : i32
    return %add3A, %c0_i32 : i32, i32
  }
}

module attributes {stable_mosaic.version = 14 : i64} {
  func.func @_out_body(%arg0: i32, %arg1: memref<2000x128xf32, #tpu.memory_space<vmem>>, %arg2: memref<2000x136xf32, #tpu.memory_space<vmem>>, %arg3: memref<128x128xf32, #tpu.memory_space<vmem>>, %arg4: memref<128x128xf32, #tpu.memory_space<vmem>>, %arg5: memref<2000x128xf32, #tpu.memory_space<vmem>>) attributes {dimension_semantics = [#tpu.dimension_semantics<arbitrary>], iteration_bounds = array<i64: 5>, scalar_prefetch = 0 : i64, scratch_operands = 0 : i64, tpu.core_type = #tpu.core_type<tc>, window_params = [{transform_indices = @transform_0, window_bounds = array<i64: 2000, 128>}, {transform_indices = @transform_1, window_bounds = array<i64: 2000, 136>}, {pipeline_mode = #tpu.pipeline_mode<synchronous>, transform_indices = @transform_2, window_bounds = array<i64: 128, 128>}, {pipeline_mode = #tpu.pipeline_mode<synchronous>, transform_indices = @transform_3, window_bounds = array<i64: 128, 128>}, {transform_indices = @transform_4, window_bounds = array<i64: 2000, 128>}]} {
    %get3A = arith.constant 0 : index
    %get3A_0 = arith.constant 0 : index
    %get3A_1 = vector.load %arg2[%get3A, %get3A_0] : memref<2000x136xf32, #tpu.memory_space<vmem>>, vector<2000x136xf32>
    %slice3A = vector.extract_strided_slice %get3A_1 {offsets = [0, 0], sizes = [2000, 128], strides = [1, 1]} : vector<2000x136xf32> to vector<2000x128xf32>
    %slice3A_2 = vector.extract_strided_slice %get3A_1 {offsets = [0, 128], sizes = [2000, 1], strides = [1, 1]} : vector<2000x136xf32> to vector<2000x1xf32>
    %gt3A = arith.constant 0.000000e+00 : f32
    %gt3A_3 = vector.broadcast %gt3A : f32 to vector<2000x1xf32>
    %gt3A_4 = arith.cmpf ogt, %slice3A_2, %gt3A_3 : vector<2000x1xf32>
    %div3A = vector.broadcast %slice3A_2 : vector<2000x1xf32> to vector<2000x128xf32>
    %div3A_5 = arith.divf %slice3A, %div3A : vector<2000x128xf32>
    %jit3A = arith.constant 0.000000e+00 : f32
    %broadcast_in_dim3A = vector.shape_cast %gt3A_4 : vector<2000x1xi1> to vector<2000x1xi1>
    %broadcast_in_dim3A_6 = vector.broadcast %broadcast_in_dim3A : vector<2000x1xi1> to vector<2000x128xi1>
    %broadcast_in_dim3A_7 = vector.broadcast %jit3A : f32 to vector<2000x128xf32>
    %select_n3A = arith.select %broadcast_in_dim3A_6, %div3A_5, %broadcast_in_dim3A_7 : vector<2000x128xi1>, vector<2000x128xf32>
    %get3A_8 = arith.constant 0 : index
    %get3A_9 = arith.constant 0 : index
    %get3A_10 = vector.load %arg1[%get3A_8, %get3A_9] : memref<2000x128xf32, #tpu.memory_space<vmem>>, vector<2000x128xf32>
    %add3A = arith.addf %get3A_10, %select_n3A : vector<2000x128xf32>
    %mul3A = arith.mulf %get3A_10, %select_n3A : vector<2000x128xf32>
    %convert_element_type3A = arith.truncf %add3A : vector<2000x128xf32> to vector<2000x128xbf16>
    %get3A_11 = arith.constant 0 : index
    %get3A_12 = arith.constant 0 : index
    %get3A_13 = vector.load %arg3[%get3A_11, %get3A_12] : memref<128x128xf32, #tpu.memory_space<vmem>>, vector<128x128xf32>
    %convert_element_type3A_14 = arith.truncf %get3A_13 : vector<128x128xf32> to vector<128x128xbf16>
    %dot_general3A = arith.constant dense<0.000000e+00> : vector<2000x128xf32>
    %dot_general3A_15 = tpu.matmul %convert_element_type3A, %convert_element_type3A_14, %dot_general3A {dimension_numbers = #tpu.dot_dimension_numbers<[1], [1], [0], [0], [0, 0, 1, 0], [], []>, transpose_lhs_hint = false} : vector<2000x128xbf16>, vector<128x128xbf16>, vector<2000x128xf32> -> vector<2000x128xf32>
    %convert_element_type3A_16 = arith.truncf %mul3A : vector<2000x128xf32> to vector<2000x128xbf16>
    %get3A_17 = arith.constant 0 : index
    %get3A_18 = arith.constant 0 : index
    %get3A_19 = vector.load %arg4[%get3A_17, %get3A_18] : memref<128x128xf32, #tpu.memory_space<vmem>>, vector<128x128xf32>
    %convert_element_type3A_20 = arith.truncf %get3A_19 : vector<128x128xf32> to vector<128x128xbf16>
    %dot_general3A_21 = arith.constant dense<0.000000e+00> : vector<2000x128xf32>
    %dot_general3A_22 = tpu.matmul %convert_element_type3A_16, %convert_element_type3A_20, %dot_general3A_21 {dimension_numbers = #tpu.dot_dimension_numbers<[1], [1], [0], [0], [0, 0, 1, 0], [], []>, transpose_lhs_hint = false} : vector<2000x128xbf16>, vector<128x128xbf16>, vector<2000x128xf32> -> vector<2000x128xf32>
    %ge3A = arith.constant 0.000000e+00 : f32
    %ge3A_23 = vector.broadcast %ge3A : f32 to vector<2000x128xf32>
    %ge3A_24 = arith.cmpf oge, %dot_general3A_15, %ge3A_23 : vector<2000x128xf32>
    %mul3A_25 = arith.constant 0.00999999977 : f32
    %mul3A_26 = vector.broadcast %mul3A_25 : f32 to vector<2000x128xf32>
    %mul3A_27 = arith.mulf %mul3A_26, %dot_general3A_15 : vector<2000x128xf32>
    %select_n3A_28 = arith.select %ge3A_24, %dot_general3A_15, %mul3A_27 : vector<2000x128xi1>, vector<2000x128xf32>
    %ge3A_29 = arith.constant 0.000000e+00 : f32
    %ge3A_30 = vector.broadcast %ge3A_29 : f32 to vector<2000x128xf32>
    %ge3A_31 = arith.cmpf oge, %dot_general3A_22, %ge3A_30 : vector<2000x128xf32>
    %mul3A_32 = arith.constant 0.00999999977 : f32
    %mul3A_33 = vector.broadcast %mul3A_32 : f32 to vector<2000x128xf32>
    %mul3A_34 = arith.mulf %mul3A_33, %dot_general3A_22 : vector<2000x128xf32>
    %select_n3A_35 = arith.select %ge3A_31, %dot_general3A_22, %mul3A_34 : vector<2000x128xi1>, vector<2000x128xf32>
    %add3A_36 = arith.addf %select_n3A_28, %select_n3A_35 : vector<2000x128xf32>
    %swap3A = arith.constant 0 : index
    %swap3A_37 = arith.constant 0 : index
    %swap3A_38 = vector.load %arg5[%swap3A, %swap3A_37] : memref<2000x128xf32, #tpu.memory_space<vmem>>, vector<2000x128xf32>
    tpu.vector_store %arg5[%swap3A, %swap3A_37], %add3A_36 {strides = array<i32>} : memref<2000x128xf32, #tpu.memory_space<vmem>>, vector<2000x128xf32>,
    return
  }
  func.func @transform_0(%arg0: i32) -> (i32, i32) {
    %c0_i32 = arith.constant 0 : i32
    %c0_i32_0 = arith.constant 0 : i32
    return %arg0, %c0_i32 : i32, i32
  }
  func.func @transform_1(%arg0: i32) -> (i32, i32) {
    %c0_i32 = arith.constant 0 : i32
    %c0_i32_0 = arith.constant 0 : i32
    return %arg0, %c0_i32 : i32, i32
  }
  func.func @transform_2(%arg0: i32) -> (i32, i32) {
    %c0_i32 = arith.constant 0 : i32
    %c0_i32_0 = arith.constant 0 : i32
    %c0_i32_1 = arith.constant 0 : i32
    return %c0_i32, %c0_i32_0 : i32, i32
  }
  func.func @transform_3(%arg0: i32) -> (i32, i32) {
    %c0_i32 = arith.constant 0 : i32
    %c0_i32_0 = arith.constant 0 : i32
    %c0_i32_1 = arith.constant 0 : i32
    return %c0_i32, %c0_i32_0 : i32, i32
  }
  func.func @transform_4(%arg0: i32) -> (i32, i32) {
    %c0_i32 = arith.constant 0 : i32
    %c0_i32_0 = arith.constant 0 : i32
    return %arg0, %c0_i32 : i32, i32
  }
}

</mosaic_0001>

<sc_bundles>
// kernel: kernel.5.cloned.1.call-start
scs
__scs_entry_jumppad:
0x0: {  	(pc) =	sbr.rel $0x88, $3  }
0x1: {  	(tag) =	ssettag $0x0;
	lr =	simm.s32 $0x1  }
0x2: {  	[smem:$0x3F9A] =	sst lr;
	_ =	strace $0xD0000000  }
0x3: {  	_ = 	snop  }
0x4: {  	_ = 	snop  }
0x5: {  	_ = 	snop  }
0x6: {  	_ = 	snop  }
0x7: {  	_ = 	snop  }
__scs_overlays_trampoline_lowered:
0x8: {  	[smem:$0x3FA9] =	sst s0  }
0x9: {  	[smem:$0x3FAA] =	sst s1  }
0xa: {  	[smem:$0x3FAB] =	sst s2  }
0xb: {  	[smem:$0x3FAC] =	sst s3  }
0xc: {  	[smem:$0x3FAD] =	sst s4  }
0xd: {  	[smem:$0x3FAE] =	sst s5  }
0xe: {  	[smem:$0x3FAF] =	sst s6  }
0xf: {  	[smem:$0x3FB0] =	sst s7  }
0x10: {  	[smem:$0x3FB1] =	sst s8  }
0x11: {  	[smem:$0x3FB2] =	sst s9;
	s0 =	simm.s32 @!p0 $0x0  }
0x12: {  	s1 =	sld [smem:$0x3F98];
	s0 =	simm.s32 @p0 $0x1  }
0x13: {  	[smem:$0x3FB3] =	sst s0;
	s0 =	simm.s32 @!p1 $0x0  }
0x14: {  	s2 =	sld [smem:$0x3F97];
	s0 =	simm.s32 @p1 $0x1  }
0x15: {  	[smem:$0x3FB4] =	sst s0;
	s0 =	simm.s32 @!p2 $0x0  }
0x16: {  	s3 =	sld [smem:$0x3FDB];
	s0 =	simm.s32 @p2 $0x1  }
0x17: {  	s4 =	simm.s32 $0x1BF5;
	[smem:$0x3FB6] =	sst s0  }
0x18: {  	s0 =	sld [smem:$0x3F99];
	_ =	swait.ge [sflag:s4], $0x0  }
0x19: {  	s7 =	sld [smem:$0x3F9A]  }
0x1a: {  	s8 =	sadd.s32 $0xFFFFE003, lr  }
0x1b: {  	s9 =	sadd.s32 $0xFFFFFEF7, lr;
	s5 =	simm.s32 $0xFFFFFFFF;
	p2 =	slt.u32 s8, $0xFFFFF086  }
0x1c: {  	p1 =	slt.u32 s9, $0xF7A;
	s5 =	simm.s32 @!p2 $0x0  }
0x1d: {  	s5 =	simm.s32 @p1 $0x1;
	p0 =	seq.s32 s7, s2  }
0x1e: {  	s7 =	smul.u32 @!p0 $0xF7A, s2;
	p2 =	seq.s32 @!p0 s5, $0x0  }
0x1f: {  	s9 =	smul.u32 $0xF7A, s1;
	s8 =	simm.s32 @!p0 $0x1BF5;
	p2 =	por !p2, p0  }
0x20: {  	[sflag:s8] =	ssyncset.s32 @!p0 $0xFFFFF086;
	s6 =	sadd.s32 @!p0 s3, s7;
	s7 =	simm.s32 @!p0 $0x108  }
0x21: {  	s3 =	sadd.s32 s3, s9;
	s6 =	sadd.s32 @!p0 $0x88, s6;
	s7 =	simm.s32 @p2 $0x1082  }
0x22: {  	[simem:s7], [sflag:s8] =	dma.local @!p0 [hbm:s6], $0xF7A  }
0x23: {  	s9 =	sor.u32 $0xD0000000, s2;
	s6 =	simm.s32 $0x108;
	_ =	swait.ge @!p0 [sflag:s8], $0x0  }
0x24: {  	s3 =	sadd.s32 $0x88, s3;
	s6 =	simm.s32 @!p1 $0x1082;
	[sflag:s4] =	ssyncset.s32 $0xFFFFF086  }
0x25: {  	[simem:s6], [sflag:s4] =	dma.local [hbm:s3], $0xF7A  }
0x26: {  	[smem:$0x3F9A] =	sst s1;
	(tag) =	ssettag s2;
	_ =	strace s9  }
0x27: {  	s1 =	sld [smem:$0x3FAA]  }
0x28: {  	s2 =	sld [smem:$0x3FAB]  }
0x29: {  	s4 =	sld [smem:$0x3FAD]  }
0x2a: {  	p0 =	seq.s32 s5, $0x0;
	s5 =	sld [smem:$0x3FAE]  }
0x2b: {  	s6 =	sld [smem:$0x3FAF]  }
0x2c: {  	s7 =	sld [smem:$0x3FB0]  }
0x2d: {  	s3 =	simm.s32 $0x108;
	s8 =	sld [smem:$0x3FB1]  }
0x2e: {  	s3 =	simm.s32 @!p0 $0x1082;
	s9 =	sld [smem:$0x3FB2]  }
0x2f: {  	lr =	sadd.s32 s0, s3;
	s0 =	sld [smem:$0x3FA9]  }
0x30: {  	s3 =	sld [smem:$0x3FAC]  }
0x31: {  	[smem:$0x3FB5] =	sst s10  }
0x32: {  	s10 =	sld [smem:$0x3FB3];
	_ =	sdelay $0x3  }
0x33: {  	p0 =	seq.s32 s10, $0x1;
	s10 =	sld [smem:$0x3FB5];
	_ =	sdelay $0x3  }
0x34: {  	[smem:$0x3FB5] =	sst s10  }
0x35: {  	s10 =	sld [smem:$0x3FB4];
	_ =	sdelay $0x3  }
0x36: {  	p1 =	seq.s32 s10, $0x1;
	s10 =	sld [smem:$0x3FB5];
	_ =	sdelay $0x3  }
0x37: {  	[smem:$0x3FB5] =	sst s10  }
0x38: {  	s10 =	sld [smem:$0x3FB6]  }
0x39: {  	_ = 	snop;
	(pc) =	sbr.ind lr, $3  }
0x3a: {  	_ = 	snop  }
0x3b: {  	_ = 	snop  }
0x3c: {  	p2 =	seq.s32 s10, $0x1;
	s10 =	sld [smem:$0x3FB5]  }
0x3d: {  	_ =	shalt  }
0x3e: {  	_ =	shalt  }
0x3f: {  	_ =	shalt  }
0x40: {  	_ =	shalt  }
0x41: {  	_ =	shalt  }
0x42: {  	_ =	shalt  }
0x43: {  	_ =	shalt  }
0x44: {  	_ =	shalt  }
0x45: {  	_ =	shalt  }
0x46: {  	_ =	shalt  }
0x47: {  	_ =	shalt  }
0x48: {  	_ =	shalt  }
0x49: {  	_ =	shalt  }
0x4a: {  	_ =	shalt  }
0x4b: {  	_ =	shalt  }
0x4c: {  	_ =	shalt  }
0x4d: {  	_ =	shalt  }
0x4e: {  	_ =	shalt  }
0x4f: {  	_ =	shalt  }
0x50: {  	_ =	shalt  }
0x51: {  	_ =	shalt  }
0x52: {  	_ =	shalt  }
0x53: {  	_ =	shalt  }
0x54: {  	_ =	shalt  }
0x55: {  	_ =	shalt  }
0x56: {  	_ =	shalt  }
0x57: {  	_ =	shalt  }
0x58: {  	_ =	shalt  }
0x59: {  	_ =	shalt  }
0x5a: {  	_ =	shalt  }
0x5b: {  	_ =	shalt  }
0x5c: {  	_ =	shalt  }
0x5d: {  	_ =	shalt  }
0x5e: {  	_ =	shalt  }
0x5f: {  	_ =	shalt  }
0x60: {  	_ =	shalt  }
0x61: {  	_ =	shalt  }
0x62: {  	_ =	shalt  }
0x63: {  	_ =	shalt  }
0x64: {  	_ =	shalt  }
0x65: {  	_ =	shalt  }
0x66: {  	_ =	shalt  }
0x67: {  	_ =	shalt  }
0x68: {  	_ =	shalt  }
0x69: {  	_ =	shalt  }
0x6a: {  	_ =	shalt  }
0x6b: {  	_ =	shalt  }
0x6c: {  	_ =	shalt  }
0x6d: {  	_ =	shalt  }
0x6e: {  	_ =	shalt  }
0x6f: {  	_ =	shalt  }
0x70: {  	_ =	shalt  }
0x71: {  	_ =	shalt  }
0x72: {  	_ =	shalt  }
0x73: {  	_ =	shalt  }
0x74: {  	_ =	shalt  }
0x75: {  	_ =	shalt  }
0x76: {  	_ =	shalt  }
0x77: {  	_ =	shalt  }
0x78: {  	_ =	shalt  }
0x79: {  	_ =	shalt  }
0x7a: {  	_ =	shalt  }
0x7b: {  	_ =	shalt  }
0x7c: {  	_ =	shalt  }
0x7d: {  	_ =	shalt  }
0x7e: {  	_ =	shalt  }
0x7f: {  	_ =	shalt  }
0x80: {  	_ =	shalt  }
0x81: {  	_ =	shalt  }
0x82: {  	_ =	shalt  }
0x83: {  	_ =	shalt  }
0x84: {  	_ =	shalt  }
0x85: {  	_ =	shalt  }
0x86: {  	_ =	shalt  }
0x87: {  	_ =	shalt  }
.Lfunc_end0:
.L_simem_size_0:
called_computation_lowered:
.L_overlay_start_0:
0x88: {  	s0 =	sld [smem:$0x3FD9]  }
0x89: {  	s1 =	sld [smem:$0x3FFE];
	_ =	sdelay $0x3  }
0x8a: {  	s0 =	sadd.s32 s1, s0  }
0x8b: {  	[smem:$0x3FC1] =	sst s0  }
0x8c: {  	_ = 	snop  }
0x8d: {  	s0 =	sld [smem:$0x3FC9]  }
0x8e: {  	s16 =	sld [smem:$0x3FC6]  }
0x8f: {  	s2 =	sld [smem:$0x3FD0];
	(tm) =	ssettm $0x1  }
0x90: {  	s3 =	sld [smem:$0x3FFB];
	_ =	sdelay $0x3  }
0x91: {  	_ =	strace s3  }
0x92: {  	s3 =	sld [smem:$0x3FFC];
	_ =	sdelay $0x3  }
0x93: {  	_ =	strace s3  }
0x94: {  	s3 =	sld [smem:$0x3FFD];
	_ =	sdelay $0x3  }
0x95: {  	_ =	strace s3  }
0x96: {  	_ =	strace $0x8FFFFFFF  }
0x97: {  	s17 =	sld [smem:$0x3FDB];
	_ =	sdelay $0x1  }
0x98: {  	s4 =	simm.s32 $_scs_section_size  }
0x99: {  	s5 =	simm.s32 $_size__tile_overlayer_lowered;
	s6 =	simm.s32 $_tile_overlayer_lowered  }
0x9a: {  	s20 =	simm.s32 $0x1BFF;
	s19 =	sshll.u32 s6, $0x1;
	s3 =	sadd.s32 s4, s17  }
0x9b: {  	s7 =	simm.s32 $0x0;
	s18 =	sshll.u32 s5, $0x1;
	s5 =	sadd.s32 s19, s3  }
0x9c: {  	[timem:s7], [sflag:s20] =	dma.local [hbm:s5], s18  }
0x9d: {  	_ =	swait.ge [sflag:s20], s18  }
0x9e: {  	s4 =	ssub.s32 $0x0, s18;
	[sflag:s20] =	ssyncset.done $0x0  }
0x9f: {  	[sflag:s20] =	ssyncadd.s32 s4;
	_ =	sdelay $0x1  }
0xa0: {  	s21 =	simm.s32 $0x1B8B  }
0xa1: {  	_ =	swait.ge [sflag:s21], $0x1  }
0xa2: {  	[sflag:s21] =	ssyncset.done $0x0  }
0xa3: {  	s23 =	simm.s32 $0x1B8E;
	s22 =	sld [smem:$0x3FFE];
	[sflag:s21] =	ssyncadd.s32 $0xFFFFFFFF  }
0xa4: {  	s24 =	simm.s32 $execute0_lowered;
	[smem:$0x3FD2] =	sst s23  }
0xa5: {  	s5 =	sshll.u32 s24, $0x1;
	_ =	strace $0x80000046;
	[dreg:$0x1] =	wrdreg $0xFFFFFFFF  }
0xa6: {  	s25 =	simm.s32 $_size_execute0_lowered;
	s3 =	sadd.s32 s3, s5;
	[dreg:$0x0] =	wrdreg $0x0  }
0xa7: {  	s5 =	sshll.u32 s25, $0x1;
	[dreg:$0x2] =	wrdreg s3  }
0xa8: {  	[dreg:$0x3] =	wrdreg s5  }
0xa9: {  	[dreg:$0x4] =	wrdreg $0xC0  }
0xaa: {  	_ =	task [dreg:s7], $0x5FFFF  }
0xab: {  	[dreg:$0x1] =	wrdreg $0xFFFFFFFF  }
0xac: {  	[dreg:$0x0] =	wrdreg $0x60  }
0xad: {  	[dreg:$0x2] =	wrdreg s22  }
0xae: {  	[dreg:$0x3] =	wrdreg s2  }
0xaf: {  	[dreg:$0x4] =	wrdreg s0  }
0xb0: {  	[dreg:$0x5] =	wrdreg s16  }
0xb1: {  	[dreg:$0x6] =	wrdreg $0xA8C00  }
0xb2: {  	[dreg:$0x7] =	wrdreg $0x9  }
0xb3: {  	_ =	task.clear_ibuf [dreg:s7], $0x8FFFF;
	_ =	strace $0x90000046  }
0xb4: {  	s26 =	simm.s32 $0x9;
	_ =	strace $0x80000048  }
0xb5: {  	_ =	swait.ge [sflag:s26], $0x1  }
0xb6: {  	[sflag:s26] =	ssyncadd.s32 $0xFFFFFFFF  }
0xb7: {  	_ =	strace $0x90000048  }
0xb8: {  	_ =	sfence  }
0xb9: {  	s28 =	sld [smem:$0x0];
	_ =	sdelay $0x1  }
0xba: {  	s29 =	srdreg.scid  }
0xbb: {  	s30 =	sshll.u32 s29, $0xD;
	s31 =	sshrl.u32 s29, $0x2  }
0xbc: {  	s1 =	sand.u32 $0x1, s29;
	s2 =	sand.u32 $0x4000, s30;
	s0 =	sadd.s32 s31, s28  }
0xbd: {  	s1 =	sor.u32 s2, s1;
	s0 =	sshll.u32 s0, $0x11  }
0xbe: {  	s0 =	sor.u32 s0, s1  }
0xbf: {  	s0 =	sadd.s32 $0x8F2B, s0  }
0xc0: {  	[sflag:s0] =	ssyncadd.remote.s32 $0x1  }
0xc1: {  	_ =	sfence.sel $0xFFFF  }
0xc2: {  	[dreg:$0x0] =	wrdreg $0xFFFFFFFF;
	(pc) =	sbr.abs _section_cstart, $3  }
0xc3: {  	[dreg:$0x1] =	wrdreg $0xFFFFFFFF  }
0xc4: {  	_ =	task.clear_ibuf [dreg:s7], $0x2FFFF;
	_ =	strace $0x9FFFFFFF  }
0xc5: {  	(tm) =	ssettm $0x7FFFFFFF  }
tec
execute0_lowered:
.L_overlay_start_1:
0x0: {  	(tag) =	ssettag $0x1  }
0x1: {  	s1 =	rddreg [dreg:$0x0]  }
0x2: {  	s3 =	rddreg [dreg:$0x2]  }
0x3: {  	s4 =	rddreg [dreg:$0x3]  }
0x4: {  	s5 =	rddreg [dreg:$0x4];
	s0 =	simm.s32 $0x0  }
0x5: {  	s2 =	stileid.u32;
	[smem:$0x7FF] =	sst s0  }
0x6: {  	s6 =	sadd.s32 $0x14A00, s1;
	s7 =	sadd.s32 $0x285A00, s1;
	s8 =	sadd.s32 $0xAC00, s1  }
0x7: {  	v0 =	vimm.f32 $0.0e+00;
	s9 =	sadd.s32 $0xE00, s1;
	s0 =	simm.s32 $0x0;
	s1 =	sadd.s32 $0x28F800, s1  }
0x8: {  	_ =	strace $0x80000047;
	[dreg:$0x6] =	wrdreg s1;
	[tilespmem:s0+$0x7EB0] =	vst v0;
	s1 =	simm.s32 $0x220  }
.LBB2_1:
0x9: {  	p0 =	sne.s32 s1, $0xA7E0;
	[tilespmem:s0+$0x7EB8] =	vst v0  }
0xa: {  	[tilespmem:s0+$0x7E40] =	vst v0  }
0xb: {  	[tilespmem:s0+$0x7E50] =	vst v0  }
0xc: {  	[tilespmem:s0+$0x7E60] =	vst v0  }
.Ltmp0:
0xd: {  	[tilespmem:s0+$0x7E70] =	vst v0;
	(pc) =	sbr.rel @p0 .LBB2_1-.Ltmp0, $4  }
0xe: {  	[tilespmem:s0+$0x7E80] =	vst v0  }
0xf: {  	[tilespmem:s0+$0x7E90] =	vst v0  }
0x10: {  	[tilespmem:s0+$0x7EA0] =	vst v0;
	s0 =	sshra.s32 s1, $0x2  }
0x11: {  	s1 =	sadd.s32 $0x220, s1;
	[tilespmem:s0+$0x7EB0] =	vst v0  }
0x12: {  	[tilespmem:s0+$0x7EB8] =	vst v0  }
0x13: {  	[tilespmem:s0+$0x7E40] =	vst v0  }
0x14: {  	[tilespmem:s0+$0x7E50] =	vst v0  }
0x15: {  	[tilespmem:s0+$0x7E60] =	vst v0  }
0x16: {  	[tilespmem:s0+$0x7E70] =	vst v0;
	s1 =	smul.u32 $0x14FC0, s2  }
0x17: {  	[tilespmem:s0+$0x7E80] =	vst v0  }
0x18: {  	[tilespmem:s0+$0x7E90] =	vst v0;
	s22 =	smul.u32 $0x53F00, s2;
	[dreg:$0x8] =	wrdreg s1;
	s1 =	sadd.s32 s1, s5  }
0x19: {  	[tilespmem:s0+$0x7EA0] =	vst v0;
	s13 =	simm.s32 $0x7E40;
	s14 =	simm.s32 $0x5;
	[dreg:$0x7] =	wrdreg s1  }
0x1a: {  	[spmem:s1] =	stream.linear.scatter [tilespmem:s13], [sflag:$0x5], $0x2A80, $0x38;
	[tilespmem:$0x1F880] =	vst v63  }
0x1b: {  	s0 =	sshrl.u32 s22, $0x2;
	_ =	swait.ge [sflag:s14], $0x2A80  }
0x1c: {  	s0 =	sadd.s32 s0, s5;
	[sflag:s14] =	ssyncset.done $0x0  }
0x1d: {  	s23 =	sadd.s32 $0x2A80, s0;
	[sflag:s14] =	ssyncadd.s32 $0xFFFFD580  }
0x1e: {  	[spmem:s23] =	stream.linear.scatter [tilespmem:s13], [sflag:$0x5], $0x2A80, $0x38;
	[tilespmem:$0x1F880] =	vst v63  }
0x1f: {  	_ =	swait.ge [sflag:s14], $0x2A80  }
0x20: {  	[sflag:s14] =	ssyncset.done $0x0  }
0x21: {  	s24 =	sadd.s32 $0x5500, s0;
	[sflag:s14] =	ssyncadd.s32 $0xFFFFD580  }
0x22: {  	[spmem:s24] =	stream.linear.scatter [tilespmem:s13], [sflag:$0x5], $0x2A80, $0x38;
	[tilespmem:$0x1F880] =	vst v63  }
0x23: {  	_ =	swait.ge [sflag:s14], $0x2A80  }
0x24: {  	[sflag:s14] =	ssyncset.done $0x0  }
0x25: {  	s25 =	sadd.s32 $0x7F80, s0;
	[sflag:s14] =	ssyncadd.s32 $0xFFFFD580  }
0x26: {  	[spmem:s25] =	stream.linear.scatter [tilespmem:s13], [sflag:$0x5], $0x2A80, $0x38;
	[tilespmem:$0x1F880] =	vst v63  }
0x27: {  	_ =	swait.ge [sflag:s14], $0x2A80  }
0x28: {  	[sflag:s14] =	ssyncset.done $0x0  }
0x29: {  	s26 =	sadd.s32 $0xAA00, s0;
	[sflag:s14] =	ssyncadd.s32 $0xFFFFD580  }
0x2a: {  	[spmem:s26] =	stream.linear.scatter [tilespmem:s13], [sflag:$0x5], $0x2A80, $0x38;
	[tilespmem:$0x1F880] =	vst v63  }
0x2b: {  	_ =	swait.ge [sflag:s14], $0x2A80  }
0x2c: {  	[sflag:s14] =	ssyncset.done $0x0  }
0x2d: {  	s30 =	sadd.s32 $0xD480, s0;
	[sflag:s14] =	ssyncadd.s32 $0xFFFFD580  }
0x2e: {  	[spmem:s30] =	stream.linear.scatter [tilespmem:s13], [sflag:$0x5], $0x2A80, $0x38;
	[tilespmem:$0x1F880] =	vst v63  }
0x2f: {  	_ =	swait.ge [sflag:s14], $0x2A80  }
0x30: {  	[sflag:s14] =	ssyncset.done $0x0  }
0x31: {  	s15 =	smul.u32 $0x4E20, s2;
	s31 =	sadd.s32 $0xFF00, s0;
	[sflag:s14] =	ssyncadd.s32 $0xFFFFD580  }
0x32: {  	[spmem:s31] =	stream.linear.scatter [tilespmem:s13], [sflag:$0x5], $0x2A80, $0x38;
	[tilespmem:$0x1F880] =	vst v63  }
0x33: {  	s16 =	simm.s32 $0x0;
	s17 =	simm.s32 $0x190;
	_ =	swait.ge [sflag:s14], $0x2A80  }
0x34: {  	s18 =	simm.s32 $0x320;
	s19 =	simm.s32 $0x4B0;
	[sflag:s14] =	ssyncset.done $0x0  }
0x35: {  	s20 =	simm.s32 $0x50;
	s0 =	sadd.s32 $0x12980, s0;
	[sflag:s14] =	ssyncadd.s32 $0xFFFFD580  }
0x36: {  	v1 =	vlaneseq.u32;
	[spmem:s0] =	stream.linear.scatter [tilespmem:s13], [sflag:$0x5], $0x2640, $0x38;
	[tilespmem:$0x1F880] =	vst v63  }
0x37: {  	s21 =	simm.s32 $0x640;
	s28 =	simm.s32 $0x3;
	v0 =	vmul.u32 $0x80, v1;
	v1 =	vmul.u32 $0x88, v1;
	_ =	swait.ge [sflag:s14], $0x2640  }
0x38: {  	s29 =	simm.s32 $0x0;
	s22 =	simm.s32 $0x2E40;
	[sflag:s14] =	ssyncset.done $0x0  }
0x39: {  	v2 =	vadd.s32 $0x80, v1;
	v3 =	vor.u32 $0x800, v0;
	v4 =	vadd.s32 $0x900, v1;
	s23 =	simm.s32 $0x5640;
	s24 =	simm.s32 $0x1;
	[sflag:s14] =	ssyncadd.s32 $0xFFFFD9C0  }
0x3a: {  	v5 =	vor.u32 $0x1000, v0;
	v6 =	vadd.s32 $0x1180, v1;
	v7 =	vor.u32 $0x1800, v0;
	s25 =	simm.s32 $0x2;
	s26 =	simm.s32 $0x4;
	[bflag:$0x0] =	sbarrier.arrive $0xFFFF  }
.LBB2_3:
0x3b: {  	s0 =	smul.u32 $0x190, s29;
	_ =	sdelay $0x1  }
0x3c: {  	s0 =	sadd.s32 s15, s0  }
0x3d: {  	s0 =	sshrl.u32 s0, $0x3  }
0x3e: {  	s1 =	sadd.s32 s7, s0  }
0x3f: {  	[tilespmem:s16], [sflag:$0x5] =	stream.linear.gather [hbm4b:s1+s16], $0x190, $0x38;
	[tilespmem:$0x1F880] =	vst v63  }
0x40: {  	_ =	swait.ge [sflag:s14], $0x190  }
0x41: {  	[sflag:s14] =	ssyncset.done $0x0  }
0x42: {  	[sflag:s14] =	ssyncadd.s32 $0xFFFFFE70  }
0x43: {  	s11 =	rddreg [dreg:$0x1]  }
0x44: {  	s1 =	sadd.s32 s11, s0  }
0x45: {  	[tilespmem:s17], [sflag:$0x5] =	stream.linear.gather [hbm4b:s1+s16], $0x190, $0x38;
	[tilespmem:$0x1F880] =	vst v63  }
0x46: {  	_ =	swait.ge [sflag:s14], $0x190  }
0x47: {  	[sflag:s14] =	ssyncset.done $0x0  }
0x48: {  	s12 =	sadd.s32 s8, s0;
	[sflag:s14] =	ssyncadd.s32 $0xFFFFFE70  }
0x49: {  	[tilespmem:s18], [sflag:$0x5] =	stream.linear.gather [hbm4b:s12+s16], $0x190, $0x38;
	[tilespmem:$0x1F880] =	vst v63  }
0x4a: {  	_ =	swait.ge [sflag:s14], $0x190  }
0x4b: {  	[sflag:s14] =	ssyncset.done $0x0  }
0x4c: {  	s0 =	sadd.s32 s9, s0;
	[sflag:s14] =	ssyncadd.s32 $0xFFFFFE70  }
0x4d: {  	[tilespmem:s19], [sflag:$0x5] =	stream.linear.gather [hbm4b:s0+s16], $0x190, $0x38;
	[tilespmem:$0x1F880] =	vst v63  }
0x4e: {  	_ =	swait.ge [sflag:s14], $0x190  }
0x4f: {  	[sflag:s14] =	ssyncset.done $0x0  }
0x50: {  	s30 =	smul.u32 $0x5, s29;
	s31 =	simm.s32 $0x0;
	[sflag:s14] =	ssyncadd.s32 $0xFFFFFE70  }
.LBB2_4:
0x51: {  	s0 =	smul.u32 $0x50, s31  }
0x52: {  	s1 =	sadd.s32 s30, s31  }
0x53: {  	[tilespmem:s21], [sflag:$0x1] =	stream.indirect.gather [hbm4b:s6+s20], $0x80, s0, s20, $0xb8;
	[tilespmem:$0x1F880] =	vst v63  }
0x54: {  	s10 =	sadd.s32 $0x190, s0;
	s1 =	smul.u32 $0x50, s1  }
0x55: {  	[tilespmem:s22], [sflag:$0x2] =	stream.indirect.gather [hbm4b:s6+s20], $0x80, s10, s20, $0xb8;
	[tilespmem:$0x1F880] =	vst v63  }
0x56: {  	s1 =	sadd.s32 s15, s1  }
0x57: {  	s1 =	sshll.u32 s1, $0x4  }
0x58: {  	s11 =	simm.s32 $0x0;
	s1 =	sadd.s32 s4, s1  }
0x59: {  	[tilespmem:s23], [sflag:$0x4] =	stream.linear.gather [hbm4b:s1+s11], $0x2800, $0x38;
	[tilespmem:$0x1F880] =	vst v63  }
0x5a: {  	v8 =	vmov s11;
	_ =	swait.ge [sflag:s24], $0x2800  }
0x5b: {  	s12 =	simm.s32 $0x1;
	v8 =	vand.u32 $0x7C, v8;
	[sflag:s24] =	ssyncset.done $0x0  }
0x5c: {  	v9 =	vmov s12;
	v8 =	vbroadcast v8, $0x0;
	[sflag:s24] =	ssyncadd.s32 $0xFFFFD800  }
0x5d: {  	s2 =	simm.s32 $0x2;
	v9 =	vand.u32 $0x7D, v9;
	_ =	swait.ge [sflag:s25], $0x2800  }
0x5e: {  	v10 =	vmov s2;
	v9 =	vbroadcast v9, $0x0;
	v8 =	vor.u32 v0, v8;
	[sflag:s25] =	ssyncset.done $0x0  }
0x5f: {  	v11 =	vand.u32 $0x7E, v10;
	s10 =	simm.s32 $0x3;
	[sflag:s25] =	ssyncadd.s32 $0xFFFFD800  }
0x60: {  	v10 =	vor.u32 v0, v9;
	v9 =	vbroadcast v11, $0x0;
	v11 =	vmov s10;
	_ =	swait.ge [sflag:s26], $0x2800  }
0x61: {  	v11 =	vand.u32 $0x7F, v11;
	[sflag:s26] =	ssyncset.done $0x0  }
0x62: {  	v9 =	vor.u32 v0, v9;
	v11 =	vbroadcast v11, $0x0;
	[sflag:s26] =	ssyncadd.s32 $0xFFFFD800  }
0x63: {  	v12 =	vld.idx.msk [tilespmem:v8+s22+$0x0], $0xffff  }
0x64: {  	v14 =	vor.u32 v0, v11;
	v13 =	vld.idx.msk [tilespmem:v8+s23+$0x0], $0xffff  }
0x65: {  	v11 =	vld.idx.msk [tilespmem:v10+s22+$0x0], $0xffff  }
0x66: {  	v15 =	vld.idx.msk [tilespmem:v10+s23+$0x0], $0xffff  }
0x67: {  	v16 =	vld.idx.msk [tilespmem:v9+s22+$0x0], $0xffff  }
0x68: {  	s11 =	simm.s32 $0x4;
	v17 =	vld.idx.msk [tilespmem:v9+s23+$0x0], $0xffff  }
0x69: {  	v19 =	vmov s11;
	v18 =	vld.idx.msk [tilespmem:v14+s22+$0x0], $0xffff  }
0x6a: {  	v19 =	vand.u32 $0x7C, v19;
	v20 =	vld.idx.msk [tilespmem:v14+s23+$0x0], $0xffff  }
0x6b: {  	v19 =	vbroadcast v19, $0x0  }
0x6c: {  	s2 =	simm.s32 $0x5;
	v12 =	vadd.f32 v13, v12  }
0x6d: {  	v21 =	vmov s2;
	v15 =	vadd.f32 v15, v11;
	v11 =	vor.u32 v0, v19  }
0x6e: {  	v19 =	vand.u32 $0x7D, v21;
	v16 =	vadd.f32 v17, v16;
	v12 =	vadd.f32 v12, v12  }
0x6f: {  	s12 =	simm.s32 $0x6;
	v17 =	vadd.f32 v20, v18;
	v18 =	vbroadcast v19, $0x0;
	v15 =	vadd.f32 v15, v15  }
0x70: {  	v13 =	vmov s12;
	v16 =	vadd.f32 v16, v16;
	v12 =	vmul.f32 $1.442695020e+00, v12  }
0x71: {  	v19 =	vand.u32 $0x7E, v13;
	v13 =	vor.u32 v0, v18;
	v15 =	vmul.f32 $1.442695020e+00, v15  }
0x72: {  	v16 =	vmul.f32 $1.442695020e+00, v16;
	(erf) = vpow2.f32 v12;
	v12 =	vadd.f32 v17, v17  }
0x73: {  	v17 =	vbroadcast v19, $0x0;
	(erf) = vpow2.f32 v15  }
0x74: {  	v15 =	vmul.f32 $1.442695020e+00, v12;
	(erf) = vpow2.f32 v16  }
0x75: {  	s10 =	simm.s32 $0x7;
	v19 =	vld.idx.msk [tilespmem:v11+s22+$0x0], $0xffff  }
0x76: {  	v12 =	vor.u32 v0, v17;
	v17 =	vld.idx.msk [tilespmem:v11+s23+$0x0], $0xffff;
	(erf) = vpow2.f32 v15;
	v15 =	vmov s10  }
0x77: {  	v20 =	vld.idx.msk [tilespmem:v13+s22+$0x0], $0xffff;
	v15 =	vand.u32 $0x7F, v15  }
0x78: {  	v21 =	vld.idx.msk [tilespmem:v13+s23+$0x0], $0xffff;
	v15 =	vbroadcast v15, $0x0;
	_ =	sdelay $0x1  }
0x79: {  	v15 =	vor.u32 v0, v15  }
0x7a: {  	v24 =	vpop (erf)  }
0x7b: {  	v17 =	vadd.f32 v17, v19;
	v24 =	vadd.f32 $1.000000000e+00, v24;
	v26 =	vpop (erf)  }
0x7c: {  	v22 =	vld.idx.msk [tilespmem:v12+s22+$0x0], $0xffff;
	v19 =	vadd.f32 $1.000000000e+00, v26;
	v26 =	vadd.f32 v21, v20;
	v20 =	vpop (erf)  }
0x7d: {  	s10 =	simm.s32 $0x8;
	v25 =	vld.idx.msk [tilespmem:v12+s23+$0x0], $0xffff;
	(erf) = vrcp.f32 v24;
	v20 =	vadd.f32 $1.000000000e+00, v20  }
0x7e: {  	v18 =	vmov s10;
	(erf) = vrcp.f32 v19;
	v19 =	vld.idx.msk [tilespmem:v15+s22+$0x0], $0xffff  }
0x7f: {  	s12 =	simm.s32 $0x9;
	v23 =	vand.u32 $0x7C, v18;
	v21 =	vpop (erf);
	(erf) = vrcp.f32 v20;
	v20 =	vld.idx.msk [tilespmem:v15+s23+$0x0], $0xffff  }
0x80: {  	s11 =	simm.s32 $0xA;
	v27 =	vmov s12;
	v16 =	vimm.f32 $0.0e+00;
	v23 =	vbroadcast v23, $0x0  }
0x81: {  	v18 =	vmov s11;
	v24 =	vadd.f32 v17, v17;
	v28 =	vadd.f32 $1.000000000e+00, v21  }
0x82: {  	v17 =	vor.u32 v0, v23;
	v23 =	vand.u32 $0x7D, v27;
	v21 =	vadd.f32 v25, v22  }
0x83: {  	s1 =	simm.s32 $0xC;
	v22 =	vmul.f32 $1.442695020e+00, v24;
	v24 =	vadd.f32 v26, v26;
	(erf) = vrcp.f32 v28  }
.LBB2_5:
0x84: {  	p0 =	sne.s32 s1, $0x7C;
	v23 =	vbroadcast v23, $0x0;
	v18 =	vand.u32 $0x7E, v18;
	v19 =	vadd.f32 v20, v19  }
0x85: {  	v21 =	vadd.f32 v21, v21;
	v26 =	vmul.f32 $1.442695020e+00, v24;
	(erf) = vpow2.f32 v22;
	v22 =	vld.idx.msk [tilespmem:v8+s21+$0x0], $0xffff;
	v8 =	vmovc v11;
	v11 =	vmovc v17  }
0x86: {  	s11 =	sadd.s32 $0x3, s10;
	s10 =	smov.u32 s1;
	v18 =	vbroadcast v18, $0x0;
	v24 =	vld.idx.msk [tilespmem:v17+s22+$0x0], $0xffff;
	v23 =	vor.u32 v0, v23;
	v19 =	vadd.f32 v19, v19  }
0x87: {  	v25 =	vmov s11;
	v21 =	vmul.f32 $1.442695020e+00, v21;
	v17 =	vld.idx.msk [tilespmem:v17+s23+$0x0], $0xffff;
	(erf) = vpow2.f32 v26;
	v20 =	vpop (erf)  }
0x88: {  	v25 =	vand.u32 $0x7F, v25;
	v19 =	vmul.f32 $1.442695020e+00, v19;
	v20 =	vadd.f32 v20, v20;
	v26 =	vld.idx.msk [tilespmem:v10+s21+$0x0], $0xffff;
	v10 =	vmovc v13;
	v13 =	vmovc v23  }
0x89: {  	v27 =	vor.u32 v0, v18;
	v18 =	vbroadcast v25, $0x0;
	(erf) = vpow2.f32 v21;
	v21 =	vld.idx.msk [tilespmem:v14+s21+$0x0], $0xffff;
	v14 =	vpop (erf)  }
0x8a: {  	(erf) = vpow2.f32 v19;
	v19 =	vsub.f32 $1.000000000e+00, v20;
	v20 =	vadd.f32 v14, v14;
	v25 =	vld.idx.msk [tilespmem:v9+s21+$0x0], $0xffff;
	v9 =	vmovc v12;
	v12 =	vmovc v27  }
0x8b: {  	v28 =	vmov s1;
	v14 =	vmov v15;
	v15 =	vor.u32 v0, v18;
	v29 =	vld.idx.msk [tilespmem:v23+s22+$0x0], $0xffff;
	v30 =	vpop (erf)  }
0x8c: {  	s11 =	sadd.s32 $0x2, s1;
	v23 =	vld.idx.msk [tilespmem:v23+s23+$0x0], $0xffff;
	v19 =	vmul.f32 v19, v22;
	v20 =	vsub.f32 $1.000000000e+00, v20;
	v22 =	vadd.f32 v30, v30;
	v30 =	vpop (erf)  }
0x8d: {  	v28 =	vand.u32 $0x7C, v28;
	v18 =	vmov s11;
	v30 =	vadd.f32 v30, v30  }
0x8e: {  	s11 =	sadd.s32 $0x1, s1;
	v27 =	vld.idx.msk [tilespmem:v27+s22+$0x0], $0xffff;
	v31 =	vpop (erf);
	v16 =	vadd.f32 v19, v16;
	v20 =	vmul.f32 v20, v26;
	v22 =	vsub.f32 $1.000000000e+00, v22  }
0x8f: {  	v26 =	vbroadcast v28, $0x0;
	v28 =	vmov s11;
	v32 =	vld.idx.msk [tilespmem:v12+s23+$0x0], $0xffff;
	v31 =	vadd.f32 $1.000000000e+00, v31  }
0x90: {  	v19 =	vld.idx.msk [tilespmem:v15+s22+$0x0], $0xffff;
	v33 =	vpop (erf);
	v16 =	vadd.f32 v20, v16;
	v22 =	vmul.f32 v22, v25;
	v25 =	vsub.f32 $1.000000000e+00, v30  }
0x91: {  	v17 =	vadd.f32 v17, v24;
	v20 =	vld.idx.msk [tilespmem:v15+s23+$0x0], $0xffff;
	v24 =	vadd.f32 $1.000000000e+00, v33;
	(erf) = vrcp.f32 v31  }
.Ltmp1:
0x92: {  	v29 =	vadd.f32 v23, v29;
	v23 =	vpop (erf);
	v16 =	vadd.f32 v22, v16;
	v21 =	vmul.f32 v25, v21;
	(pc) =	sbr.rel @p0 .LBB2_5-.Ltmp1, $4  }
0x93: {  	v22 =	vadd.f32 v17, v17;
	v25 =	vadd.f32 $1.000000000e+00, v23;
	(erf) = vrcp.f32 v24;
	v23 =	vpop (erf)  }
0x94: {  	v17 =	vor.u32 v0, v26;
	v26 =	vadd.f32 $1.000000000e+00, v23;
	v16 =	vadd.f32 v21, v16  }
0x95: {  	v23 =	vand.u32 $0x7D, v28;
	v21 =	vadd.f32 v32, v27;
	(erf) = vrcp.f32 v25  }
0x96: {  	s1 =	sadd.s32 $0x4, s1;
	v24 =	vadd.f32 v29, v29;
	v22 =	vmul.f32 $1.442695020e+00, v22;
	(erf) = vrcp.f32 v26  }
0x97: {  	v23 =	vbroadcast v23, $0x0  }
0x98: {  	v19 =	vadd.f32 v20, v19;
	v18 =	vand.u32 $0x7E, v18;
	v20 =	vmul.f32 $1.442695020e+00, v24  }
0x99: {  	v21 =	vadd.f32 v21, v21;
	s1 =	sadd.s32 $0x3, s10;
	(erf) = vpow2.f32 v22;
	v18 =	vbroadcast v18, $0x0  }
0x9a: {  	v22 =	vor.u32 v0, v23;
	v19 =	vadd.f32 v19, v19;
	v23 =	vmov s1  }
0x9b: {  	v21 =	vmul.f32 $1.442695020e+00, v21;
	(erf) = vpow2.f32 v20;
	v20 =	vand.u32 $0x7F, v23  }
0x9c: {  	v18 =	vor.u32 v0, v18;
	v19 =	vmul.f32 $1.442695020e+00, v19;
	v20 =	vbroadcast v20, $0x0  }
0x9d: {  	(erf) = vpow2.f32 v21;
	v21 =	vld.idx.msk [tilespmem:v17+s22+$0x0], $0xffff  }
0x9e: {  	(erf) = vpow2.f32 v19;
	v19 =	vld.idx.msk [tilespmem:v17+s23+$0x0], $0xffff;
	v20 =	vor.u32 v0, v20  }
0x9f: {  	v24 =	vld.idx.msk [tilespmem:v22+s22+$0x0], $0xffff  }
0xa0: {  	v23 =	vpop (erf);
	v26 =	vld.idx.msk [tilespmem:v22+s23+$0x0], $0xffff  }
0xa1: {  	v25 =	vpop (erf);
	v28 =	vld.idx.msk [tilespmem:v18+s22+$0x0], $0xffff  }
0xa2: {  	v27 =	vpop (erf);
	v30 =	vld.idx.msk [tilespmem:v18+s23+$0x0], $0xffff  }
0xa3: {  	v29 =	vpop (erf);
	v32 =	vld.idx.msk [tilespmem:v20+s22+$0x0], $0xffff  }
0xa4: {  	v31 =	vpop (erf);
	v19 =	vadd.f32 v19, v21;
	v21 =	vld.idx.msk [tilespmem:v20+s23+$0x0], $0xffff  }
0xa5: {  	v31 =	vadd.f32 $1.000000000e+00, v31;
	v33 =	vpop (erf);
	v24 =	vadd.f32 v26, v24  }
0xa6: {  	v33 =	vadd.f32 $1.000000000e+00, v33;
	v26 =	vpop (erf);
	v19 =	vadd.f32 v19, v19  }
0xa7: {  	(erf) = vrcp.f32 v31;
	v28 =	vadd.f32 v30, v28;
	v26 =	vadd.f32 $1.000000000e+00, v26;
	v60 =	vpop (erf)  }
0xa8: {  	v24 =	vadd.f32 v24, v24;
	(erf) = vrcp.f32 v33;
	v61 =	vadd.f32 $1.000000000e+00, v60  }
0xa9: {  	v19 =	vmul.f32 $1.442695020e+00, v19;
	(erf) = vrcp.f32 v26;
	v21 =	vadd.f32 v21, v32  }
0xaa: {  	v26 =	vadd.f32 v28, v28;
	(erf) = vrcp.f32 v61  }
0xab: {  	v8 =	vld.idx.msk [tilespmem:v8+s21+$0x0], $0xffff;
	v24 =	vmul.f32 $1.442695020e+00, v24;
	(erf) = vpow2.f32 v19;
	v19 =	vadd.f32 v21, v21  }
0xac: {  	v23 =	vadd.f32 v23, v23;
	v21 =	vmul.f32 $1.442695020e+00, v26  }
0xad: {  	(erf) = vpow2.f32 v24;
	v19 =	vmul.f32 $1.442695020e+00, v19  }
0xae: {  	(erf) = vpow2.f32 v21;
	v21 =	vsub.f32 $1.000000000e+00, v23;
	v23 =	vadd.f32 v25, v25  }
0xaf: {  	v10 =	vld.idx.msk [tilespmem:v10+s21+$0x0], $0xffff  }
0xb0: {  	v8 =	vmul.f32 v21, v8;
	v21 =	vsub.f32 $1.000000000e+00, v23;
	v23 =	vadd.f32 v27, v27  }
0xb1: {  	v9 =	vld.idx.msk [tilespmem:v9+s21+$0x0], $0xffff;
	v24 =	vpop (erf)  }
0xb2: {  	(erf) = vpow2.f32 v19;
	v19 =	vpop (erf);
	v8 =	vadd.f32 v8, v16;
	v16 =	vsub.f32 $1.000000000e+00, v23  }
0xb3: {  	v25 =	vpop (erf)  }
0xb4: {  	v26 =	vadd.f32 v29, v29;
	v10 =	vmul.f32 v21, v10;
	v27 =	vpop (erf)  }
0xb5: {  	v14 =	vld.idx.msk [tilespmem:v14+s21+$0x0], $0xffff;
	v21 =	vpop (erf)  }
0xb6: {  	v8 =	vadd.f32 v10, v8;
	v9 =	vmul.f32 v16, v9;
	v10 =	vsub.f32 $1.000000000e+00, v26;
	v16 =	vpop (erf)  }
0xb7: {  	v21 =	vadd.f32 $1.000000000e+00, v21;
	v16 =	vadd.f32 $1.000000000e+00, v16  }
0xb8: {  	v11 =	vld.idx.msk [tilespmem:v11+s21+$0x0], $0xffff  }
0xb9: {  	v23 =	vadd.f32 v24, v24;
	(erf) = vrcp.f32 v21  }
0xba: {  	v8 =	vadd.f32 v9, v8;
	v9 =	vmul.f32 v10, v14;
	v10 =	vpop (erf)  }
0xbb: {  	v13 =	vld.idx.msk [tilespmem:v13+s21+$0x0], $0xffff;
	v14 =	vsub.f32 $1.000000000e+00, v23;
	v10 =	vadd.f32 $1.000000000e+00, v10;
	(erf) = vrcp.f32 v16;
	v16 =	vpop (erf)  }
0xbc: {  	v19 =	vadd.f32 v19, v19;
	v16 =	vadd.f32 $1.000000000e+00, v16  }
0xbd: {  	v8 =	vadd.f32 v9, v8;
	v9 =	vld.idx.msk [tilespmem:v12+s21+$0x0], $0xffff;
	v11 =	vmul.f32 v14, v11;
	(erf) = vrcp.f32 v10  }
0xbe: {  	v12 =	vadd.f32 v25, v25;
	v10 =	vsub.f32 $1.000000000e+00, v19;
	(erf) = vrcp.f32 v16  }
0xbf: {  	v14 =	vld.idx.msk [tilespmem:v15+s21+$0x0], $0xffff;
	v15 =	vadd.f32 v27, v27  }
0xc0: {  	v8 =	vadd.f32 v11, v8;
	v11 =	vsub.f32 $1.000000000e+00, v12;
	v10 =	vmul.f32 v10, v13;
	_ =	sdelay $0x1  }
0xc1: {  	v9 =	vmul.f32 v11, v9;
	v11 =	vld.idx.msk [tilespmem:v17+s21+$0x0], $0xffff;
	v8 =	vadd.f32 v10, v8;
	v10 =	vsub.f32 $1.000000000e+00, v15;
	v12 =	vpop (erf)  }
0xc2: {  	v12 =	vadd.f32 v12, v12  }
0xc3: {  	v8 =	vadd.f32 v9, v8;
	v9 =	vmul.f32 v10, v14;
	v10 =	vld.idx.msk [tilespmem:v22+s21+$0x0], $0xffff;
	v13 =	vpop (erf)  }
0xc4: {  	v13 =	vadd.f32 v13, v13;
	v12 =	vsub.f32 $1.000000000e+00, v12  }
0xc5: {  	v8 =	vadd.f32 v9, v8;
	v9 =	vld.idx.msk [tilespmem:v18+s21+$0x0], $0xffff;
	v14 =	vpop (erf)  }
0xc6: {  	v11 =	vmul.f32 v12, v11;
	v12 =	vsub.f32 $1.000000000e+00, v13;
	v13 =	vadd.f32 v14, v14;
	v14 =	vpop (erf)  }
0xc7: {  	v15 =	vld.idx.msk [tilespmem:v20+s21+$0x0], $0xffff;
	v14 =	vadd.f32 v14, v14  }
0xc8: {  	v8 =	vadd.f32 v11, v8;
	v10 =	vmul.f32 v12, v10;
	v11 =	vsub.f32 $1.000000000e+00, v13;
	_ =	sdelay $0x1  }
0xc9: {  	v8 =	vadd.f32 v10, v8;
	v9 =	vmul.f32 v11, v9;
	v10 =	vsub.f32 $1.000000000e+00, v14;
	_ =	sdelay $0x1  }
0xca: {  	v8 =	vadd.f32 v9, v8;
	v9 =	vmul.f32 v10, v15;
	_ =	sdelay $0x1  }
0xcb: {  	v8 =	vadd.f32 v9, v8;
	_ =	sdelay $0x1  }
0xcc: {  	v8 =	vmin.f32 v8, $9.000000000e+01  }
0xcd: {  	v8 =	vadd.f32 $-6.000000000e+01, v8;
	_ =	sdelay $0x1  }
0xce: {  	v8 =	vmul.f32 $1.442695020e+00, v8;
	_ =	sdelay $0x1  }
0xcf: {  	s11 =	simm.s32 $0x0;
	(erf) = vpow2.f32 v8  }
0xd0: {  	v8 =	vmov s11  }
0xd1: {  	s12 =	simm.s32 $0x1;
	v8 =	vand.u32 $0x7C, v8  }
0xd2: {  	v9 =	vmov s12;
	v8 =	vbroadcast v8, $0x0  }
0xd3: {  	v9 =	vand.u32 $0x7D, v9  }
0xd4: {  	s10 =	simm.s32 $0x3;
	v11 =	vor.u32 v3, v8;
	v8 =	vbroadcast v9, $0x0  }
0xd5: {  	s2 =	simm.s32 $0x2;
	v12 =	vmov s10  }
0xd6: {  	v12 =	vand.u32 $0x7F, v12;
	v10 =	vmov s2  }
0xd7: {  	v12 =	vbroadcast v12, $0x0;
	v9 =	vand.u32 $0x7E, v10;
	v10 =	vor.u32 v3, v8  }
0xd8: {  	v9 =	vbroadcast v9, $0x0;
	v8 =	vpop (erf)  }
0xd9: {  	v15 =	vor.u32 v3, v12;
	[tilespmem:v2+s13+$0x0] =	vst.idx.msk $0xffff, v8  }
0xda: {  	v9 =	vor.u32 v3, v9;
	v13 =	vld.idx.msk [tilespmem:v11+s22+$0x0], $0xffff  }
0xdb: {  	v14 =	vld.idx.msk [tilespmem:v11+s23+$0x0], $0xffff  }
0xdc: {  	v12 =	vld.idx.msk [tilespmem:v10+s22+$0x0], $0xffff  }
0xdd: {  	v16 =	vld.idx.msk [tilespmem:v10+s23+$0x0], $0xffff  }
0xde: {  	v19 =	vld.idx.msk [tilespmem:v15+s22+$0x0], $0xffff  }
0xdf: {  	s11 =	simm.s32 $0x4;
	v17 =	vld.idx.msk [tilespmem:v9+s22+$0x0], $0xffff  }
0xe0: {  	v20 =	vmov s11;
	v18 =	vld.idx.msk [tilespmem:v9+s23+$0x0], $0xffff  }
0xe1: {  	v20 =	vand.u32 $0x7C, v20;
	v21 =	vld.idx.msk [tilespmem:v15+s23+$0x0], $0xffff  }
0xe2: {  	v20 =	vbroadcast v20, $0x0  }
0xe3: {  	s2 =	simm.s32 $0x5;
	v13 =	vadd.f32 v14, v13  }
0xe4: {  	v22 =	vmov s2;
	v16 =	vadd.f32 v16, v12;
	v12 =	vor.u32 v3, v20  }
0xe5: {  	v20 =	vand.u32 $0x7D, v22;
	v17 =	vadd.f32 v18, v17;
	v13 =	vadd.f32 v13, v13  }
0xe6: {  	s12 =	simm.s32 $0x6;
	v18 =	vadd.f32 v21, v19;
	v19 =	vbroadcast v20, $0x0;
	v16 =	vadd.f32 v16, v16  }
0xe7: {  	v14 =	vmov s12;
	v17 =	vadd.f32 v17, v17;
	v13 =	vmul.f32 $1.442695020e+00, v13  }
0xe8: {  	v20 =	vand.u32 $0x7E, v14;
	v14 =	vor.u32 v3, v19;
	v16 =	vmul.f32 $1.442695020e+00, v16  }
0xe9: {  	v17 =	vmul.f32 $1.442695020e+00, v17;
	(erf) = vpow2.f32 v13;
	v13 =	vadd.f32 v18, v18  }
0xea: {  	v18 =	vbroadcast v20, $0x0;
	(erf) = vpow2.f32 v16  }
0xeb: {  	v16 =	vmul.f32 $1.442695020e+00, v13;
	(erf) = vpow2.f32 v17  }
0xec: {  	s10 =	simm.s32 $0x7;
	v20 =	vld.idx.msk [tilespmem:v12+s22+$0x0], $0xffff  }
0xed: {  	v13 =	vor.u32 v3, v18;
	v18 =	vld.idx.msk [tilespmem:v12+s23+$0x0], $0xffff;
	(erf) = vpow2.f32 v16;
	v16 =	vmov s10  }
0xee: {  	v21 =	vld.idx.msk [tilespmem:v14+s22+$0x0], $0xffff;
	v16 =	vand.u32 $0x7F, v16  }
0xef: {  	v22 =	vld.idx.msk [tilespmem:v14+s23+$0x0], $0xffff;
	v16 =	vbroadcast v16, $0x0;
	_ =	sdelay $0x1  }
0xf0: {  	v16 =	vor.u32 v3, v16  }
0xf1: {  	v25 =	vpop (erf)  }
0xf2: {  	v18 =	vadd.f32 v18, v20;
	v25 =	vadd.f32 $1.000000000e+00, v25;
	v27 =	vpop (erf)  }
0xf3: {  	v23 =	vld.idx.msk [tilespmem:v13+s22+$0x0], $0xffff;
	v20 =	vadd.f32 $1.000000000e+00, v27;
	v27 =	vadd.f32 v22, v21;
	v21 =	vpop (erf)  }
0xf4: {  	s10 =	simm.s32 $0x8;
	v26 =	vld.idx.msk [tilespmem:v13+s23+$0x0], $0xffff;
	(erf) = vrcp.f32 v25;
	v21 =	vadd.f32 $1.000000000e+00, v21  }
0xf5: {  	v19 =	vmov s10;
	(erf) = vrcp.f32 v20;
	v20 =	vld.idx.msk [tilespmem:v16+s22+$0x0], $0xffff  }
0xf6: {  	s12 =	simm.s32 $0x9;
	v24 =	vand.u32 $0x7C, v19;
	v22 =	vpop (erf);
	(erf) = vrcp.f32 v21;
	v21 =	vld.idx.msk [tilespmem:v16+s23+$0x0], $0xffff  }
0xf7: {  	s11 =	simm.s32 $0xA;
	v62 =	vmov s12;
	v17 =	vimm.f32 $0.0e+00;
	v24 =	vbroadcast v24, $0x0  }
0xf8: {  	v19 =	vmov s11;
	v25 =	vadd.f32 v18, v18;
	v63 =	vadd.f32 $1.000000000e+00, v22  }
0xf9: {  	v18 =	vor.u32 v3, v24;
	v24 =	vand.u32 $0x7D, v62;
	v22 =	vadd.f32 v26, v23  }
0xfa: {  	s1 =	simm.s32 $0xC;
	v23 =	vmul.f32 $1.442695020e+00, v25;
	v25 =	vadd.f32 v27, v27;
	(erf) = vrcp.f32 v63  }
.LBB2_7:
0xfb: {  	p0 =	sne.s32 s1, $0x7C;
	v24 =	vbroadcast v24, $0x0;
	v19 =	vand.u32 $0x7E, v19;
	v20 =	vadd.f32 v21, v20  }
0xfc: {  	v22 =	vadd.f32 v22, v22;
	v27 =	vmul.f32 $1.442695020e+00, v25;
	(erf) = vpow2.f32 v23;
	v23 =	vld.idx.msk [tilespmem:v11+s21+$0x0], $0xffff;
	v11 =	vmovc v12;
	v12 =	vmovc v18  }
0xfd: {  	s11 =	sadd.s32 $0x3, s10;
	s10 =	smov.u32 s1;
	v19 =	vbroadcast v19, $0x0;
	v25 =	vld.idx.msk [tilespmem:v18+s22+$0x0], $0xffff;
	v24 =	vor.u32 v3, v24;
	v20 =	vadd.f32 v20, v20  }
0xfe: {  	v26 =	vmov s11;
	v22 =	vmul.f32 $1.442695020e+00, v22;
	v18 =	vld.idx.msk [tilespmem:v18+s23+$0x0], $0xffff;
	(erf) = vpow2.f32 v27;
	v21 =	vpop (erf)  }
0xff: {  	v26 =	vand.u32 $0x7F, v26;
	v20 =	vmul.f32 $1.442695020e+00, v20;
	v21 =	vadd.f32 v21, v21;
	v27 =	vld.idx.msk [tilespmem:v10+s21+$0x0], $0xffff;
	v10 =	vmovc v14;
	v14 =	vmovc v24  }
0x100: {  	v28 =	vor.u32 v3, v19;
	v19 =	vbroadcast v26, $0x0;
	(erf) = vpow2.f32 v22;
	v22 =	vld.idx.msk [tilespmem:v15+s21+$0x0], $0xffff;
	v15 =	vpop (erf)  }
0x101: {  	(erf) = vpow2.f32 v20;
	v20 =	vsub.f32 $1.000000000e+00, v21;
	v21 =	vadd.f32 v15, v15;
	v26 =	vld.idx.msk [tilespmem:v9+s21+$0x0], $0xffff;
	v9 =	vmovc v13;
	v13 =	vmovc v28  }
0x102: {  	v29 =	vmov s1;
	v15 =	vmov v16;
	v16 =	vor.u32 v3, v19;
	v30 =	vld.idx.msk [tilespmem:v24+s22+$0x0], $0xffff;
	v31 =	vpop (erf)  }
0x103: {  	s11 =	sadd.s32 $0x2, s1;
	v24 =	vld.idx.msk [tilespmem:v24+s23+$0x0], $0xffff;
	v20 =	vmul.f32 v20, v23;
	v21 =	vsub.f32 $1.000000000e+00, v21;
	v23 =	vadd.f32 v31, v31;
	v31 =	vpop (erf)  }
0x104: {  	v29 =	vand.u32 $0x7C, v29;
	v19 =	vmov s11;
	v31 =	vadd.f32 v31, v31  }
0x105: {  	s11 =	sadd.s32 $0x1, s1;
	v28 =	vld.idx.msk [tilespmem:v28+s22+$0x0], $0xffff;
	v32 =	vpop (erf);
	v17 =	vadd.f32 v20, v17;
	v21 =	vmul.f32 v21, v27;
	v23 =	vsub.f32 $1.000000000e+00, v23  }
0x106: {  	v27 =	vbroadcast v29, $0x0;
	v29 =	vmov s11;
	v33 =	vld.idx.msk [tilespmem:v13+s23+$0x0], $0xffff;
	v32 =	vadd.f32 $1.000000000e+00, v32  }
0x107: {  	v20 =	vld.idx.msk [tilespmem:v16+s22+$0x0], $0xffff;
	v34 =	vpop (erf);
	v17 =	vadd.f32 v21, v17;
	v23 =	vmul.f32 v23, v26;
	v26 =	vsub.f32 $1.000000000e+00, v31  }
0x108: {  	v18 =	vadd.f32 v18, v25;
	v21 =	vld.idx.msk [tilespmem:v16+s23+$0x0], $0xffff;
	v25 =	vadd.f32 $1.000000000e+00, v34;
	(erf) = vrcp.f32 v32  }
.Ltmp2:
0x109: {  	v30 =	vadd.f32 v24, v30;
	v24 =	vpop (erf);
	v17 =	vadd.f32 v23, v17;
	v22 =	vmul.f32 v26, v22;
	(pc) =	sbr.rel @p0 .LBB2_7-.Ltmp2, $4  }
0x10a: {  	v23 =	vadd.f32 v18, v18;
	v26 =	vadd.f32 $1.000000000e+00, v24;
	(erf) = vrcp.f32 v25;
	v24 =	vpop (erf)  }
0x10b: {  	v18 =	vor.u32 v3, v27;
	v27 =	vadd.f32 $1.000000000e+00, v24;
	v17 =	vadd.f32 v22, v17  }
0x10c: {  	v24 =	vand.u32 $0x7D, v29;
	v22 =	vadd.f32 v33, v28;
	(erf) = vrcp.f32 v26  }
0x10d: {  	s1 =	sadd.s32 $0x4, s1;
	v25 =	vadd.f32 v30, v30;
	v23 =	vmul.f32 $1.442695020e+00, v23;
	(erf) = vrcp.f32 v27  }
0x10e: {  	v24 =	vbroadcast v24, $0x0  }
0x10f: {  	v20 =	vadd.f32 v21, v20;
	v19 =	vand.u32 $0x7E, v19;
	v21 =	vmul.f32 $1.442695020e+00, v25  }
0x110: {  	v22 =	vadd.f32 v22, v22;
	s1 =	sadd.s32 $0x3, s10;
	(erf) = vpow2.f32 v23;
	v19 =	vbroadcast v19, $0x0  }
0x111: {  	v23 =	vor.u32 v3, v24;
	v20 =	vadd.f32 v20, v20;
	v24 =	vmov s1  }
0x112: {  	v22 =	vmul.f32 $1.442695020e+00, v22;
	(erf) = vpow2.f32 v21;
	v21 =	vand.u32 $0x7F, v24  }
0x113: {  	v19 =	vor.u32 v3, v19;
	v20 =	vmul.f32 $1.442695020e+00, v20;
	v21 =	vbroadcast v21, $0x0  }
0x114: {  	(erf) = vpow2.f32 v22;
	v22 =	vld.idx.msk [tilespmem:v18+s22+$0x0], $0xffff  }
0x115: {  	(erf) = vpow2.f32 v20;
	v20 =	vld.idx.msk [tilespmem:v18+s23+$0x0], $0xffff;
	v21 =	vor.u32 v3, v21  }
0x116: {  	v25 =	vld.idx.msk [tilespmem:v23+s22+$0x0], $0xffff  }
0x117: {  	v24 =	vpop (erf);
	v27 =	vld.idx.msk [tilespmem:v23+s23+$0x0], $0xffff  }
0x118: {  	v26 =	vpop (erf);
	v29 =	vld.idx.msk [tilespmem:v19+s22+$0x0], $0xffff  }
0x119: {  	v28 =	vpop (erf);
	v31 =	vld.idx.msk [tilespmem:v19+s23+$0x0], $0xffff  }
0x11a: {  	v30 =	vpop (erf);
	v33 =	vld.idx.msk [tilespmem:v21+s22+$0x0], $0xffff  }
0x11b: {  	v32 =	vpop (erf);
	v20 =	vadd.f32 v20, v22;
	v22 =	vld.idx.msk [tilespmem:v21+s23+$0x0], $0xffff  }
0x11c: {  	v32 =	vadd.f32 $1.000000000e+00, v32;
	v34 =	vpop (erf);
	v25 =	vadd.f32 v27, v25  }
0x11d: {  	v34 =	vadd.f32 $1.000000000e+00, v34;
	v27 =	vpop (erf);
	v20 =	vadd.f32 v20, v20  }
0x11e: {  	(erf) = vrcp.f32 v32;
	v29 =	vadd.f32 v31, v29;
	v27 =	vadd.f32 $1.000000000e+00, v27;
	v57 =	vpop (erf)  }
0x11f: {  	v25 =	vadd.f32 v25, v25;
	(erf) = vrcp.f32 v34;
	v58 =	vadd.f32 $1.000000000e+00, v57  }
0x120: {  	v20 =	vmul.f32 $1.442695020e+00, v20;
	(erf) = vrcp.f32 v27;
	v22 =	vadd.f32 v22, v33  }
0x121: {  	v27 =	vadd.f32 v29, v29;
	(erf) = vrcp.f32 v58  }
0x122: {  	v11 =	vld.idx.msk [tilespmem:v11+s21+$0x0], $0xffff;
	v25 =	vmul.f32 $1.442695020e+00, v25;
	(erf) = vpow2.f32 v20;
	v20 =	vadd.f32 v22, v22  }
0x123: {  	v24 =	vadd.f32 v24, v24;
	v22 =	vmul.f32 $1.442695020e+00, v27  }
0x124: {  	(erf) = vpow2.f32 v25;
	v20 =	vmul.f32 $1.442695020e+00, v20  }
0x125: {  	(erf) = vpow2.f32 v22;
	v22 =	vsub.f32 $1.000000000e+00, v24;
	v24 =	vadd.f32 v26, v26  }
0x126: {  	v10 =	vld.idx.msk [tilespmem:v10+s21+$0x0], $0xffff  }
0x127: {  	v11 =	vmul.f32 v22, v11;
	v22 =	vsub.f32 $1.000000000e+00, v24;
	v24 =	vadd.f32 v28, v28  }
0x128: {  	v9 =	vld.idx.msk [tilespmem:v9+s21+$0x0], $0xffff;
	v25 =	vpop (erf)  }
0x129: {  	(erf) = vpow2.f32 v20;
	v20 =	vpop (erf);
	v11 =	vadd.f32 v11, v17;
	v17 =	vsub.f32 $1.000000000e+00, v24  }
0x12a: {  	v26 =	vpop (erf)  }
0x12b: {  	v27 =	vadd.f32 v30, v30;
	v10 =	vmul.f32 v22, v10;
	v59 =	vpop (erf)  }
0x12c: {  	v15 =	vld.idx.msk [tilespmem:v15+s21+$0x0], $0xffff;
	v22 =	vpop (erf)  }
0x12d: {  	v10 =	vadd.f32 v10, v11;
	v9 =	vmul.f32 v17, v9;
	v11 =	vsub.f32 $1.000000000e+00, v27;
	v17 =	vpop (erf)  }
0x12e: {  	v22 =	vadd.f32 $1.000000000e+00, v22;
	v17 =	vadd.f32 $1.000000000e+00, v17  }
0x12f: {  	v12 =	vld.idx.msk [tilespmem:v12+s21+$0x0], $0xffff  }
0x130: {  	v24 =	vadd.f32 v25, v25;
	(erf) = vrcp.f32 v22  }
0x131: {  	v9 =	vadd.f32 v9, v10;
	v10 =	vmul.f32 v11, v15;
	v11 =	vpop (erf)  }
0x132: {  	v14 =	vld.idx.msk [tilespmem:v14+s21+$0x0], $0xffff;
	v15 =	vsub.f32 $1.000000000e+00, v24;
	v11 =	vadd.f32 $1.000000000e+00, v11;
	(erf) = vrcp.f32 v17;
	v17 =	vpop (erf)  }
0x133: {  	v20 =	vadd.f32 v20, v20;
	v17 =	vadd.f32 $1.000000000e+00, v17  }
0x134: {  	v9 =	vadd.f32 v10, v9;
	v10 =	vld.idx.msk [tilespmem:v13+s21+$0x0], $0xffff;
	v12 =	vmul.f32 v15, v12;
	(erf) = vrcp.f32 v11  }
0x135: {  	v13 =	vadd.f32 v26, v26;
	v11 =	vsub.f32 $1.000000000e+00, v20;
	(erf) = vrcp.f32 v17  }
0x136: {  	v15 =	vld.idx.msk [tilespmem:v16+s21+$0x0], $0xffff;
	v16 =	vadd.f32 v59, v59  }
0x137: {  	v9 =	vadd.f32 v12, v9;
	v12 =	vsub.f32 $1.000000000e+00, v13;
	v11 =	vmul.f32 v11, v14;
	_ =	sdelay $0x1  }
0x138: {  	v10 =	vmul.f32 v12, v10;
	v12 =	vld.idx.msk [tilespmem:v18+s21+$0x0], $0xffff;
	v9 =	vadd.f32 v11, v9;
	v11 =	vsub.f32 $1.000000000e+00, v16;
	v13 =	vpop (erf)  }
0x139: {  	v13 =	vadd.f32 v13, v13  }
0x13a: {  	v9 =	vadd.f32 v10, v9;
	v10 =	vmul.f32 v11, v15;
	v11 =	vld.idx.msk [tilespmem:v23+s21+$0x0], $0xffff;
	v14 =	vpop (erf)  }
0x13b: {  	v14 =	vadd.f32 v14, v14;
	v13 =	vsub.f32 $1.000000000e+00, v13  }
0x13c: {  	v9 =	vadd.f32 v10, v9;
	v10 =	vld.idx.msk [tilespmem:v19+s21+$0x0], $0xffff;
	v15 =	vpop (erf)  }
0x13d: {  	v12 =	vmul.f32 v13, v12;
	v13 =	vsub.f32 $1.000000000e+00, v14;
	v14 =	vadd.f32 v15, v15;
	v15 =	vpop (erf)  }
0x13e: {  	v16 =	vld.idx.msk [tilespmem:v21+s21+$0x0], $0xffff;
	v15 =	vadd.f32 v15, v15  }
0x13f: {  	v9 =	vadd.f32 v12, v9;
	v11 =	vmul.f32 v13, v11;
	v12 =	vsub.f32 $1.000000000e+00, v14;
	_ =	sdelay $0x1  }
0x140: {  	v9 =	vadd.f32 v11, v9;
	v10 =	vmul.f32 v12, v10;
	v11 =	vsub.f32 $1.000000000e+00, v15;
	_ =	sdelay $0x1  }
0x141: {  	v9 =	vadd.f32 v10, v9;
	v10 =	vmul.f32 v11, v16;
	_ =	sdelay $0x1  }
0x142: {  	v9 =	vadd.f32 v10, v9;
	_ =	sdelay $0x1  }
0x143: {  	v9 =	vmin.f32 v9, $9.000000000e+01  }
0x144: {  	v9 =	vadd.f32 $-6.000000000e+01, v9;
	_ =	sdelay $0x1  }
0x145: {  	v9 =	vmul.f32 $1.442695020e+00, v9;
	_ =	sdelay $0x1  }
0x146: {  	s11 =	simm.s32 $0x0;
	(erf) = vpow2.f32 v9  }
0x147: {  	v9 =	vmov s11  }
0x148: {  	s12 =	simm.s32 $0x1;
	v9 =	vand.u32 $0x7C, v9  }
0x149: {  	v10 =	vmov s12;
	v9 =	vbroadcast v9, $0x0  }
0x14a: {  	v10 =	vand.u32 $0x7D, v10  }
0x14b: {  	s10 =	simm.s32 $0x3;
	v12 =	vor.u32 v5, v9;
	v9 =	vbroadcast v10, $0x0  }
0x14c: {  	s2 =	simm.s32 $0x2;
	v13 =	vmov s10  }
0x14d: {  	v13 =	vand.u32 $0x7F, v13;
	v11 =	vmov s2  }
0x14e: {  	v13 =	vbroadcast v13, $0x0;
	v10 =	vand.u32 $0x7E, v11;
	v11 =	vor.u32 v5, v9  }
0x14f: {  	v10 =	vbroadcast v10, $0x0;
	v9 =	vpop (erf)  }
0x150: {  	v16 =	vor.u32 v5, v13;
	[tilespmem:v4+s13+$0x0] =	vst.idx.msk $0xffff, v9  }
0x151: {  	v10 =	vor.u32 v5, v10;
	v14 =	vld.idx.msk [tilespmem:v12+s22+$0x0], $0xffff  }
0x152: {  	v15 =	vld.idx.msk [tilespmem:v12+s23+$0x0], $0xffff  }
0x153: {  	v13 =	vld.idx.msk [tilespmem:v11+s22+$0x0], $0xffff  }
0x154: {  	v17 =	vld.idx.msk [tilespmem:v11+s23+$0x0], $0xffff  }
0x155: {  	v20 =	vld.idx.msk [tilespmem:v16+s22+$0x0], $0xffff  }
0x156: {  	s11 =	simm.s32 $0x4;
	v18 =	vld.idx.msk [tilespmem:v10+s22+$0x0], $0xffff  }
0x157: {  	v21 =	vmov s11;
	v19 =	vld.idx.msk [tilespmem:v10+s23+$0x0], $0xffff  }
0x158: {  	v21 =	vand.u32 $0x7C, v21;
	v22 =	vld.idx.msk [tilespmem:v16+s23+$0x0], $0xffff  }
0x159: {  	v21 =	vbroadcast v21, $0x0  }
0x15a: {  	s2 =	simm.s32 $0x5;
	v14 =	vadd.f32 v15, v14  }
0x15b: {  	v23 =	vmov s2;
	v17 =	vadd.f32 v17, v13;
	v13 =	vor.u32 v5, v21  }
0x15c: {  	v21 =	vand.u32 $0x7D, v23;
	v18 =	vadd.f32 v19, v18;
	v14 =	vadd.f32 v14, v14  }
0x15d: {  	s12 =	simm.s32 $0x6;
	v19 =	vadd.f32 v22, v20;
	v20 =	vbroadcast v21, $0x0;
	v17 =	vadd.f32 v17, v17  }
0x15e: {  	v15 =	vmov s12;
	v18 =	vadd.f32 v18, v18;
	v14 =	vmul.f32 $1.442695020e+00, v14  }
0x15f: {  	v21 =	vand.u32 $0x7E, v15;
	v15 =	vor.u32 v5, v20;
	v17 =	vmul.f32 $1.442695020e+00, v17  }
0x160: {  	v18 =	vmul.f32 $1.442695020e+00, v18;
	(erf) = vpow2.f32 v14;
	v14 =	vadd.f32 v19, v19  }
0x161: {  	v19 =	vbroadcast v21, $0x0;
	(erf) = vpow2.f32 v17  }
0x162: {  	v17 =	vmul.f32 $1.442695020e+00, v14;
	(erf) = vpow2.f32 v18  }
0x163: {  	s10 =	simm.s32 $0x7;
	v21 =	vld.idx.msk [tilespmem:v13+s22+$0x0], $0xffff  }
0x164: {  	v14 =	vor.u32 v5, v19;
	v19 =	vld.idx.msk [tilespmem:v13+s23+$0x0], $0xffff;
	(erf) = vpow2.f32 v17;
	v17 =	vmov s10  }
0x165: {  	v22 =	vld.idx.msk [tilespmem:v15+s22+$0x0], $0xffff;
	v17 =	vand.u32 $0x7F, v17  }
0x166: {  	v23 =	vld.idx.msk [tilespmem:v15+s23+$0x0], $0xffff;
	v17 =	vbroadcast v17, $0x0;
	_ =	sdelay $0x1  }
0x167: {  	v17 =	vor.u32 v5, v17  }
0x168: {  	v26 =	vpop (erf)  }
0x169: {  	v19 =	vadd.f32 v19, v21;
	v26 =	vadd.f32 $1.000000000e+00, v26;
	v60 =	vpop (erf)  }
0x16a: {  	v24 =	vld.idx.msk [tilespmem:v14+s22+$0x0], $0xffff;
	v62 =	vadd.f32 v23, v22;
	v21 =	vadd.f32 $1.000000000e+00, v60;
	v22 =	vpop (erf)  }
0x16b: {  	s10 =	simm.s32 $0x8;
	v27 =	vld.idx.msk [tilespmem:v14+s23+$0x0], $0xffff;
	(erf) = vrcp.f32 v26;
	v22 =	vadd.f32 $1.000000000e+00, v22  }
0x16c: {  	v20 =	vmov s10;
	(erf) = vrcp.f32 v21;
	v21 =	vld.idx.msk [tilespmem:v17+s22+$0x0], $0xffff  }
0x16d: {  	s12 =	simm.s32 $0x9;
	v25 =	vand.u32 $0x7C, v20;
	v23 =	vpop (erf);
	(erf) = vrcp.f32 v22;
	v22 =	vld.idx.msk [tilespmem:v17+s23+$0x0], $0xffff  }
0x16e: {  	s11 =	simm.s32 $0xA;
	v61 =	vmov s12;
	v18 =	vimm.f32 $0.0e+00;
	v25 =	vbroadcast v25, $0x0  }
0x16f: {  	v20 =	vmov s11;
	v26 =	vadd.f32 v19, v19;
	v63 =	vadd.f32 $1.000000000e+00, v23  }
0x170: {  	v19 =	vor.u32 v5, v25;
	v25 =	vand.u32 $0x7D, v61;
	v23 =	vadd.f32 v27, v24  }
0x171: {  	s1 =	simm.s32 $0xC;
	v24 =	vmul.f32 $1.442695020e+00, v26;
	v26 =	vadd.f32 v62, v62;
	(erf) = vrcp.f32 v63  }
.LBB2_9:
0x172: {  	p0 =	sne.s32 s1, $0x7C;
	v25 =	vbroadcast v25, $0x0;
	v20 =	vand.u32 $0x7E, v20;
	v21 =	vadd.f32 v22, v21  }
0x173: {  	v23 =	vadd.f32 v23, v23;
	v28 =	vmul.f32 $1.442695020e+00, v26;
	(erf) = vpow2.f32 v24;
	v24 =	vld.idx.msk [tilespmem:v12+s21+$0x0], $0xffff;
	v12 =	vmovc v13;
	v13 =	vmovc v19  }
0x174: {  	s11 =	sadd.s32 $0x3, s10;
	s10 =	smov.u32 s1;
	v20 =	vbroadcast v20, $0x0;
	v26 =	vld.idx.msk [tilespmem:v19+s22+$0x0], $0xffff;
	v25 =	vor.u32 v5, v25;
	v21 =	vadd.f32 v21, v21  }
0x175: {  	v27 =	vmov s11;
	v23 =	vmul.f32 $1.442695020e+00, v23;
	v19 =	vld.idx.msk [tilespmem:v19+s23+$0x0], $0xffff;
	(erf) = vpow2.f32 v28;
	v22 =	vpop (erf)  }
0x176: {  	v27 =	vand.u32 $0x7F, v27;
	v21 =	vmul.f32 $1.442695020e+00, v21;
	v22 =	vadd.f32 v22, v22;
	v28 =	vld.idx.msk [tilespmem:v11+s21+$0x0], $0xffff;
	v11 =	vmovc v15;
	v15 =	vmovc v25  }
0x177: {  	v29 =	vor.u32 v5, v20;
	v20 =	vbroadcast v27, $0x0;
	(erf) = vpow2.f32 v23;
	v23 =	vld.idx.msk [tilespmem:v16+s21+$0x0], $0xffff;
	v16 =	vpop (erf)  }
0x178: {  	(erf) = vpow2.f32 v21;
	v21 =	vsub.f32 $1.000000000e+00, v22;
	v22 =	vadd.f32 v16, v16;
	v27 =	vld.idx.msk [tilespmem:v10+s21+$0x0], $0xffff;
	v10 =	vmovc v14;
	v14 =	vmovc v29  }
0x179: {  	v30 =	vmov s1;
	v16 =	vmov v17;
	v17 =	vor.u32 v5, v20;
	v31 =	vld.idx.msk [tilespmem:v25+s22+$0x0], $0xffff;
	v32 =	vpop (erf)  }
0x17a: {  	s11 =	sadd.s32 $0x2, s1;
	v25 =	vld.idx.msk [tilespmem:v25+s23+$0x0], $0xffff;
	v21 =	vmul.f32 v21, v24;
	v22 =	vsub.f32 $1.000000000e+00, v22;
	v24 =	vadd.f32 v32, v32;
	v32 =	vpop (erf)  }
0x17b: {  	v30 =	vand.u32 $0x7C, v30;
	v20 =	vmov s11;
	v32 =	vadd.f32 v32, v32  }
0x17c: {  	s11 =	sadd.s32 $0x1, s1;
	v29 =	vld.idx.msk [tilespmem:v29+s22+$0x0], $0xffff;
	v33 =	vpop (erf);
	v18 =	vadd.f32 v21, v18;
	v22 =	vmul.f32 v22, v28;
	v24 =	vsub.f32 $1.000000000e+00, v24  }
0x17d: {  	v28 =	vbroadcast v30, $0x0;
	v30 =	vmov s11;
	v34 =	vld.idx.msk [tilespmem:v14+s23+$0x0], $0xffff;
	v33 =	vadd.f32 $1.000000000e+00, v33  }
0x17e: {  	v21 =	vld.idx.msk [tilespmem:v17+s22+$0x0], $0xffff;
	v35 =	vpop (erf);
	v18 =	vadd.f32 v22, v18;
	v24 =	vmul.f32 v24, v27;
	v27 =	vsub.f32 $1.000000000e+00, v32  }
0x17f: {  	v19 =	vadd.f32 v19, v26;
	v22 =	vld.idx.msk [tilespmem:v17+s23+$0x0], $0xffff;
	v26 =	vadd.f32 $1.000000000e+00, v35;
	(erf) = vrcp.f32 v33  }
.Ltmp3:
0x180: {  	v31 =	vadd.f32 v25, v31;
	v25 =	vpop (erf);
	v18 =	vadd.f32 v24, v18;
	v23 =	vmul.f32 v27, v23;
	(pc) =	sbr.rel @p0 .LBB2_9-.Ltmp3, $4  }
0x181: {  	v24 =	vadd.f32 v19, v19;
	v27 =	vadd.f32 $1.000000000e+00, v25;
	(erf) = vrcp.f32 v26;
	v25 =	vpop (erf)  }
0x182: {  	v19 =	vor.u32 v5, v28;
	v28 =	vadd.f32 $1.000000000e+00, v25;
	v18 =	vadd.f32 v23, v18  }
0x183: {  	v25 =	vand.u32 $0x7D, v30;
	v23 =	vadd.f32 v34, v29;
	(erf) = vrcp.f32 v27  }
0x184: {  	s1 =	sadd.s32 $0x4, s1;
	v26 =	vadd.f32 v31, v31;
	v24 =	vmul.f32 $1.442695020e+00, v24;
	(erf) = vrcp.f32 v28  }
0x185: {  	v25 =	vbroadcast v25, $0x0  }
0x186: {  	v21 =	vadd.f32 v22, v21;
	v20 =	vand.u32 $0x7E, v20;
	v22 =	vmul.f32 $1.442695020e+00, v26  }
0x187: {  	v23 =	vadd.f32 v23, v23;
	s1 =	sadd.s32 $0x3, s10;
	(erf) = vpow2.f32 v24;
	v20 =	vbroadcast v20, $0x0  }
0x188: {  	v24 =	vor.u32 v5, v25;
	v21 =	vadd.f32 v21, v21;
	v25 =	vmov s1  }
0x189: {  	v23 =	vmul.f32 $1.442695020e+00, v23;
	(erf) = vpow2.f32 v22;
	v22 =	vand.u32 $0x7F, v25  }
0x18a: {  	v20 =	vor.u32 v5, v20;
	v21 =	vmul.f32 $1.442695020e+00, v21;
	v22 =	vbroadcast v22, $0x0  }
0x18b: {  	(erf) = vpow2.f32 v23;
	v23 =	vld.idx.msk [tilespmem:v19+s22+$0x0], $0xffff  }
0x18c: {  	(erf) = vpow2.f32 v21;
	v21 =	vld.idx.msk [tilespmem:v19+s23+$0x0], $0xffff;
	v22 =	vor.u32 v5, v22  }
0x18d: {  	v26 =	vld.idx.msk [tilespmem:v24+s22+$0x0], $0xffff  }
0x18e: {  	v25 =	vpop (erf);
	v28 =	vld.idx.msk [tilespmem:v24+s23+$0x0], $0xffff  }
0x18f: {  	v27 =	vpop (erf);
	v30 =	vld.idx.msk [tilespmem:v20+s22+$0x0], $0xffff  }
0x190: {  	v29 =	vpop (erf);
	v32 =	vld.idx.msk [tilespmem:v20+s23+$0x0], $0xffff  }
0x191: {  	v31 =	vpop (erf);
	v34 =	vld.idx.msk [tilespmem:v22+s22+$0x0], $0xffff  }
0x192: {  	v33 =	vpop (erf);
	v21 =	vadd.f32 v21, v23;
	v23 =	vld.idx.msk [tilespmem:v22+s23+$0x0], $0xffff  }
0x193: {  	v33 =	vadd.f32 $1.000000000e+00, v33;
	v35 =	vpop (erf);
	v26 =	vadd.f32 v28, v26  }
0x194: {  	v35 =	vadd.f32 $1.000000000e+00, v35;
	v28 =	vpop (erf);
	v21 =	vadd.f32 v21, v21  }
0x195: {  	(erf) = vrcp.f32 v33;
	v30 =	vadd.f32 v32, v30;
	v28 =	vadd.f32 $1.000000000e+00, v28;
	v60 =	vpop (erf)  }
0x196: {  	v26 =	vadd.f32 v26, v26;
	(erf) = vrcp.f32 v35;
	v61 =	vadd.f32 $1.000000000e+00, v60  }
0x197: {  	v21 =	vmul.f32 $1.442695020e+00, v21;
	(erf) = vrcp.f32 v28;
	v23 =	vadd.f32 v23, v34  }
0x198: {  	v28 =	vadd.f32 v30, v30;
	(erf) = vrcp.f32 v61  }
0x199: {  	v12 =	vld.idx.msk [tilespmem:v12+s21+$0x0], $0xffff;
	v26 =	vmul.f32 $1.442695020e+00, v26;
	(erf) = vpow2.f32 v21;
	v21 =	vadd.f32 v23, v23  }
0x19a: {  	v25 =	vadd.f32 v25, v25;
	v23 =	vmul.f32 $1.442695020e+00, v28  }
0x19b: {  	(erf) = vpow2.f32 v26;
	v21 =	vmul.f32 $1.442695020e+00, v21  }
0x19c: {  	(erf) = vpow2.f32 v23;
	v23 =	vsub.f32 $1.000000000e+00, v25;
	v25 =	vadd.f32 v27, v27  }
0x19d: {  	v11 =	vld.idx.msk [tilespmem:v11+s21+$0x0], $0xffff  }
0x19e: {  	v12 =	vmul.f32 v23, v12;
	v23 =	vsub.f32 $1.000000000e+00, v25;
	v25 =	vadd.f32 v29, v29  }
0x19f: {  	v10 =	vld.idx.msk [tilespmem:v10+s21+$0x0], $0xffff;
	v26 =	vpop (erf)  }
0x1a0: {  	(erf) = vpow2.f32 v21;
	v21 =	vpop (erf);
	v12 =	vadd.f32 v12, v18;
	v18 =	vsub.f32 $1.000000000e+00, v25  }
0x1a1: {  	v27 =	vpop (erf)  }
0x1a2: {  	v28 =	vadd.f32 v31, v31;
	v11 =	vmul.f32 v23, v11;
	v29 =	vpop (erf)  }
0x1a3: {  	v16 =	vld.idx.msk [tilespmem:v16+s21+$0x0], $0xffff;
	v23 =	vpop (erf)  }
0x1a4: {  	v11 =	vadd.f32 v11, v12;
	v10 =	vmul.f32 v18, v10;
	v12 =	vsub.f32 $1.000000000e+00, v28;
	v18 =	vpop (erf)  }
0x1a5: {  	v23 =	vadd.f32 $1.000000000e+00, v23;
	v18 =	vadd.f32 $1.000000000e+00, v18  }
0x1a6: {  	v13 =	vld.idx.msk [tilespmem:v13+s21+$0x0], $0xffff  }
0x1a7: {  	v25 =	vadd.f32 v26, v26;
	(erf) = vrcp.f32 v23  }
0x1a8: {  	v10 =	vadd.f32 v10, v11;
	v11 =	vmul.f32 v12, v16;
	v12 =	vpop (erf)  }
0x1a9: {  	v15 =	vld.idx.msk [tilespmem:v15+s21+$0x0], $0xffff;
	v16 =	vsub.f32 $1.000000000e+00, v25;
	v12 =	vadd.f32 $1.000000000e+00, v12;
	(erf) = vrcp.f32 v18;
	v18 =	vpop (erf)  }
0x1aa: {  	v21 =	vadd.f32 v21, v21;
	v18 =	vadd.f32 $1.000000000e+00, v18  }
0x1ab: {  	v10 =	vadd.f32 v11, v10;
	v11 =	vld.idx.msk [tilespmem:v14+s21+$0x0], $0xffff;
	v13 =	vmul.f32 v16, v13;
	(erf) = vrcp.f32 v12  }
0x1ac: {  	v14 =	vadd.f32 v27, v27;
	v12 =	vsub.f32 $1.000000000e+00, v21;
	(erf) = vrcp.f32 v18  }
0x1ad: {  	v16 =	vld.idx.msk [tilespmem:v17+s21+$0x0], $0xffff;
	v17 =	vadd.f32 v29, v29  }
0x1ae: {  	v10 =	vadd.f32 v13, v10;
	v13 =	vsub.f32 $1.000000000e+00, v14;
	v12 =	vmul.f32 v12, v15;
	_ =	sdelay $0x1  }
0x1af: {  	v11 =	vmul.f32 v13, v11;
	v13 =	vld.idx.msk [tilespmem:v19+s21+$0x0], $0xffff;
	v10 =	vadd.f32 v12, v10;
	v12 =	vsub.f32 $1.000000000e+00, v17;
	v14 =	vpop (erf)  }
0x1b0: {  	v14 =	vadd.f32 v14, v14  }
0x1b1: {  	v10 =	vadd.f32 v11, v10;
	v11 =	vmul.f32 v12, v16;
	v12 =	vld.idx.msk [tilespmem:v24+s21+$0x0], $0xffff;
	v15 =	vpop (erf)  }
0x1b2: {  	v15 =	vadd.f32 v15, v15;
	v14 =	vsub.f32 $1.000000000e+00, v14  }
0x1b3: {  	v10 =	vadd.f32 v11, v10;
	v11 =	vld.idx.msk [tilespmem:v20+s21+$0x0], $0xffff;
	v16 =	vpop (erf)  }
0x1b4: {  	v13 =	vmul.f32 v14, v13;
	v14 =	vsub.f32 $1.000000000e+00, v15;
	v15 =	vadd.f32 v16, v16;
	v16 =	vpop (erf)  }
0x1b5: {  	v17 =	vld.idx.msk [tilespmem:v22+s21+$0x0], $0xffff;
	v16 =	vadd.f32 v16, v16  }
0x1b6: {  	v10 =	vadd.f32 v13, v10;
	v12 =	vmul.f32 v14, v12;
	v13 =	vsub.f32 $1.000000000e+00, v15;
	_ =	sdelay $0x1  }
0x1b7: {  	v10 =	vadd.f32 v12, v10;
	v11 =	vmul.f32 v13, v11;
	v12 =	vsub.f32 $1.000000000e+00, v16;
	_ =	sdelay $0x1  }
0x1b8: {  	v10 =	vadd.f32 v11, v10;
	v11 =	vmul.f32 v12, v17;
	_ =	sdelay $0x1  }
0x1b9: {  	v10 =	vadd.f32 v11, v10;
	_ =	sdelay $0x1  }
0x1ba: {  	v10 =	vmin.f32 v10, $9.000000000e+01  }
0x1bb: {  	v10 =	vadd.f32 $-6.000000000e+01, v10;
	_ =	sdelay $0x1  }
0x1bc: {  	v10 =	vmul.f32 $1.442695020e+00, v10;
	_ =	sdelay $0x1  }
0x1bd: {  	s11 =	simm.s32 $0x0;
	(erf) = vpow2.f32 v10  }
0x1be: {  	v10 =	vmov s11  }
0x1bf: {  	s12 =	simm.s32 $0x1;
	v10 =	vand.u32 $0x7C, v10  }
0x1c0: {  	v11 =	vmov s12;
	v10 =	vbroadcast v10, $0x0  }
0x1c1: {  	v11 =	vand.u32 $0x7D, v11  }
0x1c2: {  	s10 =	simm.s32 $0x3;
	v13 =	vor.u32 v7, v10;
	v10 =	vbroadcast v11, $0x0  }
0x1c3: {  	s2 =	simm.s32 $0x2;
	v14 =	vmov s10  }
0x1c4: {  	v14 =	vand.u32 $0x7F, v14;
	v12 =	vmov s2  }
0x1c5: {  	v14 =	vbroadcast v14, $0x0;
	v11 =	vand.u32 $0x7E, v12;
	v12 =	vor.u32 v7, v10  }
0x1c6: {  	v11 =	vbroadcast v11, $0x0;
	v10 =	vpop (erf)  }
0x1c7: {  	v17 =	vor.u32 v7, v14;
	[tilespmem:v6+s13+$0x0] =	vst.idx.msk $0xffff, v10  }
0x1c8: {  	v11 =	vor.u32 v7, v11;
	v15 =	vld.idx.msk [tilespmem:v13+s22+$0x0], $0xffff  }
0x1c9: {  	v16 =	vld.idx.msk [tilespmem:v13+s23+$0x0], $0xffff  }
0x1ca: {  	v14 =	vld.idx.msk [tilespmem:v12+s22+$0x0], $0xffff  }
0x1cb: {  	v18 =	vld.idx.msk [tilespmem:v12+s23+$0x0], $0xffff  }
0x1cc: {  	v21 =	vld.idx.msk [tilespmem:v17+s22+$0x0], $0xffff  }
0x1cd: {  	s11 =	simm.s32 $0x4;
	v19 =	vld.idx.msk [tilespmem:v11+s22+$0x0], $0xffff  }
0x1ce: {  	v22 =	vmov s11;
	v20 =	vld.idx.msk [tilespmem:v11+s23+$0x0], $0xffff  }
0x1cf: {  	v22 =	vand.u32 $0x7C, v22;
	v23 =	vld.idx.msk [tilespmem:v17+s23+$0x0], $0xffff  }
0x1d0: {  	v22 =	vbroadcast v22, $0x0  }
0x1d1: {  	s2 =	simm.s32 $0x5;
	v15 =	vadd.f32 v16, v15  }
0x1d2: {  	v24 =	vmov s2;
	v18 =	vadd.f32 v18, v14;
	v14 =	vor.u32 v7, v22  }
0x1d3: {  	v22 =	vand.u32 $0x7D, v24;
	v19 =	vadd.f32 v20, v19;
	v15 =	vadd.f32 v15, v15  }
0x1d4: {  	s12 =	simm.s32 $0x6;
	v20 =	vadd.f32 v23, v21;
	v21 =	vbroadcast v22, $0x0;
	v18 =	vadd.f32 v18, v18  }
0x1d5: {  	v16 =	vmov s12;
	v19 =	vadd.f32 v19, v19;
	v15 =	vmul.f32 $1.442695020e+00, v15  }
0x1d6: {  	v22 =	vand.u32 $0x7E, v16;
	v16 =	vor.u32 v7, v21;
	v18 =	vmul.f32 $1.442695020e+00, v18  }
0x1d7: {  	v19 =	vmul.f32 $1.442695020e+00, v19;
	(erf) = vpow2.f32 v15;
	v15 =	vadd.f32 v20, v20  }
0x1d8: {  	v20 =	vbroadcast v22, $0x0;
	(erf) = vpow2.f32 v18  }
0x1d9: {  	v18 =	vmul.f32 $1.442695020e+00, v15;
	(erf) = vpow2.f32 v19  }
0x1da: {  	s10 =	simm.s32 $0x7;
	v22 =	vld.idx.msk [tilespmem:v14+s22+$0x0], $0xffff  }
0x1db: {  	v15 =	vor.u32 v7, v20;
	v20 =	vld.idx.msk [tilespmem:v14+s23+$0x0], $0xffff;
	(erf) = vpow2.f32 v18;
	v18 =	vmov s10  }
0x1dc: {  	v23 =	vld.idx.msk [tilespmem:v16+s22+$0x0], $0xffff;
	v18 =	vand.u32 $0x7F, v18  }
0x1dd: {  	v24 =	vld.idx.msk [tilespmem:v16+s23+$0x0], $0xffff;
	v18 =	vbroadcast v18, $0x0;
	_ =	sdelay $0x1  }
0x1de: {  	v18 =	vor.u32 v7, v18  }
0x1df: {  	v27 =	vpop (erf)  }
0x1e0: {  	v20 =	vadd.f32 v20, v22;
	v27 =	vadd.f32 $1.000000000e+00, v27;
	v29 =	vpop (erf)  }
0x1e1: {  	v25 =	vld.idx.msk [tilespmem:v15+s22+$0x0], $0xffff;
	v22 =	vadd.f32 $1.000000000e+00, v29;
	v29 =	vadd.f32 v24, v23;
	v23 =	vpop (erf)  }
0x1e2: {  	s10 =	simm.s32 $0x8;
	v28 =	vld.idx.msk [tilespmem:v15+s23+$0x0], $0xffff;
	(erf) = vrcp.f32 v27;
	v23 =	vadd.f32 $1.000000000e+00, v23  }
0x1e3: {  	v21 =	vmov s10;
	(erf) = vrcp.f32 v22;
	v22 =	vld.idx.msk [tilespmem:v18+s22+$0x0], $0xffff  }
0x1e4: {  	s12 =	simm.s32 $0x9;
	v26 =	vand.u32 $0x7C, v21;
	v24 =	vpop (erf);
	(erf) = vrcp.f32 v23;
	v23 =	vld.idx.msk [tilespmem:v18+s23+$0x0], $0xffff  }
0x1e5: {  	s11 =	simm.s32 $0xA;
	v62 =	vmov s12;
	v19 =	vimm.f32 $0.0e+00;
	v26 =	vbroadcast v26, $0x0  }
0x1e6: {  	v21 =	vmov s11;
	v27 =	vadd.f32 v20, v20;
	v63 =	vadd.f32 $1.000000000e+00, v24  }
0x1e7: {  	v20 =	vor.u32 v7, v26;
	v26 =	vand.u32 $0x7D, v62;
	v24 =	vadd.f32 v28, v25  }
0x1e8: {  	s1 =	simm.s32 $0xC;
	v25 =	vmul.f32 $1.442695020e+00, v27;
	v27 =	vadd.f32 v29, v29;
	(erf) = vrcp.f32 v63  }
.LBB2_11:
0x1e9: {  	p0 =	sne.s32 s1, $0x7C;
	v26 =	vbroadcast v26, $0x0;
	v21 =	vand.u32 $0x7E, v21;
	v22 =	vadd.f32 v23, v22  }
0x1ea: {  	v24 =	vadd.f32 v24, v24;
	v29 =	vmul.f32 $1.442695020e+00, v27;
	(erf) = vpow2.f32 v25;
	v25 =	vld.idx.msk [tilespmem:v13+s21+$0x0], $0xffff;
	v13 =	vmovc v14;
	v14 =	vmovc v20  }
0x1eb: {  	s11 =	sadd.s32 $0x3, s10;
	s10 =	smov.u32 s1;
	v21 =	vbroadcast v21, $0x0;
	v27 =	vld.idx.msk [tilespmem:v20+s22+$0x0], $0xffff;
	v26 =	vor.u32 v7, v26;
	v22 =	vadd.f32 v22, v22  }
0x1ec: {  	v28 =	vmov s11;
	v24 =	vmul.f32 $1.442695020e+00, v24;
	v20 =	vld.idx.msk [tilespmem:v20+s23+$0x0], $0xffff;
	(erf) = vpow2.f32 v29;
	v23 =	vpop (erf)  }
0x1ed: {  	v28 =	vand.u32 $0x7F, v28;
	v22 =	vmul.f32 $1.442695020e+00, v22;
	v23 =	vadd.f32 v23, v23;
	v29 =	vld.idx.msk [tilespmem:v12+s21+$0x0], $0xffff;
	v12 =	vmovc v16;
	v16 =	vmovc v26  }
0x1ee: {  	v30 =	vor.u32 v7, v21;
	v21 =	vbroadcast v28, $0x0;
	(erf) = vpow2.f32 v24;
	v24 =	vld.idx.msk [tilespmem:v17+s21+$0x0], $0xffff;
	v17 =	vpop (erf)  }
0x1ef: {  	(erf) = vpow2.f32 v22;
	v22 =	vsub.f32 $1.000000000e+00, v23;
	v23 =	vadd.f32 v17, v17;
	v28 =	vld.idx.msk [tilespmem:v11+s21+$0x0], $0xffff;
	v11 =	vmovc v15;
	v15 =	vmovc v30  }
0x1f0: {  	v31 =	vmov s1;
	v17 =	vmov v18;
	v18 =	vor.u32 v7, v21;
	v32 =	vld.idx.msk [tilespmem:v26+s22+$0x0], $0xffff;
	v33 =	vpop (erf)  }
0x1f1: {  	s11 =	sadd.s32 $0x2, s1;
	v26 =	vld.idx.msk [tilespmem:v26+s23+$0x0], $0xffff;
	v22 =	vmul.f32 v22, v25;
	v23 =	vsub.f32 $1.000000000e+00, v23;
	v25 =	vadd.f32 v33, v33;
	v33 =	vpop (erf)  }
0x1f2: {  	v31 =	vand.u32 $0x7C, v31;
	v21 =	vmov s11;
	v33 =	vadd.f32 v33, v33  }
0x1f3: {  	s11 =	sadd.s32 $0x1, s1;
	v30 =	vld.idx.msk [tilespmem:v30+s22+$0x0], $0xffff;
	v34 =	vpop (erf);
	v19 =	vadd.f32 v22, v19;
	v23 =	vmul.f32 v23, v29;
	v25 =	vsub.f32 $1.000000000e+00, v25  }
0x1f4: {  	v29 =	vbroadcast v31, $0x0;
	v31 =	vmov s11;
	v35 =	vld.idx.msk [tilespmem:v15+s23+$0x0], $0xffff;
	v34 =	vadd.f32 $1.000000000e+00, v34  }
0x1f5: {  	v22 =	vld.idx.msk [tilespmem:v18+s22+$0x0], $0xffff;
	v36 =	vpop (erf);
	v19 =	vadd.f32 v23, v19;
	v25 =	vmul.f32 v25, v28;
	v28 =	vsub.f32 $1.000000000e+00, v33  }
0x1f6: {  	v20 =	vadd.f32 v20, v27;
	v23 =	vld.idx.msk [tilespmem:v18+s23+$0x0], $0xffff;
	v27 =	vadd.f32 $1.000000000e+00, v36;
	(erf) = vrcp.f32 v34  }
.Ltmp4:
0x1f7: {  	v32 =	vadd.f32 v26, v32;
	v26 =	vpop (erf);
	v19 =	vadd.f32 v25, v19;
	v24 =	vmul.f32 v28, v24;
	(pc) =	sbr.rel @p0 .LBB2_11-.Ltmp4, $4  }
0x1f8: {  	v25 =	vadd.f32 v20, v20;
	v28 =	vadd.f32 $1.000000000e+00, v26;
	(erf) = vrcp.f32 v27;
	v26 =	vpop (erf)  }
0x1f9: {  	v20 =	vor.u32 v7, v29;
	v29 =	vadd.f32 $1.000000000e+00, v26;
	v19 =	vadd.f32 v24, v19  }
0x1fa: {  	v26 =	vand.u32 $0x7D, v31;
	v24 =	vadd.f32 v35, v30;
	(erf) = vrcp.f32 v28  }
0x1fb: {  	s1 =	sadd.s32 $0x4, s1;
	v27 =	vadd.f32 v32, v32;
	v25 =	vmul.f32 $1.442695020e+00, v25;
	(erf) = vrcp.f32 v29  }
0x1fc: {  	v26 =	vbroadcast v26, $0x0  }
0x1fd: {  	v22 =	vadd.f32 v23, v22;
	v21 =	vand.u32 $0x7E, v21;
	v23 =	vmul.f32 $1.442695020e+00, v27  }
0x1fe: {  	v24 =	vadd.f32 v24, v24;
	s1 =	sadd.s32 $0x3, s10;
	(erf) = vpow2.f32 v25;
	v21 =	vbroadcast v21, $0x0  }
0x1ff: {  	v25 =	vor.u32 v7, v26;
	v22 =	vadd.f32 v22, v22;
	v26 =	vmov s1  }
0x200: {  	v24 =	vmul.f32 $1.442695020e+00, v24;
	(erf) = vpow2.f32 v23;
	v23 =	vand.u32 $0x7F, v26  }
0x201: {  	v21 =	vor.u32 v7, v21;
	v22 =	vmul.f32 $1.442695020e+00, v22;
	v23 =	vbroadcast v23, $0x0  }
0x202: {  	(erf) = vpow2.f32 v24;
	v24 =	vld.idx.msk [tilespmem:v20+s22+$0x0], $0xffff  }
0x203: {  	(erf) = vpow2.f32 v22;
	v22 =	vld.idx.msk [tilespmem:v20+s23+$0x0], $0xffff;
	v23 =	vor.u32 v7, v23  }
0x204: {  	v27 =	vld.idx.msk [tilespmem:v25+s22+$0x0], $0xffff  }
0x205: {  	v26 =	vpop (erf);
	v29 =	vld.idx.msk [tilespmem:v25+s23+$0x0], $0xffff  }
0x206: {  	v28 =	vpop (erf);
	v31 =	vld.idx.msk [tilespmem:v21+s22+$0x0], $0xffff  }
0x207: {  	v30 =	vpop (erf);
	v33 =	vld.idx.msk [tilespmem:v21+s23+$0x0], $0xffff  }
0x208: {  	v32 =	vpop (erf);
	v35 =	vld.idx.msk [tilespmem:v23+s22+$0x0], $0xffff  }
0x209: {  	v34 =	vpop (erf);
	v22 =	vadd.f32 v22, v24;
	v24 =	vld.idx.msk [tilespmem:v23+s23+$0x0], $0xffff  }
0x20a: {  	v34 =	vadd.f32 $1.000000000e+00, v34;
	v36 =	vpop (erf);
	v27 =	vadd.f32 v29, v27  }
0x20b: {  	v36 =	vadd.f32 $1.000000000e+00, v36;
	v29 =	vpop (erf);
	v22 =	vadd.f32 v22, v22  }
0x20c: {  	(erf) = vrcp.f32 v34;
	v31 =	vadd.f32 v33, v31;
	v29 =	vadd.f32 $1.000000000e+00, v29;
	v60 =	vpop (erf)  }
0x20d: {  	v27 =	vadd.f32 v27, v27;
	(erf) = vrcp.f32 v36;
	v61 =	vadd.f32 $1.000000000e+00, v60  }
0x20e: {  	v22 =	vmul.f32 $1.442695020e+00, v22;
	(erf) = vrcp.f32 v29;
	v24 =	vadd.f32 v24, v35  }
0x20f: {  	v29 =	vadd.f32 v31, v31;
	(erf) = vrcp.f32 v61  }
0x210: {  	v13 =	vld.idx.msk [tilespmem:v13+s21+$0x0], $0xffff;
	v27 =	vmul.f32 $1.442695020e+00, v27;
	(erf) = vpow2.f32 v22;
	v22 =	vadd.f32 v24, v24  }
0x211: {  	v26 =	vadd.f32 v26, v26;
	v24 =	vmul.f32 $1.442695020e+00, v29  }
0x212: {  	(erf) = vpow2.f32 v27;
	v22 =	vmul.f32 $1.442695020e+00, v22  }
0x213: {  	(erf) = vpow2.f32 v24;
	v24 =	vsub.f32 $1.000000000e+00, v26;
	v26 =	vadd.f32 v28, v28  }
0x214: {  	v12 =	vld.idx.msk [tilespmem:v12+s21+$0x0], $0xffff  }
0x215: {  	v13 =	vmul.f32 v24, v13;
	v24 =	vsub.f32 $1.000000000e+00, v26;
	v26 =	vadd.f32 v30, v30  }
0x216: {  	v11 =	vld.idx.msk [tilespmem:v11+s21+$0x0], $0xffff;
	v27 =	vpop (erf)  }
0x217: {  	(erf) = vpow2.f32 v22;
	v22 =	vpop (erf);
	v13 =	vadd.f32 v13, v19;
	v19 =	vsub.f32 $1.000000000e+00, v26  }
0x218: {  	v28 =	vpop (erf)  }
0x219: {  	v29 =	vadd.f32 v32, v32;
	v12 =	vmul.f32 v24, v12;
	v30 =	vpop (erf)  }
0x21a: {  	v17 =	vld.idx.msk [tilespmem:v17+s21+$0x0], $0xffff;
	v24 =	vpop (erf)  }
0x21b: {  	v12 =	vadd.f32 v12, v13;
	v11 =	vmul.f32 v19, v11;
	v13 =	vsub.f32 $1.000000000e+00, v29;
	v19 =	vpop (erf)  }
0x21c: {  	v24 =	vadd.f32 $1.000000000e+00, v24;
	v19 =	vadd.f32 $1.000000000e+00, v19  }
0x21d: {  	v14 =	vld.idx.msk [tilespmem:v14+s21+$0x0], $0xffff  }
0x21e: {  	v26 =	vadd.f32 v27, v27;
	(erf) = vrcp.f32 v24  }
0x21f: {  	v11 =	vadd.f32 v11, v12;
	v12 =	vmul.f32 v13, v17;
	v13 =	vpop (erf)  }
0x220: {  	v16 =	vld.idx.msk [tilespmem:v16+s21+$0x0], $0xffff;
	v17 =	vsub.f32 $1.000000000e+00, v26;
	v13 =	vadd.f32 $1.000000000e+00, v13;
	(erf) = vrcp.f32 v19;
	v19 =	vpop (erf)  }
0x221: {  	v22 =	vadd.f32 v22, v22;
	v19 =	vadd.f32 $1.000000000e+00, v19  }
0x222: {  	v11 =	vadd.f32 v12, v11;
	v12 =	vld.idx.msk [tilespmem:v15+s21+$0x0], $0xffff;
	v14 =	vmul.f32 v17, v14;
	(erf) = vrcp.f32 v13  }
0x223: {  	v15 =	vadd.f32 v28, v28;
	v13 =	vsub.f32 $1.000000000e+00, v22;
	(erf) = vrcp.f32 v19  }
0x224: {  	v17 =	vld.idx.msk [tilespmem:v18+s21+$0x0], $0xffff;
	v18 =	vadd.f32 v30, v30  }
0x225: {  	v11 =	vadd.f32 v14, v11;
	v14 =	vsub.f32 $1.000000000e+00, v15;
	v13 =	vmul.f32 v13, v16;
	_ =	sdelay $0x1  }
0x226: {  	v12 =	vmul.f32 v14, v12;
	v14 =	vld.idx.msk [tilespmem:v20+s21+$0x0], $0xffff;
	v11 =	vadd.f32 v13, v11;
	v13 =	vsub.f32 $1.000000000e+00, v18;
	v15 =	vpop (erf)  }
0x227: {  	v15 =	vadd.f32 v15, v15  }
0x228: {  	v11 =	vadd.f32 v12, v11;
	v12 =	vmul.f32 v13, v17;
	v13 =	vld.idx.msk [tilespmem:v25+s21+$0x0], $0xffff;
	v16 =	vpop (erf)  }
0x229: {  	v16 =	vadd.f32 v16, v16;
	v15 =	vsub.f32 $1.000000000e+00, v15  }
0x22a: {  	v11 =	vadd.f32 v12, v11;
	v12 =	vld.idx.msk [tilespmem:v21+s21+$0x0], $0xffff;
	v17 =	vpop (erf)  }
0x22b: {  	v14 =	vmul.f32 v15, v14;
	v15 =	vsub.f32 $1.000000000e+00, v16;
	v16 =	vadd.f32 v17, v17;
	v17 =	vpop (erf)  }
0x22c: {  	v18 =	vld.idx.msk [tilespmem:v23+s21+$0x0], $0xffff;
	v17 =	vadd.f32 v17, v17  }
0x22d: {  	v11 =	vadd.f32 v14, v11;
	v13 =	vmul.f32 v15, v13;
	v14 =	vsub.f32 $1.000000000e+00, v16;
	_ =	sdelay $0x1  }
0x22e: {  	v11 =	vadd.f32 v13, v11;
	v12 =	vmul.f32 v14, v12;
	v13 =	vsub.f32 $1.000000000e+00, v17;
	_ =	sdelay $0x1  }
0x22f: {  	v11 =	vadd.f32 v12, v11;
	v12 =	vmul.f32 v13, v18;
	_ =	sdelay $0x1  }
0x230: {  	v11 =	vadd.f32 v12, v11;
	_ =	sdelay $0x1  }
0x231: {  	v11 =	vmin.f32 v11, $9.000000000e+01  }
0x232: {  	v11 =	vadd.f32 $-6.000000000e+01, v11;
	_ =	sdelay $0x1  }
0x233: {  	v11 =	vmul.f32 $1.442695020e+00, v11;
	_ =	sdelay $0x1  }
0x234: {  	s11 =	simm.s32 $0x0;
	(erf) = vpow2.f32 v11  }
0x235: {  	v11 =	vmov s11  }
0x236: {  	s12 =	simm.s32 $0x1;
	v11 =	vand.u32 $0x7C, v11  }
0x237: {  	v13 =	vmov s12;
	v12 =	vbroadcast v11, $0x0  }
0x238: {  	v13 =	vand.u32 $0x7D, v13;
	v11 =	vor.u32 $0x2000, v0  }
0x239: {  	s2 =	simm.s32 $0x2;
	v16 =	vadd.s32 $0x1A00, v1;
	v15 =	vor.u32 v11, v12;
	v12 =	vbroadcast v13, $0x0  }
0x23a: {  	v14 =	vmov s2  }
0x23b: {  	v13 =	vand.u32 $0x7E, v14  }
0x23c: {  	s10 =	simm.s32 $0x3;
	v13 =	vbroadcast v13, $0x0;
	v14 =	vor.u32 v11, v12  }
0x23d: {  	v17 =	vmov s10;
	v12 =	vpop (erf)  }
0x23e: {  	v17 =	vand.u32 $0x7F, v17;
	v13 =	vor.u32 v11, v13;
	[tilespmem:v16+s13+$0x0] =	vst.idx.msk $0xffff, v12  }
0x23f: {  	v16 =	vbroadcast v17, $0x0;
	v17 =	vld.idx.msk [tilespmem:v15+s22+$0x0], $0xffff  }
0x240: {  	v18 =	vld.idx.msk [tilespmem:v15+s23+$0x0], $0xffff  }
0x241: {  	v19 =	vld.idx.msk [tilespmem:v14+s23+$0x0], $0xffff;
	v20 =	vor.u32 v11, v16  }
0x242: {  	v16 =	vld.idx.msk [tilespmem:v14+s22+$0x0], $0xffff  }
0x243: {  	v21 =	vld.idx.msk [tilespmem:v13+s22+$0x0], $0xffff  }
0x244: {  	v22 =	vld.idx.msk [tilespmem:v13+s23+$0x0], $0xffff  }
0x245: {  	s11 =	simm.s32 $0x4  }
0x246: {  	v24 =	vmov s11;
	v23 =	vld.idx.msk [tilespmem:v20+s22+$0x0], $0xffff  }
0x247: {  	v24 =	vand.u32 $0x7C, v24;
	v25 =	vld.idx.msk [tilespmem:v20+s23+$0x0], $0xffff  }
0x248: {  	s2 =	simm.s32 $0x5;
	v24 =	vbroadcast v24, $0x0;
	v17 =	vadd.f32 v18, v17  }
0x249: {  	v26 =	vmov s2;
	s12 =	simm.s32 $0x6;
	v19 =	vadd.f32 v19, v16;
	v21 =	vadd.f32 v22, v21  }
0x24a: {  	v18 =	vmov s12;
	v16 =	vor.u32 v11, v24;
	v17 =	vadd.f32 v17, v17  }
0x24b: {  	v24 =	vand.u32 $0x7D, v26;
	v19 =	vadd.f32 v19, v19;
	v21 =	vadd.f32 v21, v21  }
0x24c: {  	v17 =	vmul.f32 $1.442695020e+00, v17;
	v22 =	vadd.f32 v25, v23;
	v23 =	vbroadcast v24, $0x0  }
0x24d: {  	v19 =	vmul.f32 $1.442695020e+00, v19;
	v21 =	vmul.f32 $1.442695020e+00, v21;
	v24 =	vand.u32 $0x7E, v18  }
0x24e: {  	(erf) = vpow2.f32 v17;
	v17 =	vadd.f32 v22, v22;
	v18 =	vor.u32 v11, v23  }
0x24f: {  	(erf) = vpow2.f32 v19;
	v22 =	vbroadcast v24, $0x0  }
0x250: {  	(erf) = vpow2.f32 v21;
	v19 =	vmul.f32 $1.442695020e+00, v17  }
0x251: {  	s10 =	simm.s32 $0x7;
	v24 =	vld.idx.msk [tilespmem:v16+s22+$0x0], $0xffff  }
0x252: {  	v17 =	vor.u32 v11, v22;
	v22 =	vld.idx.msk [tilespmem:v16+s23+$0x0], $0xffff;
	(erf) = vpow2.f32 v19;
	v19 =	vmov s10  }
0x253: {  	v25 =	vld.idx.msk [tilespmem:v18+s22+$0x0], $0xffff;
	v19 =	vand.u32 $0x7F, v19  }
0x254: {  	v26 =	vld.idx.msk [tilespmem:v18+s23+$0x0], $0xffff;
	v19 =	vbroadcast v19, $0x0;
	_ =	sdelay $0x1  }
0x255: {  	v19 =	vor.u32 v11, v19  }
0x256: {  	v29 =	vpop (erf)  }
0x257: {  	v22 =	vadd.f32 v22, v24;
	v29 =	vadd.f32 $1.000000000e+00, v29;
	v31 =	vpop (erf)  }
0x258: {  	v27 =	vld.idx.msk [tilespmem:v17+s22+$0x0], $0xffff;
	v24 =	vadd.f32 $1.000000000e+00, v31;
	v31 =	vadd.f32 v26, v25;
	v25 =	vpop (erf)  }
0x259: {  	s10 =	simm.s32 $0x8;
	v30 =	vld.idx.msk [tilespmem:v17+s23+$0x0], $0xffff;
	(erf) = vrcp.f32 v29;
	v25 =	vadd.f32 $1.000000000e+00, v25  }
0x25a: {  	v23 =	vmov s10;
	(erf) = vrcp.f32 v24;
	v24 =	vld.idx.msk [tilespmem:v19+s22+$0x0], $0xffff  }
0x25b: {  	s12 =	simm.s32 $0x9;
	v28 =	vand.u32 $0x7C, v23;
	(erf) = vrcp.f32 v25;
	v25 =	vld.idx.msk [tilespmem:v19+s23+$0x0], $0xffff  }
0x25c: {  	s11 =	simm.s32 $0xA;
	v62 =	vmov s12;
	v21 =	vimm.f32 $0.0e+00;
	v28 =	vbroadcast v28, $0x0;
	v26 =	vpop (erf)  }
0x25d: {  	v23 =	vmov s11;
	v29 =	vadd.f32 v22, v22;
	v63 =	vadd.f32 $1.000000000e+00, v26  }
0x25e: {  	v22 =	vor.u32 v11, v28;
	v28 =	vand.u32 $0x7D, v62;
	v26 =	vadd.f32 v30, v27  }
0x25f: {  	s1 =	simm.s32 $0xC;
	v27 =	vmul.f32 $1.442695020e+00, v29;
	v29 =	vadd.f32 v31, v31;
	(erf) = vrcp.f32 v63  }
.LBB2_13:
0x260: {  	p0 =	sne.s32 s1, $0x7C;
	v28 =	vbroadcast v28, $0x0;
	v23 =	vand.u32 $0x7E, v23;
	v24 =	vadd.f32 v25, v24  }
0x261: {  	v26 =	vadd.f32 v26, v26;
	v31 =	vmul.f32 $1.442695020e+00, v29;
	(erf) = vpow2.f32 v27;
	v27 =	vld.idx.msk [tilespmem:v15+s21+$0x0], $0xffff;
	v15 =	vmovc v16;
	v16 =	vmovc v22  }
0x262: {  	s11 =	sadd.s32 $0x3, s10;
	s10 =	smov.u32 s1;
	v23 =	vbroadcast v23, $0x0;
	v29 =	vld.idx.msk [tilespmem:v22+s22+$0x0], $0xffff;
	v28 =	vor.u32 v11, v28;
	v24 =	vadd.f32 v24, v24  }
0x263: {  	v30 =	vmov s11;
	v26 =	vmul.f32 $1.442695020e+00, v26;
	v22 =	vld.idx.msk [tilespmem:v22+s23+$0x0], $0xffff;
	(erf) = vpow2.f32 v31;
	v25 =	vpop (erf)  }
0x264: {  	v30 =	vand.u32 $0x7F, v30;
	v24 =	vmul.f32 $1.442695020e+00, v24;
	v25 =	vadd.f32 v25, v25;
	v31 =	vld.idx.msk [tilespmem:v14+s21+$0x0], $0xffff;
	v14 =	vmovc v18;
	v18 =	vmovc v28  }
0x265: {  	v32 =	vor.u32 v11, v23;
	v35 =	vbroadcast v30, $0x0;
	(erf) = vpow2.f32 v26;
	v26 =	vld.idx.msk [tilespmem:v20+s21+$0x0], $0xffff;
	v20 =	vpop (erf)  }
0x266: {  	(erf) = vpow2.f32 v24;
	v24 =	vsub.f32 $1.000000000e+00, v25;
	v36 =	vadd.f32 v20, v20;
	v25 =	vld.idx.msk [tilespmem:v13+s21+$0x0], $0xffff;
	v13 =	vmovc v17;
	v17 =	vmovc v32  }
0x267: {  	v30 =	vmov s1;
	v34 =	vor.u32 v11, v35;
	v33 =	vld.idx.msk [tilespmem:v28+s22+$0x0], $0xffff;
	v23 =	vpop (erf)  }
0x268: {  	s11 =	sadd.s32 $0x2, s1;
	v28 =	vld.idx.msk [tilespmem:v28+s23+$0x0], $0xffff;
	v24 =	vmul.f32 v24, v27;
	v27 =	vsub.f32 $1.000000000e+00, v36;
	v35 =	vadd.f32 v23, v23;
	v20 =	vpop (erf)  }
0x269: {  	v30 =	vand.u32 $0x7C, v30;
	v23 =	vmov s11;
	v36 =	vadd.f32 v20, v20;
	v20 =	vmovc v19;
	v19 =	vmovc v34  }
0x26a: {  	s11 =	sadd.s32 $0x1, s1;
	v32 =	vld.idx.msk [tilespmem:v32+s22+$0x0], $0xffff;
	v37 =	vpop (erf);
	v21 =	vadd.f32 v24, v21;
	v27 =	vmul.f32 v27, v31;
	v31 =	vsub.f32 $1.000000000e+00, v35  }
0x26b: {  	v30 =	vbroadcast v30, $0x0;
	v35 =	vmov s11;
	v38 =	vld.idx.msk [tilespmem:v17+s23+$0x0], $0xffff;
	v37 =	vadd.f32 $1.000000000e+00, v37  }
0x26c: {  	v24 =	vld.idx.msk [tilespmem:v34+s22+$0x0], $0xffff;
	v39 =	vpop (erf);
	v21 =	vadd.f32 v27, v21;
	v27 =	vmul.f32 v31, v25;
	v31 =	vsub.f32 $1.000000000e+00, v36  }
0x26d: {  	v22 =	vadd.f32 v22, v29;
	v25 =	vld.idx.msk [tilespmem:v34+s23+$0x0], $0xffff;
	v29 =	vadd.f32 $1.000000000e+00, v39;
	(erf) = vrcp.f32 v37  }
.Ltmp5:
0x26e: {  	v33 =	vadd.f32 v28, v33;
	v28 =	vpop (erf);
	v21 =	vadd.f32 v27, v21;
	v26 =	vmul.f32 v31, v26;
	(pc) =	sbr.rel @p0 .LBB2_13-.Ltmp5, $4  }
0x26f: {  	v27 =	vadd.f32 v22, v22;
	v31 =	vadd.f32 $1.000000000e+00, v28;
	(erf) = vrcp.f32 v29;
	v28 =	vpop (erf)  }
0x270: {  	v22 =	vor.u32 v11, v30;
	v30 =	vadd.f32 $1.000000000e+00, v28;
	v21 =	vadd.f32 v26, v21  }
0x271: {  	v28 =	vand.u32 $0x7D, v35;
	v26 =	vadd.f32 v38, v32;
	(erf) = vrcp.f32 v31  }
0x272: {  	s1 =	sadd.s32 $0x4, s1;
	v29 =	vadd.f32 v33, v33;
	v27 =	vmul.f32 $1.442695020e+00, v27;
	(erf) = vrcp.f32 v30  }
0x273: {  	v24 =	vadd.f32 v25, v24  }
0x274: {  	v28 =	vbroadcast v28, $0x0;
	v23 =	vand.u32 $0x7E, v23;
	v26 =	vadd.f32 v26, v26  }
0x275: {  	v39 =	vmul.f32 $1.442695020e+00, v29;
	(erf) = vpow2.f32 v27;
	v24 =	vadd.f32 v24, v24  }
0x276: {  	s1 =	sadd.s32 $0x3, s10;
	v23 =	vbroadcast v23, $0x0;
	v27 =	vor.u32 v11, v28;
	v26 =	vmul.f32 $1.442695020e+00, v26  }
0x277: {  	v40 =	vmov s1;
	(erf) = vpow2.f32 v39;
	v24 =	vmul.f32 $1.442695020e+00, v24  }
0x278: {  	v41 =	vand.u32 $0x7F, v40;
	(erf) = vpow2.f32 v26  }
0x279: {  	v42 =	vld.idx.msk [tilespmem:v22+s22+$0x0], $0xffff;
	v23 =	vor.u32 v11, v23;
	v25 =	vbroadcast v41, $0x0;
	(erf) = vpow2.f32 v24  }
0x27a: {  	v43 =	vld.idx.msk [tilespmem:v22+s23+$0x0], $0xffff  }
0x27b: {  	v44 =	vpop (erf);
	v25 =	vor.u32 v11, v25;
	v45 =	vld.idx.msk [tilespmem:v27+s22+$0x0], $0xffff  }
0x27c: {  	v30 =	vpop (erf);
	v31 =	vld.idx.msk [tilespmem:v27+s23+$0x0], $0xffff  }
0x27d: {  	v32 =	vpop (erf)  }
0x27e: {  	v33 =	vld.idx.msk [tilespmem:v23+s22+$0x0], $0xffff;
	v34 =	vpop (erf)  }
0x27f: {  	v35 =	vld.idx.msk [tilespmem:v23+s23+$0x0], $0xffff;
	v36 =	vpop (erf)  }
0x280: {  	v24 =	vadd.f32 v43, v42;
	v37 =	vld.idx.msk [tilespmem:v25+s22+$0x0], $0xffff;
	v36 =	vadd.f32 $1.000000000e+00, v36;
	v38 =	vpop (erf)  }
0x281: {  	v46 =	vld.idx.msk [tilespmem:v25+s23+$0x0], $0xffff;
	v29 =	vadd.f32 v31, v45;
	v38 =	vadd.f32 $1.000000000e+00, v38;
	v47 =	vpop (erf)  }
0x282: {  	v24 =	vadd.f32 v24, v24;
	(erf) = vrcp.f32 v36;
	v31 =	vadd.f32 $1.000000000e+00, v47;
	v48 =	vpop (erf)  }
0x283: {  	v29 =	vadd.f32 v29, v29;
	(erf) = vrcp.f32 v38;
	v49 =	vadd.f32 $1.000000000e+00, v48  }
0x284: {  	v24 =	vmul.f32 $1.442695020e+00, v24;
	(erf) = vrcp.f32 v31  }
0x285: {  	v15 =	vld.idx.msk [tilespmem:v15+s21+$0x0], $0xffff;
	v33 =	vadd.f32 v35, v33;
	v29 =	vmul.f32 $1.442695020e+00, v29;
	(erf) = vrcp.f32 v49  }
0x286: {  	v28 =	vadd.f32 v44, v44;
	v26 =	vadd.f32 v46, v37;
	(erf) = vpow2.f32 v24  }
0x287: {  	v50 =	vadd.f32 v33, v33;
	(erf) = vpow2.f32 v29  }
0x288: {  	v53 =	vsub.f32 $1.000000000e+00, v28;
	v51 =	vadd.f32 v26, v26  }
0x289: {  	v14 =	vld.idx.msk [tilespmem:v14+s21+$0x0], $0xffff;
	v54 =	vadd.f32 v30, v30;
	v52 =	vmul.f32 $1.442695020e+00, v50  }
0x28a: {  	v15 =	vmul.f32 v53, v15;
	v58 =	vadd.f32 v32, v32;
	v24 =	vmul.f32 $1.442695020e+00, v51  }
0x28b: {  	v13 =	vld.idx.msk [tilespmem:v13+s21+$0x0], $0xffff;
	v57 =	vsub.f32 $1.000000000e+00, v54;
	(erf) = vpow2.f32 v52;
	v55 =	vpop (erf)  }
0x28c: {  	v15 =	vadd.f32 v15, v21;
	v21 =	vsub.f32 $1.000000000e+00, v58;
	(erf) = vpow2.f32 v24;
	v56 =	vpop (erf)  }
0x28d: {  	v59 =	vpop (erf)  }
0x28e: {  	v60 =	vadd.f32 v34, v34;
	v14 =	vmul.f32 v57, v14;
	v61 =	vpop (erf)  }
0x28f: {  	v20 =	vld.idx.msk [tilespmem:v20+s21+$0x0], $0xffff;
	v62 =	vpop (erf)  }
0x290: {  	v14 =	vadd.f32 v14, v15;
	v13 =	vmul.f32 v21, v13;
	v15 =	vsub.f32 $1.000000000e+00, v60;
	v21 =	vpop (erf)  }
0x291: {  	v26 =	vadd.f32 $1.000000000e+00, v62;
	v21 =	vadd.f32 $1.000000000e+00, v21;
	_ =	sdelay $0x1  }
0x292: {  	v16 =	vld.idx.msk [tilespmem:v16+s21+$0x0], $0xffff;
	v63 =	vadd.f32 v55, v55;
	(erf) = vrcp.f32 v26  }
0x293: {  	v13 =	vadd.f32 v13, v14;
	v14 =	vmul.f32 v15, v20;
	v15 =	vpop (erf)  }
0x294: {  	v18 =	vld.idx.msk [tilespmem:v18+s21+$0x0], $0xffff;
	v20 =	vsub.f32 $1.000000000e+00, v63;
	v15 =	vadd.f32 $1.000000000e+00, v15;
	(erf) = vrcp.f32 v21;
	v21 =	vpop (erf)  }
0x295: {  	v24 =	vadd.f32 v56, v56;
	v21 =	vadd.f32 $1.000000000e+00, v21  }
0x296: {  	v13 =	vadd.f32 v14, v13;
	v14 =	vld.idx.msk [tilespmem:v17+s21+$0x0], $0xffff;
	v17 =	vadd.f32 v59, v59;
	(erf) = vrcp.f32 v15  }
0x297: {  	v16 =	vmul.f32 v20, v16;
	v15 =	vsub.f32 $1.000000000e+00, v24;
	(erf) = vrcp.f32 v21  }
0x298: {  	v19 =	vld.idx.msk [tilespmem:v19+s21+$0x0], $0xffff;
	v20 =	vadd.f32 v61, v61  }
0x299: {  	v13 =	vadd.f32 v16, v13;
	v16 =	vsub.f32 $1.000000000e+00, v17;
	v15 =	vmul.f32 v15, v18;
	_ =	sdelay $0x1  }
0x29a: {  	v14 =	vmul.f32 v16, v14;
	v16 =	vld.idx.msk [tilespmem:v22+s21+$0x0], $0xffff;
	v13 =	vadd.f32 v15, v13;
	v15 =	vsub.f32 $1.000000000e+00, v20;
	v17 =	vpop (erf)  }
0x29b: {  	v17 =	vadd.f32 v17, v17  }
0x29c: {  	v13 =	vadd.f32 v14, v13;
	v14 =	vmul.f32 v15, v19;
	v15 =	vld.idx.msk [tilespmem:v27+s21+$0x0], $0xffff;
	v18 =	vpop (erf)  }
0x29d: {  	v18 =	vadd.f32 v18, v18;
	v17 =	vsub.f32 $1.000000000e+00, v17  }
0x29e: {  	v13 =	vadd.f32 v14, v13;
	v14 =	vld.idx.msk [tilespmem:v23+s21+$0x0], $0xffff;
	v19 =	vpop (erf)  }
0x29f: {  	v16 =	vmul.f32 v17, v16;
	v17 =	vsub.f32 $1.000000000e+00, v18;
	v18 =	vadd.f32 v19, v19;
	v19 =	vpop (erf)  }
0x2a0: {  	v20 =	vld.idx.msk [tilespmem:v25+s21+$0x0], $0xffff;
	v19 =	vadd.f32 v19, v19  }
0x2a1: {  	v13 =	vadd.f32 v16, v13;
	v15 =	vmul.f32 v17, v15;
	v16 =	vsub.f32 $1.000000000e+00, v18;
	_ =	sdelay $0x1  }
0x2a2: {  	v13 =	vadd.f32 v15, v13;
	v14 =	vmul.f32 v16, v14;
	v15 =	vsub.f32 $1.000000000e+00, v19;
	_ =	sdelay $0x1  }
0x2a3: {  	v13 =	vadd.f32 v14, v13;
	v14 =	vmul.f32 v15, v20;
	_ =	sdelay $0x1  }
0x2a4: {  	v13 =	vadd.f32 v14, v13;
	_ =	sdelay $0x1  }
0x2a5: {  	v13 =	vmin.f32 v13, $9.000000000e+01  }
0x2a6: {  	v13 =	vadd.f32 $-6.000000000e+01, v13;
	_ =	sdelay $0x1  }
0x2a7: {  	v13 =	vmul.f32 $1.442695020e+00, v13;
	_ =	sdelay $0x1  }
0x2a8: {  	(erf) = vpow2.f32 v13;
	_ =	sdelay $0x4  }
0x2a9: {  	v15 =	vadd.s32 $0x2280, v1;
	_ =	sdelay $0x1  }
0x2aa: {  	s12 =	simm.s32 $0x0  }
0x2ab: {  	v14 =	vmov s12  }
0x2ac: {  	v14 =	vand.u32 $0x7C, v14;
	v13 =	vpop (erf)  }
0x2ad: {  	s2 =	sadd.s32 $0x320, s0;
	[tilespmem:v15+s13+$0x0] =	vst.idx.msk $0xffff, v13;
	v15 =	vor.u32 v0, v14  }
0x2ae: {  	[tilespmem:s22], [sflag:$0x3] =	stream.indirect.gather [hbm4b:s3+s20], $0x80, s2, s20, $0xb8;
	[tilespmem:$0x1F880] =	vst v63  }
0x2af: {  	_ =	swait.ge [sflag:s28], $0x2800  }
0x2b0: {  	[sflag:s28] =	ssyncset.done $0x0  }
0x2b1: {  	[sflag:s28] =	ssyncadd.s32 $0xFFFFD800  }
0x2b2: {  	s10 =	simm.s32 $0x1;
	v16 =	vld.idx.msk [tilespmem:v15+s22+$0x0], $0xffff  }
0x2b3: {  	v15 =	vmov s10  }
0x2b4: {  	v17 =	vadd.s32 v1, v14;
	v15 =	vand.u32 $0x7D, v15  }
0x2b5: {  	v18 =	vor.u32 v0, v15;
	_ =	sdelay $0x1  }
0x2b6: {  	v16 =	vmul.f32 v16, v8;
	_ =	sdelay $0x1  }
0x2b7: {  	[tilespmem:v17+s13+$0x0] =	vst.idx.msk $0xffff, v16  }
0x2b8: {  	s11 =	simm.s32 $0x2;
	v17 =	vld.idx.msk [tilespmem:v18+s22+$0x0], $0xffff  }
0x2b9: {  	v16 =	vmov s11  }
0x2ba: {  	v18 =	vadd.s32 v1, v15;
	v16 =	vand.u32 $0x7E, v16  }
0x2bb: {  	v19 =	vor.u32 v0, v16;
	_ =	sdelay $0x1  }
0x2bc: {  	v17 =	vmul.f32 v17, v8;
	_ =	sdelay $0x1  }
0x2bd: {  	[tilespmem:v18+s13+$0x0] =	vst.idx.msk $0xffff, v17  }
0x2be: {  	s12 =	simm.s32 $0x3;
	v18 =	vld.idx.msk [tilespmem:v19+s22+$0x0], $0xffff  }
0x2bf: {  	v17 =	vmov s12  }
0x2c0: {  	v19 =	vadd.s32 v1, v16;
	v17 =	vand.u32 $0x7F, v17  }
0x2c1: {  	v20 =	vor.u32 v0, v17;
	_ =	sdelay $0x1  }
0x2c2: {  	v18 =	vmul.f32 v18, v8;
	_ =	sdelay $0x1  }
0x2c3: {  	[tilespmem:v19+s13+$0x0] =	vst.idx.msk $0xffff, v18  }
0x2c4: {  	s10 =	simm.s32 $0x4;
	v21 =	vld.idx.msk [tilespmem:v20+s22+$0x0], $0xffff  }
0x2c5: {  	v18 =	vmov s10  }
0x2c6: {  	v18 =	vand.u32 $0x7C, v18;
	v20 =	vadd.s32 v1, v17  }
0x2c7: {  	v19 =	vor.u32 v0, v18;
	_ =	sdelay $0x1  }
0x2c8: {  	s1 =	simm.s32 $0x4;
	s11 =	simm.s32 $0x8;
	v21 =	vmul.f32 v21, v8  }
.LBB2_15:
0x2c9: {  	_ = 	snop  }
0x2ca: {  	p0 =	sne.s32 s11, $0x7C;
	s12 =	smov.u32 s11;
	s11 =	sadd.s32 $0x4, s11;
	[tilespmem:v20+s13+$0x0] =	vst.idx.msk $0xffff, v21  }
0x2cb: {  	v19 =	vld.idx.msk [tilespmem:v19+s22+$0x0], $0xffff  }
0x2cc: {  	s2 =	sadd.s32 $0x1, s1  }
0x2cd: {  	v20 =	vmov s2  }
0x2ce: {  	v18 =	vadd.s32 v1, v18;
	v20 =	vand.u32 $0x7D, v20  }
0x2cf: {  	v21 =	vor.u32 v0, v20;
	_ =	sdelay $0x1  }
0x2d0: {  	v19 =	vmul.f32 v19, v8;
	_ =	sdelay $0x1  }
0x2d1: {  	[tilespmem:v18+s13+$0x0] =	vst.idx.msk $0xffff, v19  }
0x2d2: {  	v18 =	vld.idx.msk [tilespmem:v21+s22+$0x0], $0xffff  }
0x2d3: {  	s2 =	sadd.s32 $0x2, s1  }
0x2d4: {  	v19 =	vmov s2  }
0x2d5: {  	v20 =	vadd.s32 v1, v20;
	v19 =	vand.u32 $0x7E, v19  }
0x2d6: {  	v21 =	vor.u32 v0, v19;
	_ =	sdelay $0x1  }
0x2d7: {  	v18 =	vmul.f32 v18, v8;
	_ =	sdelay $0x1  }
0x2d8: {  	[tilespmem:v20+s13+$0x0] =	vst.idx.msk $0xffff, v18  }
0x2d9: {  	v18 =	vld.idx.msk [tilespmem:v21+s22+$0x0], $0xffff  }
0x2da: {  	s2 =	sadd.s32 $0x3, s1;
	s1 =	smov.u32 s12  }
0x2db: {  	v20 =	vmov s2  }
0x2dc: {  	v19 =	vadd.s32 v1, v19;
	v20 =	vand.u32 $0x7F, v20  }
0x2dd: {  	v21 =	vor.u32 v0, v20;
	_ =	sdelay $0x1  }
0x2de: {  	v18 =	vmul.f32 v18, v8;
	_ =	sdelay $0x1  }
0x2df: {  	[tilespmem:v19+s13+$0x0] =	vst.idx.msk $0xffff, v18  }
0x2e0: {  	v21 =	vld.idx.msk [tilespmem:v21+s22+$0x0], $0xffff;
	_ =	sdelay $0x1  }
.Ltmp6:
0x2e1: {  	v18 =	vmov s1;
	(pc) =	sbr.rel @p0 .LBB2_15-.Ltmp6, $3  }
0x2e2: {  	v20 =	vadd.s32 v1, v20;
	v18 =	vand.u32 $0x7C, v18  }
0x2e3: {  	v19 =	vor.u32 v0, v18;
	_ =	sdelay $0x1  }
0x2e4: {  	v21 =	vmul.f32 v21, v8  }
0x2e5: {  	_ =	sdelay $0x3  }
0x2e6: {  	[tilespmem:v20+s13+$0x0] =	vst.idx.msk $0xffff, v21  }
0x2e7: {  	s2 =	sadd.s32 $0x1, s1;
	v19 =	vld.idx.msk [tilespmem:v19+s22+$0x0], $0xffff  }
0x2e8: {  	v58 =	vmov s2  }
0x2e9: {  	v18 =	vadd.s32 v1, v18;
	v20 =	vand.u32 $0x7D, v58  }
0x2ea: {  	v59 =	vor.u32 v0, v20;
	_ =	sdelay $0x1  }
0x2eb: {  	v19 =	vmul.f32 v19, v8;
	_ =	sdelay $0x1  }
0x2ec: {  	[tilespmem:v18+s13+$0x0] =	vst.idx.msk $0xffff, v19  }
0x2ed: {  	s11 =	sadd.s32 $0x2, s1;
	v18 =	vld.idx.msk [tilespmem:v59+s22+$0x0], $0xffff  }
0x2ee: {  	v19 =	vmov s11  }
0x2ef: {  	v20 =	vadd.s32 v1, v20;
	v19 =	vand.u32 $0x7E, v19  }
0x2f0: {  	v60 =	vor.u32 v0, v19;
	_ =	sdelay $0x1  }
0x2f1: {  	v18 =	vmul.f32 v18, v8;
	_ =	sdelay $0x1  }
0x2f2: {  	[tilespmem:v20+s13+$0x0] =	vst.idx.msk $0xffff, v18  }
0x2f3: {  	s12 =	sadd.s32 $0x3, s1;
	v18 =	vld.idx.msk [tilespmem:v60+s22+$0x0], $0xffff  }
0x2f4: {  	v61 =	vmov s12  }
0x2f5: {  	v19 =	vadd.s32 v1, v19;
	v20 =	vand.u32 $0x7F, v61  }
0x2f6: {  	v62 =	vor.u32 v0, v20;
	_ =	sdelay $0x1  }
0x2f7: {  	v18 =	vmul.f32 v18, v8;
	_ =	sdelay $0x1  }
0x2f8: {  	[tilespmem:v19+s13+$0x0] =	vst.idx.msk $0xffff, v18  }
0x2f9: {  	v18 =	vld.idx.msk [tilespmem:v62+s22+$0x0], $0xffff;
	_ =	sdelay $0x1  }
0x2fa: {  	v19 =	vadd.s32 v1, v20  }
0x2fb: {  	v63 =	vor.u32 v3, v14;
	_ =	sdelay $0x1  }
0x2fc: {  	v8 =	vmul.f32 v18, v8;
	_ =	sdelay $0x1  }
0x2fd: {  	[tilespmem:v19+s13+$0x0] =	vst.idx.msk $0xffff, v8  }
0x2fe: {  	v18 =	vld.idx.msk [tilespmem:v63+s22+$0x0], $0xffff  }
0x2ff: {  	v8 =	vadd.s32 $0x880, v1  }
0x300: {  	v14 =	vadd.s32 v8, v14  }
0x301: {  	v19 =	vor.u32 v3, v15;
	_ =	sdelay $0x1  }
0x302: {  	v18 =	vmul.f32 v18, v9;
	_ =	sdelay $0x1  }
0x303: {  	[tilespmem:v14+s13+$0x0] =	vst.idx.msk $0xffff, v18  }
0x304: {  	v14 =	vld.idx.msk [tilespmem:v19+s22+$0x0], $0xffff;
	_ =	sdelay $0x1  }
0x305: {  	v15 =	vadd.s32 v8, v15  }
0x306: {  	v18 =	vor.u32 v3, v16;
	_ =	sdelay $0x1  }
0x307: {  	v14 =	vmul.f32 v14, v9;
	_ =	sdelay $0x1  }
0x308: {  	[tilespmem:v15+s13+$0x0] =	vst.idx.msk $0xffff, v14  }
0x309: {  	v14 =	vld.idx.msk [tilespmem:v18+s22+$0x0], $0xffff;
	_ =	sdelay $0x1  }
0x30a: {  	v15 =	vadd.s32 v8, v16  }
0x30b: {  	v16 =	vor.u32 v3, v17;
	_ =	sdelay $0x1  }
0x30c: {  	v14 =	vmul.f32 v14, v9;
	_ =	sdelay $0x1  }
0x30d: {  	[tilespmem:v15+s13+$0x0] =	vst.idx.msk $0xffff, v14  }
0x30e: {  	v18 =	vld.idx.msk [tilespmem:v16+s22+$0x0], $0xffff  }
0x30f: {  	v14 =	vmov s10  }
0x310: {  	v14 =	vand.u32 $0x7C, v14;
	v16 =	vadd.s32 v8, v17  }
0x311: {  	v15 =	vor.u32 v3, v14;
	_ =	sdelay $0x1  }
0x312: {  	s1 =	simm.s32 $0x8;
	v17 =	vmul.f32 v18, v9  }
.LBB2_17:
0x313: {  	_ = 	snop  }
0x314: {  	p0 =	sne.s32 s1, $0x7C;
	s2 =	smov.u32 s1;
	s1 =	sadd.s32 $0x4, s1;
	[tilespmem:v16+s13+$0x0] =	vst.idx.msk $0xffff, v17  }
0x315: {  	v15 =	vld.idx.msk [tilespmem:v15+s22+$0x0], $0xffff  }
0x316: {  	s11 =	sadd.s32 $0x1, s10  }
0x317: {  	v16 =	vmov s11  }
0x318: {  	v14 =	vadd.s32 v8, v14;
	v16 =	vand.u32 $0x7D, v16  }
0x319: {  	v17 =	vor.u32 v3, v16;
	v16 =	vadd.s32 v8, v16;
	_ =	sdelay $0x1  }
0x31a: {  	v15 =	vmul.f32 v15, v9;
	_ =	sdelay $0x1  }
0x31b: {  	[tilespmem:v14+s13+$0x0] =	vst.idx.msk $0xffff, v15  }
0x31c: {  	v14 =	vld.idx.msk [tilespmem:v17+s22+$0x0], $0xffff  }
0x31d: {  	s11 =	sadd.s32 $0x2, s10  }
0x31e: {  	v15 =	vmov s11  }
0x31f: {  	v15 =	vand.u32 $0x7E, v15  }
0x320: {  	v17 =	vor.u32 v3, v15;
	_ =	sdelay $0x1  }
0x321: {  	v14 =	vmul.f32 v14, v9;
	_ =	sdelay $0x1  }
0x322: {  	[tilespmem:v16+s13+$0x0] =	vst.idx.msk $0xffff, v14  }
0x323: {  	v14 =	vld.idx.msk [tilespmem:v17+s22+$0x0], $0xffff  }
0x324: {  	s11 =	sadd.s32 $0x3, s10;
	s10 =	smov.u32 s2  }
0x325: {  	v16 =	vmov s11  }
0x326: {  	v15 =	vadd.s32 v8, v15;
	v16 =	vand.u32 $0x7F, v16  }
0x327: {  	v17 =	vor.u32 v3, v16;
	_ =	sdelay $0x1  }
0x328: {  	v14 =	vmul.f32 v14, v9;
	_ =	sdelay $0x1  }
0x329: {  	[tilespmem:v15+s13+$0x0] =	vst.idx.msk $0xffff, v14  }
0x32a: {  	v17 =	vld.idx.msk [tilespmem:v17+s22+$0x0], $0xffff;
	_ =	sdelay $0x1  }
.Ltmp7:
0x32b: {  	v14 =	vmov s10;
	(pc) =	sbr.rel @p0 .LBB2_17-.Ltmp7, $3  }
0x32c: {  	v16 =	vadd.s32 v8, v16;
	v14 =	vand.u32 $0x7C, v14  }
0x32d: {  	v15 =	vor.u32 v3, v14;
	_ =	sdelay $0x1  }
0x32e: {  	v17 =	vmul.f32 v17, v9  }
0x32f: {  	_ =	sdelay $0x3  }
0x330: {  	[tilespmem:v16+s13+$0x0] =	vst.idx.msk $0xffff, v17  }
0x331: {  	s1 =	sadd.s32 $0x1, s10;
	v15 =	vld.idx.msk [tilespmem:v15+s22+$0x0], $0xffff  }
0x332: {  	v16 =	vmov s1  }
0x333: {  	v14 =	vadd.s32 v8, v14;
	v16 =	vand.u32 $0x7D, v16  }
0x334: {  	v17 =	vor.u32 v3, v16;
	_ =	sdelay $0x1  }
0x335: {  	v15 =	vmul.f32 v15, v9;
	_ =	sdelay $0x1  }
0x336: {  	[tilespmem:v14+s13+$0x0] =	vst.idx.msk $0xffff, v15  }
0x337: {  	s11 =	sadd.s32 $0x2, s10;
	v14 =	vld.idx.msk [tilespmem:v17+s22+$0x0], $0xffff  }
0x338: {  	v15 =	vmov s11  }
0x339: {  	v16 =	vadd.s32 v8, v16;
	v15 =	vand.u32 $0x7E, v15  }
0x33a: {  	v17 =	vor.u32 v3, v15;
	_ =	sdelay $0x1  }
0x33b: {  	v14 =	vmul.f32 v14, v9;
	_ =	sdelay $0x1  }
0x33c: {  	[tilespmem:v16+s13+$0x0] =	vst.idx.msk $0xffff, v14  }
0x33d: {  	s12 =	sadd.s32 $0x3, s10;
	v14 =	vld.idx.msk [tilespmem:v17+s22+$0x0], $0xffff  }
0x33e: {  	v16 =	vmov s12  }
0x33f: {  	v15 =	vadd.s32 v8, v15;
	v16 =	vand.u32 $0x7F, v16  }
0x340: {  	v17 =	vor.u32 v3, v16;
	_ =	sdelay $0x1  }
0x341: {  	v14 =	vmul.f32 v14, v9;
	_ =	sdelay $0x1  }
0x342: {  	[tilespmem:v15+s13+$0x0] =	vst.idx.msk $0xffff, v14  }
0x343: {  	s2 =	simm.s32 $0x0;
	v14 =	vld.idx.msk [tilespmem:v17+s22+$0x0], $0xffff  }
0x344: {  	v15 =	vmov s2  }
0x345: {  	v16 =	vadd.s32 v8, v16;
	v8 =	vand.u32 $0x7C, v15  }
0x346: {  	v15 =	vor.u32 v5, v8;
	_ =	sdelay $0x1  }
0x347: {  	v9 =	vmul.f32 v14, v9;
	_ =	sdelay $0x1  }
0x348: {  	[tilespmem:v16+s13+$0x0] =	vst.idx.msk $0xffff, v9  }
0x349: {  	s10 =	simm.s32 $0x1;
	v14 =	vld.idx.msk [tilespmem:v15+s22+$0x0], $0xffff  }
0x34a: {  	v16 =	vadd.s32 $0x1100, v1;
	v9 =	vmov s10  }
0x34b: {  	v15 =	vadd.s32 v16, v8;
	v9 =	vand.u32 $0x7D, v9  }
0x34c: {  	v17 =	vor.u32 v5, v9;
	_ =	sdelay $0x1  }
0x34d: {  	v14 =	vmul.f32 v14, v10;
	_ =	sdelay $0x1  }
0x34e: {  	[tilespmem:v15+s13+$0x0] =	vst.idx.msk $0xffff, v14  }
0x34f: {  	s11 =	simm.s32 $0x2;
	v15 =	vld.idx.msk [tilespmem:v17+s22+$0x0], $0xffff  }
0x350: {  	v14 =	vmov s11  }
0x351: {  	v17 =	vadd.s32 v16, v9;
	v14 =	vand.u32 $0x7E, v14  }
0x352: {  	v18 =	vor.u32 v5, v14;
	_ =	sdelay $0x1  }
0x353: {  	v15 =	vmul.f32 v15, v10;
	_ =	sdelay $0x1  }
0x354: {  	[tilespmem:v17+s13+$0x0] =	vst.idx.msk $0xffff, v15  }
0x355: {  	s12 =	simm.s32 $0x3;
	v17 =	vld.idx.msk [tilespmem:v18+s22+$0x0], $0xffff  }
0x356: {  	v15 =	vmov s12  }
0x357: {  	v18 =	vadd.s32 v16, v14;
	v15 =	vand.u32 $0x7F, v15  }
0x358: {  	v19 =	vor.u32 v5, v15;
	_ =	sdelay $0x1  }
0x359: {  	v17 =	vmul.f32 v17, v10;
	_ =	sdelay $0x1  }
0x35a: {  	[tilespmem:v18+s13+$0x0] =	vst.idx.msk $0xffff, v17  }
0x35b: {  	s10 =	simm.s32 $0x4;
	v20 =	vld.idx.msk [tilespmem:v19+s22+$0x0], $0xffff  }
0x35c: {  	v17 =	vmov s10  }
0x35d: {  	v17 =	vand.u32 $0x7C, v17;
	v19 =	vadd.s32 v16, v15  }
0x35e: {  	v18 =	vor.u32 v5, v17;
	_ =	sdelay $0x1  }
0x35f: {  	s1 =	simm.s32 $0x4;
	s11 =	simm.s32 $0x8;
	v20 =	vmul.f32 v20, v10  }
.LBB2_19:
0x360: {  	_ = 	snop  }
0x361: {  	p0 =	sne.s32 s11, $0x7C;
	s2 =	smov.u32 s11;
	s11 =	sadd.s32 $0x4, s11;
	[tilespmem:v19+s13+$0x0] =	vst.idx.msk $0xffff, v20  }
0x362: {  	v18 =	vld.idx.msk [tilespmem:v18+s22+$0x0], $0xffff  }
0x363: {  	s12 =	sadd.s32 $0x1, s1  }
0x364: {  	v19 =	vmov s12  }
0x365: {  	v17 =	vadd.s32 v16, v17;
	v19 =	vand.u32 $0x7D, v19  }
0x366: {  	v20 =	vor.u32 v5, v19;
	_ =	sdelay $0x1  }
0x367: {  	v18 =	vmul.f32 v18, v10;
	_ =	sdelay $0x1  }
0x368: {  	[tilespmem:v17+s13+$0x0] =	vst.idx.msk $0xffff, v18  }
0x369: {  	v17 =	vld.idx.msk [tilespmem:v20+s22+$0x0], $0xffff  }
0x36a: {  	s12 =	sadd.s32 $0x2, s1  }
0x36b: {  	v18 =	vmov s12  }
0x36c: {  	v19 =	vadd.s32 v16, v19;
	v18 =	vand.u32 $0x7E, v18  }
0x36d: {  	v20 =	vor.u32 v5, v18;
	_ =	sdelay $0x1  }
0x36e: {  	v17 =	vmul.f32 v17, v10;
	_ =	sdelay $0x1  }
0x36f: {  	[tilespmem:v19+s13+$0x0] =	vst.idx.msk $0xffff, v17  }
0x370: {  	v17 =	vld.idx.msk [tilespmem:v20+s22+$0x0], $0xffff  }
0x371: {  	s12 =	sadd.s32 $0x3, s1;
	s1 =	smov.u32 s2  }
0x372: {  	v19 =	vmov s12  }
0x373: {  	v18 =	vadd.s32 v16, v18;
	v19 =	vand.u32 $0x7F, v19  }
0x374: {  	v20 =	vor.u32 v5, v19;
	_ =	sdelay $0x1  }
0x375: {  	v17 =	vmul.f32 v17, v10;
	_ =	sdelay $0x1  }
0x376: {  	[tilespmem:v18+s13+$0x0] =	vst.idx.msk $0xffff, v17  }
0x377: {  	v20 =	vld.idx.msk [tilespmem:v20+s22+$0x0], $0xffff;
	_ =	sdelay $0x1  }
.Ltmp8:
0x378: {  	v17 =	vmov s1;
	(pc) =	sbr.rel @p0 .LBB2_19-.Ltmp8, $3  }
0x379: {  	v19 =	vadd.s32 v16, v19;
	v17 =	vand.u32 $0x7C, v17  }
0x37a: {  	v18 =	vor.u32 v5, v17;
	_ =	sdelay $0x1  }
0x37b: {  	v20 =	vmul.f32 v20, v10  }
0x37c: {  	_ =	sdelay $0x3  }
0x37d: {  	[tilespmem:v19+s13+$0x0] =	vst.idx.msk $0xffff, v20  }
0x37e: {  	s2 =	sadd.s32 $0x1, s1;
	v18 =	vld.idx.msk [tilespmem:v18+s22+$0x0], $0xffff  }
0x37f: {  	v57 =	vmov s2  }
0x380: {  	v17 =	vadd.s32 v16, v17;
	v19 =	vand.u32 $0x7D, v57  }
0x381: {  	v58 =	vor.u32 v5, v19;
	_ =	sdelay $0x1  }
0x382: {  	v18 =	vmul.f32 v18, v10;
	_ =	sdelay $0x1  }
0x383: {  	[tilespmem:v17+s13+$0x0] =	vst.idx.msk $0xffff, v18  }
0x384: {  	s11 =	sadd.s32 $0x2, s1;
	v17 =	vld.idx.msk [tilespmem:v58+s22+$0x0], $0xffff  }
0x385: {  	v59 =	vmov s11  }
0x386: {  	v19 =	vadd.s32 v16, v19;
	v18 =	vand.u32 $0x7E, v59  }
0x387: {  	v60 =	vor.u32 v5, v18;
	_ =	sdelay $0x1  }
0x388: {  	v17 =	vmul.f32 v17, v10;
	_ =	sdelay $0x1  }
0x389: {  	[tilespmem:v19+s13+$0x0] =	vst.idx.msk $0xffff, v17  }
0x38a: {  	s12 =	sadd.s32 $0x3, s1;
	v17 =	vld.idx.msk [tilespmem:v60+s22+$0x0], $0xffff  }
0x38b: {  	v61 =	vmov s12  }
0x38c: {  	v18 =	vadd.s32 v16, v18;
	v19 =	vand.u32 $0x7F, v61  }
0x38d: {  	v62 =	vor.u32 v5, v19;
	_ =	sdelay $0x1  }
0x38e: {  	v17 =	vmul.f32 v17, v10;
	_ =	sdelay $0x1  }
0x38f: {  	[tilespmem:v18+s13+$0x0] =	vst.idx.msk $0xffff, v17  }
0x390: {  	v17 =	vld.idx.msk [tilespmem:v62+s22+$0x0], $0xffff;
	_ =	sdelay $0x1  }
0x391: {  	v16 =	vadd.s32 v16, v19  }
0x392: {  	v63 =	vor.u32 v7, v8;
	_ =	sdelay $0x1  }
0x393: {  	v10 =	vmul.f32 v17, v10;
	_ =	sdelay $0x1  }
0x394: {  	[tilespmem:v16+s13+$0x0] =	vst.idx.msk $0xffff, v10  }
0x395: {  	v16 =	vld.idx.msk [tilespmem:v63+s22+$0x0], $0xffff  }
0x396: {  	v10 =	vadd.s32 $0x1980, v1  }
0x397: {  	v8 =	vadd.s32 v10, v8  }
0x398: {  	v17 =	vor.u32 v7, v9;
	_ =	sdelay $0x1  }
0x399: {  	v16 =	vmul.f32 v16, v12;
	_ =	sdelay $0x1  }
0x39a: {  	[tilespmem:v8+s13+$0x0] =	vst.idx.msk $0xffff, v16  }
0x39b: {  	v8 =	vld.idx.msk [tilespmem:v17+s22+$0x0], $0xffff;
	_ =	sdelay $0x1  }
0x39c: {  	v9 =	vadd.s32 v10, v9  }
0x39d: {  	v16 =	vor.u32 v7, v14;
	_ =	sdelay $0x1  }
0x39e: {  	v8 =	vmul.f32 v8, v12;
	_ =	sdelay $0x1  }
0x39f: {  	[tilespmem:v9+s13+$0x0] =	vst.idx.msk $0xffff, v8  }
0x3a0: {  	v8 =	vld.idx.msk [tilespmem:v16+s22+$0x0], $0xffff;
	_ =	sdelay $0x1  }
0x3a1: {  	v9 =	vadd.s32 v10, v14  }
0x3a2: {  	v14 =	vor.u32 v7, v15;
	_ =	sdelay $0x1  }
0x3a3: {  	v8 =	vmul.f32 v8, v12;
	_ =	sdelay $0x1  }
0x3a4: {  	[tilespmem:v9+s13+$0x0] =	vst.idx.msk $0xffff, v8  }
0x3a5: {  	v16 =	vld.idx.msk [tilespmem:v14+s22+$0x0], $0xffff  }
0x3a6: {  	v8 =	vmov s10  }
0x3a7: {  	v8 =	vand.u32 $0x7C, v8;
	v14 =	vadd.s32 v10, v15  }
0x3a8: {  	v9 =	vor.u32 v7, v8;
	_ =	sdelay $0x1  }
0x3a9: {  	s1 =	simm.s32 $0x8;
	v15 =	vmul.f32 v16, v12  }
.LBB2_21:
0x3aa: {  	_ = 	snop  }
0x3ab: {  	p0 =	sne.s32 s1, $0x7C;
	s2 =	smov.u32 s1;
	s1 =	sadd.s32 $0x4, s1;
	[tilespmem:v14+s13+$0x0] =	vst.idx.msk $0xffff, v15  }
0x3ac: {  	v9 =	vld.idx.msk [tilespmem:v9+s22+$0x0], $0xffff  }
0x3ad: {  	s11 =	sadd.s32 $0x1, s10  }
0x3ae: {  	v14 =	vmov s11  }
0x3af: {  	v8 =	vadd.s32 v10, v8;
	v14 =	vand.u32 $0x7D, v14  }
0x3b0: {  	v15 =	vor.u32 v7, v14;
	_ =	sdelay $0x1  }
0x3b1: {  	v9 =	vmul.f32 v9, v12;
	_ =	sdelay $0x1  }
0x3b2: {  	[tilespmem:v8+s13+$0x0] =	vst.idx.msk $0xffff, v9  }
0x3b3: {  	v8 =	vld.idx.msk [tilespmem:v15+s22+$0x0], $0xffff  }
0x3b4: {  	s11 =	sadd.s32 $0x2, s10  }
0x3b5: {  	v9 =	vmov s11  }
0x3b6: {  	v14 =	vadd.s32 v10, v14;
	v9 =	vand.u32 $0x7E, v9  }
0x3b7: {  	v15 =	vor.u32 v7, v9;
	_ =	sdelay $0x1  }
0x3b8: {  	v8 =	vmul.f32 v8, v12;
	_ =	sdelay $0x1  }
0x3b9: {  	[tilespmem:v14+s13+$0x0] =	vst.idx.msk $0xffff, v8  }
0x3ba: {  	v8 =	vld.idx.msk [tilespmem:v15+s22+$0x0], $0xffff  }
0x3bb: {  	s11 =	sadd.s32 $0x3, s10;
	s10 =	smov.u32 s2  }
0x3bc: {  	v14 =	vmov s11  }
0x3bd: {  	v9 =	vadd.s32 v10, v9;
	v14 =	vand.u32 $0x7F, v14  }
0x3be: {  	v15 =	vor.u32 v7, v14;
	_ =	sdelay $0x1  }
0x3bf: {  	v8 =	vmul.f32 v8, v12;
	_ =	sdelay $0x1  }
0x3c0: {  	[tilespmem:v9+s13+$0x0] =	vst.idx.msk $0xffff, v8  }
0x3c1: {  	v15 =	vld.idx.msk [tilespmem:v15+s22+$0x0], $0xffff;
	_ =	sdelay $0x1  }
.Ltmp9:
0x3c2: {  	v8 =	vmov s10;
	(pc) =	sbr.rel @p0 .LBB2_21-.Ltmp9, $3  }
0x3c3: {  	v14 =	vadd.s32 v10, v14;
	v8 =	vand.u32 $0x7C, v8  }
0x3c4: {  	v9 =	vor.u32 v7, v8;
	_ =	sdelay $0x1  }
0x3c5: {  	v15 =	vmul.f32 v15, v12  }
0x3c6: {  	_ =	sdelay $0x3  }
0x3c7: {  	[tilespmem:v14+s13+$0x0] =	vst.idx.msk $0xffff, v15  }
0x3c8: {  	s1 =	sadd.s32 $0x1, s10;
	v9 =	vld.idx.msk [tilespmem:v9+s22+$0x0], $0xffff  }
0x3c9: {  	v14 =	vmov s1  }
0x3ca: {  	v8 =	vadd.s32 v10, v8;
	v14 =	vand.u32 $0x7D, v14  }
0x3cb: {  	v15 =	vor.u32 v7, v14;
	_ =	sdelay $0x1  }
0x3cc: {  	v9 =	vmul.f32 v9, v12;
	_ =	sdelay $0x1  }
0x3cd: {  	[tilespmem:v8+s13+$0x0] =	vst.idx.msk $0xffff, v9  }
0x3ce: {  	s11 =	sadd.s32 $0x2, s10;
	v8 =	vld.idx.msk [tilespmem:v15+s22+$0x0], $0xffff  }
0x3cf: {  	v9 =	vmov s11  }
0x3d0: {  	v14 =	vadd.s32 v10, v14;
	v9 =	vand.u32 $0x7E, v9  }
0x3d1: {  	v15 =	vor.u32 v7, v9;
	_ =	sdelay $0x1  }
0x3d2: {  	v8 =	vmul.f32 v8, v12;
	_ =	sdelay $0x1  }
0x3d3: {  	[tilespmem:v14+s13+$0x0] =	vst.idx.msk $0xffff, v8  }
0x3d4: {  	s12 =	sadd.s32 $0x3, s10;
	v8 =	vld.idx.msk [tilespmem:v15+s22+$0x0], $0xffff  }
0x3d5: {  	v14 =	vmov s12  }
0x3d6: {  	v9 =	vadd.s32 v10, v9;
	v14 =	vand.u32 $0x7F, v14  }
0x3d7: {  	v15 =	vor.u32 v7, v14;
	_ =	sdelay $0x1  }
0x3d8: {  	v8 =	vmul.f32 v8, v12;
	_ =	sdelay $0x1  }
0x3d9: {  	[tilespmem:v9+s13+$0x0] =	vst.idx.msk $0xffff, v8  }
0x3da: {  	s2 =	simm.s32 $0x0;
	v8 =	vld.idx.msk [tilespmem:v15+s22+$0x0], $0xffff  }
0x3db: {  	v9 =	vmov s2  }
0x3dc: {  	v10 =	vadd.s32 v10, v14;
	v9 =	vand.u32 $0x7C, v9  }
0x3dd: {  	v14 =	vor.u32 v11, v9;
	_ =	sdelay $0x1  }
0x3de: {  	v8 =	vmul.f32 v8, v12;
	_ =	sdelay $0x1  }
0x3df: {  	[tilespmem:v10+s13+$0x0] =	vst.idx.msk $0xffff, v8  }
0x3e0: {  	s10 =	simm.s32 $0x1;
	v10 =	vld.idx.msk [tilespmem:v14+s22+$0x0], $0xffff  }
0x3e1: {  	v12 =	vmov s10;
	v8 =	vadd.s32 $0x2200, v1  }
0x3e2: {  	v12 =	vand.u32 $0x7D, v12;
	v9 =	vadd.s32 v8, v9  }
0x3e3: {  	v14 =	vor.u32 v11, v12;
	_ =	sdelay $0x1  }
0x3e4: {  	v10 =	vmul.f32 v10, v13;
	_ =	sdelay $0x1  }
0x3e5: {  	[tilespmem:v9+s13+$0x0] =	vst.idx.msk $0xffff, v10  }
0x3e6: {  	s11 =	simm.s32 $0x2;
	v9 =	vld.idx.msk [tilespmem:v14+s22+$0x0], $0xffff  }
0x3e7: {  	v10 =	vmov s11  }
0x3e8: {  	v12 =	vadd.s32 v8, v12;
	v10 =	vand.u32 $0x7E, v10  }
0x3e9: {  	v14 =	vor.u32 v11, v10;
	_ =	sdelay $0x1  }
0x3ea: {  	v9 =	vmul.f32 v9, v13;
	_ =	sdelay $0x1  }
0x3eb: {  	[tilespmem:v12+s13+$0x0] =	vst.idx.msk $0xffff, v9  }
0x3ec: {  	s12 =	simm.s32 $0x3;
	v9 =	vld.idx.msk [tilespmem:v14+s22+$0x0], $0xffff  }
0x3ed: {  	v12 =	vmov s12  }
0x3ee: {  	v10 =	vadd.s32 v8, v10;
	v12 =	vand.u32 $0x7F, v12  }
0x3ef: {  	v14 =	vor.u32 v11, v12;
	_ =	sdelay $0x1  }
0x3f0: {  	v9 =	vmul.f32 v9, v13;
	_ =	sdelay $0x1  }
0x3f1: {  	[tilespmem:v10+s13+$0x0] =	vst.idx.msk $0xffff, v9  }
0x3f2: {  	s1 =	simm.s32 $0x4;
	v14 =	vld.idx.msk [tilespmem:v14+s22+$0x0], $0xffff  }
0x3f3: {  	v9 =	vmov s1  }
0x3f4: {  	v12 =	vadd.s32 v8, v12;
	v9 =	vand.u32 $0x7C, v9  }
0x3f5: {  	v10 =	vor.u32 v11, v9;
	_ =	sdelay $0x1  }
0x3f6: {  	s10 =	simm.s32 $0x8;
	v14 =	vmul.f32 v14, v13  }
.LBB2_23:
0x3f7: {  	_ = 	snop  }
0x3f8: {  	p0 =	sne.s32 s10, $0x7C;
	s2 =	smov.u32 s10;
	s10 =	sadd.s32 $0x4, s10;
	[tilespmem:v12+s13+$0x0] =	vst.idx.msk $0xffff, v14  }
0x3f9: {  	v10 =	vld.idx.msk [tilespmem:v10+s22+$0x0], $0xffff  }
0x3fa: {  	s11 =	sadd.s32 $0x1, s1  }
0x3fb: {  	v12 =	vmov s11  }
0x3fc: {  	v9 =	vadd.s32 v8, v9;
	v12 =	vand.u32 $0x7D, v12  }
0x3fd: {  	v14 =	vor.u32 v11, v12;
	_ =	sdelay $0x1  }
0x3fe: {  	v10 =	vmul.f32 v10, v13;
	_ =	sdelay $0x1  }
0x3ff: {  	[tilespmem:v9+s13+$0x0] =	vst.idx.msk $0xffff, v10  }
0x400: {  	v9 =	vld.idx.msk [tilespmem:v14+s22+$0x0], $0xffff  }
0x401: {  	s11 =	sadd.s32 $0x2, s1  }
0x402: {  	v10 =	vmov s11  }
0x403: {  	v12 =	vadd.s32 v8, v12;
	v10 =	vand.u32 $0x7E, v10  }
0x404: {  	v14 =	vor.u32 v11, v10;
	_ =	sdelay $0x1  }
0x405: {  	v9 =	vmul.f32 v9, v13;
	_ =	sdelay $0x1  }
0x406: {  	[tilespmem:v12+s13+$0x0] =	vst.idx.msk $0xffff, v9  }
0x407: {  	v9 =	vld.idx.msk [tilespmem:v14+s22+$0x0], $0xffff  }
0x408: {  	s11 =	sadd.s32 $0x3, s1;
	s1 =	smov.u32 s2  }
0x409: {  	v12 =	vmov s11  }
0x40a: {  	v10 =	vadd.s32 v8, v10;
	v12 =	vand.u32 $0x7F, v12  }
0x40b: {  	v14 =	vor.u32 v11, v12;
	_ =	sdelay $0x1  }
0x40c: {  	v9 =	vmul.f32 v9, v13;
	_ =	sdelay $0x1  }
0x40d: {  	[tilespmem:v10+s13+$0x0] =	vst.idx.msk $0xffff, v9  }
0x40e: {  	v14 =	vld.idx.msk [tilespmem:v14+s22+$0x0], $0xffff;
	_ =	sdelay $0x1  }
.Ltmp10:
0x40f: {  	v9 =	vmov s1;
	(pc) =	sbr.rel @p0 .LBB2_23-.Ltmp10, $3  }
0x410: {  	v12 =	vadd.s32 v8, v12;
	v9 =	vand.u32 $0x7C, v9  }
0x411: {  	v10 =	vor.u32 v11, v9;
	_ =	sdelay $0x1  }
0x412: {  	v14 =	vmul.f32 v14, v13  }
0x413: {  	_ =	sdelay $0x3  }
0x414: {  	[tilespmem:v12+s13+$0x0] =	vst.idx.msk $0xffff, v14  }
0x415: {  	s2 =	sadd.s32 $0x1, s1;
	v10 =	vld.idx.msk [tilespmem:v10+s22+$0x0], $0xffff  }
0x416: {  	v58 =	vmov s2  }
0x417: {  	v9 =	vadd.s32 v8, v9;
	v12 =	vand.u32 $0x7D, v58  }
0x418: {  	v59 =	vor.u32 v11, v12;
	_ =	sdelay $0x1  }
0x419: {  	v10 =	vmul.f32 v10, v13;
	_ =	sdelay $0x1  }
0x41a: {  	[tilespmem:v9+s13+$0x0] =	vst.idx.msk $0xffff, v10  }
0x41b: {  	s11 =	sadd.s32 $0x2, s1;
	v9 =	vld.idx.msk [tilespmem:v59+s22+$0x0], $0xffff  }
0x41c: {  	v60 =	vmov s11  }
0x41d: {  	v12 =	vadd.s32 v8, v12;
	v10 =	vand.u32 $0x7E, v60  }
0x41e: {  	v61 =	vor.u32 v11, v10;
	_ =	sdelay $0x1  }
0x41f: {  	v9 =	vmul.f32 v9, v13;
	_ =	sdelay $0x1  }
0x420: {  	[tilespmem:v12+s13+$0x0] =	vst.idx.msk $0xffff, v9  }
0x421: {  	s12 =	sadd.s32 $0x3, s1;
	v9 =	vld.idx.msk [tilespmem:v61+s22+$0x0], $0xffff  }
0x422: {  	v62 =	vmov s12  }
0x423: {  	v10 =	vadd.s32 v8, v10;
	v12 =	vand.u32 $0x7F, v62  }
0x424: {  	v63 =	vor.u32 v11, v12;
	_ =	sdelay $0x1  }
0x425: {  	v9 =	vmul.f32 v9, v13;
	_ =	sdelay $0x1  }
0x426: {  	[tilespmem:v10+s13+$0x0] =	vst.idx.msk $0xffff, v9  }
0x427: {  	v9 =	vld.idx.msk [tilespmem:v63+s22+$0x0], $0xffff;
	_ =	sdelay $0x1  }
0x428: {  	v8 =	vadd.s32 v8, v12;
	_ =	sdelay $0x2  }
0x429: {  	s31 =	sadd.s32 $0x1, s31;
	v9 =	vmul.f32 v9, v13  }
0x42a: {  	p0 =	sne.s32 s31, $0x5  }
.Ltmp11:
0x42b: {  	s0 =	sadd.s32 $0x4B0, s0;
	[tilespmem:v8+s13+$0x0] =	vst.idx.msk $0xffff, v9;
	(pc) =	sbr.rel @p0 .LBB2_4-.Ltmp11, $4  }
0x42c: {  	[spmem:s5] =	stream.indirect.scatter.add.f32 [tilespmem:s13], [sflag:$0x5], $0x88, s0, s20, $0xb8;
	[tilespmem:$0x1F880] =	vst v63  }
0x42d: {  	_ =	swait.ge [sflag:s14], $0x2A80  }
0x42e: {  	[sflag:s14] =	ssyncset.done $0x0  }
0x42f: {  	[sflag:s14] =	ssyncadd.s32 $0xFFFFD580  }
0x430: {  	s29 =	sadd.s32 $0x1, s29  }
0x431: {  	p0 =	sne.s32 s29, $0x32  }
.Ltmp12:
0x432: {  	_ = 	snop;
	(pc) =	sbr.rel @p0 .LBB2_3-.Ltmp12, $1  }
0x433: {  	_ =	sdelay $0x3  }
0x434: {  	s0 =	rddreg [dreg:$0x8]  }
0x435: {  	s1 =	rddreg [dreg:$0x6]  }
0x436: {  	s3 =	stileid.u32;
	[bflag:$0x0] =	sbarrier.arrive $0xFFFF;
	s31 =	simm.s32 $0x5  }
0x437: {  	s0 =	sshrl.u32 s0, $0x3;
	s30 =	sshll.u32 s3, $0x6;
	s2 =	rddreg [dreg:$0x7]  }
0x438: {  	s0 =	sadd.s32 s1, s0;
	s1 =	sor.u32 $0x1C05, s30;
	s2 =	sshrl.u32 s2, $0x3  }
0x439: {  	[hbm:s0], [sflag:s1] =	dma.local [spmem:s2], $0x29F8  }
0x43a: {  	_ =	swait.ge [sflag:s31], $0x29F8  }
0x43b: {  	[sflag:s31] =	ssyncset.done $0x0  }
0x43c: {  	[sflag:s31] =	ssyncadd.s32 $0xFFFFD608  }
0x43d: {  	_ =	sfence.sel $0x180000  }
0x43e: {  	[bflag:$0x0] =	sbarrier.arrive $0xFFFF  }
0x43f: {  	_ =	strace $0x90000047  }
0x440: {  	[bflag:$0x2] =	sbarrier.arrive $0xFFFF  }
0x441: {  	p0 =	sne.s32 s3, $0x0;
	s0 =	rddreg [dreg:$0x5]  }
0x442: {  	s0 =	sadd.s32 @!p0 $0x100000, s0  }
0x443: {  	[sflag:s0] =	ssyncadd.tile.s32 @!p0 $0x1;
	_ =	shalt  }
.Lfunc_end2:
_tile_overlayer_lowered:
.L_overlay_start_2:
0x444: {  	(tag) =	ssettag $0x2  }
0x445: {  	s0 =	rddreg [dreg:$0x0];
	s2 =	stileid.u32  }
0x446: {  	s1 =	rddreg [dreg:$0x1];
	p0 =	sne.s32 s2, $0x0  }
0x447: {  	s3 =	rddreg [dreg:$0x2];
	[bflag:$0x3] =	sbarrier.arrive $0xFFFF;
	s2 =	simm.s32 @!p0 $0x1C05  }
0x448: {  	[timem:s3], [sflag:s2] =	dma.local @!p0 [hbm:s0], s1  }
0x449: {  	s0 =	simm.s32 @!p0 $0x5  }
0x44a: {  	_ =	swait.ge @!p0 [sflag:s0], s1  }
0x44b: {  	s1 =	ssub.s32 @!p0 $0x0, s1;
	[sflag:s0] =	ssyncset.done @!p0 $0x0  }
0x44c: {  	[sflag:s0] =	ssyncadd.s32 @!p0 s1  }
0x44d: {  	[bflag:$0x3] =	sbarrier.arrive $0xFFFF  }
0x44e: {  	_ =	shalt  }

</sc_bundles>
